<compile_context>
chip_gen: v7x
topology: tpu7x:2x2x1
jax: 0.10.2.dev20260603
libtpu: 0.0.44.dev20260713+nightly
codegen_flags: <defaults>
</compile_context>

<pallas_src>
import functools

import jax
import jax.numpy as jnp
from jax import lax
from jax.experimental import pallas as pl
from jax.experimental.pallas import tpu as pltpu
from jax.experimental.pallas import tpu_sc as plsc

D = 32
B = 16384 * 50

NC = 2
NS = 16
NW = NC * NS
B_PER_W = B // NW

G = 128
HALF = 4 * G
N_HALVES = B_PER_W // HALF
N_BLOCKS = N_HALVES // 2

TR = D // 8
TC_ALL = B // G

S2R = 40
S2W = 136

_mesh = plsc.VectorSubcoreMesh(core_axis_name="c", subcore_axis_name="s")


@functools.partial(
    pl.kernel,
    mesh=_mesh,
    out_type=jax.ShapeDtypeStruct((TR * TC_ALL * 8, G), jnp.float32),
    scratch_types=[
        pltpu.VMEM((8, G), jnp.int32),
        pltpu.VMEM((8, G), jnp.int32),
        pltpu.VMEM((HALF, D), jnp.float32),
        pltpu.VMEM((HALF, D), jnp.float32),
        pltpu.VMEM((TR * S2R, S2W), jnp.float32),
        pltpu.VMEM((TR * S2R, S2W), jnp.float32),
        pltpu.SemaphoreType.DMA,
        pltpu.SemaphoreType.DMA,
        pltpu.SemaphoreType.DMA,
        pltpu.SemaphoreType.DMA,
        pltpu.SemaphoreType.DMA,
        pltpu.SemaphoreType.DMA,
    ],
    compiler_params=pltpu.CompilerParams(
        use_tc_tiling_on_sc=False, needs_layout_passes=False),
)
def _gather_kernel(idx_hbm, table_hbm, out_hbm,
                   idxA, idxB, rows0, rows1, st0, st1,
                   isA, isB, gs0, gs1, os0, os1):
    wid = lax.axis_index("s") * NC + lax.axis_index("c")
    idx_row0 = wid * (B_PER_W // G)
    tc0_w = wid * (B_PER_W // G)

    idx_v = (idxA, idxB)
    rows_v = (rows0, rows1)
    st_v = (st0, st1)
    isem = (isA, isB)
    gsem = (gs0, gs1)
    osem = (os0, os1)

    iota16 = lax.iota(jnp.int32, 16)
    srow0 = (iota16 >> 3) * S2R + (iota16 & 7)
    srow1 = srow0 + 2 * S2R
    zeros16 = iota16 * 0

    def idx_load(tb, p):
        pltpu.make_async_copy(
            idx_hbm.at[pl.ds(idx_row0 + tb * 8, 8)], idx_v[p], isem[p]).start()

    def idx_wait(p):
        pltpu.make_async_copy(idx_hbm.at[pl.ds(0, 8)], idx_v[p], isem[p]).wait()

    def fire(rb, p, jbase):
        for j in range(4):
            pltpu.make_async_copy(
                table_hbm.at[idx_v[p].at[jbase + j]],
                rows_v[rb].at[pl.ds(j * G, G)], gsem[rb]).start()

    def drain(rb):
        pltpu.make_async_copy(
            table_hbm.at[pl.ds(0, HALF)], rows_v[rb], gsem[rb]).wait()

    def transpose_half(rb):
        def body(q, _):
            for u in range(4):
                r = q * 4 + u
                tcrel8 = (r >> 7) * 8
                col = r & (G - 1)
                colv = zeros16 + col
                r0v = srow0 + tcrel8
                r1v = srow1 + tcrel8
                v0 = rows_v[rb][r, pl.ds(0, 16)]
                v1 = rows_v[rb][r, pl.ds(16, 16)]
                plsc.store_scatter(st_v[rb], [r0v, colv], v0)
                plsc.store_scatter(st_v[rb], [r1v, colv], v1)
            return 0
        lax.fori_loop(0, HALF // 4, body, 0)

    def out_copies(h, rb, dummy):
        tc = tc0_w + h * 4
        for tr in range(TR):
            c = pltpu.make_async_copy(
                st_v[rb].at[pl.ds(tr * S2R, 32), pl.ds(0, G)],
                out_hbm.at[pl.ds((tr * TC_ALL + tc) * 8, 32)],
                osem[rb])
            if dummy:
                c.wait()
            else:
                c.start()

    def out_start(h, rb):
        out_copies(h, rb, False)

    def out_wait(rb):
        out_copies(0, rb, True)

    def finish_prev(h, rb_prev):
        drain(rb_prev)
        transpose_half(rb_prev)
        out_start(h - 1, rb_prev)

    idx_load(0, 0)
    idx_load(1, 1)
    idx_wait(0)
    fire(0, 0, 0)

    def quad(T, _):
        h = 4 * T + 1

        @pl.when(T > 0)
        def _():
            out_wait(1)
        fire(1, 0, 4)
        finish_prev(h, 0)

        h = 4 * T + 2
        idx_wait(1)
        out_wait(0)
        fire(0, 1, 0)
        finish_prev(h, 1)
        idx_load(2 * T + 2, 0)

        h = 4 * T + 3
        out_wait(1)
        fire(1, 1, 4)
        finish_prev(h, 0)

        h = 4 * T + 4
        idx_wait(0)
        out_wait(0)
        fire(0, 0, 0)
        finish_prev(h, 1)

        @pl.when(T < N_BLOCKS // 2 - 1)
        def _():
            idx_load(2 * T + 3, 1)

        return 0

    lax.fori_loop(0, (N_HALVES - 2) // 4, quad, 0)

    out_wait(1)
    fire(1, 0, 4)
    drain(0)
    transpose_half(0)
    out_start(48, 0)
    drain(1)
    transpose_half(1)
    out_start(49, 1)
    out_wait(0)
    out_wait(1)


def kernel(camera_ids, weight):
    ids = camera_ids.reshape(-1).astype(jnp.int32)
    idx2d = ids.reshape(B // G, G)
    out2d = _gather_kernel(idx2d, weight)
    out4d = out2d.reshape(TR, TC_ALL, 8, G)
    return out4d.transpose(1, 3, 0, 2).reshape(B, D)

# --- scband reference (transcript-rebuilt; emitter-appended) ---
"""Pipeline reference for scband-app-embedding-table-24352464570197 (READ-ONLY COPY).

The authoritative reference and input builder live on the scoring server;
editing this copy changes nothing except your own understanding.
"""

import jax, jax.numpy as jnp
import numpy as np

VOCAB = 1000000
EMBED_DIM = 32
BATCH = 16384
HIST_LEN = 50


def setup_inputs(seed: int = 0) -> dict:
    key = jax.random.key(seed)
    k_ids, k_w = jax.random.split(key)
    camera_ids = jax.random.randint(k_ids, (BATCH, HIST_LEN), 0, VOCAB, dtype=jnp.int64)
    weight = jax.random.normal(k_w, (VOCAB, EMBED_DIM), dtype=jnp.float32)
    return {"camera_ids": camera_ids, "weight": weight}


def reference(camera_ids, weight):
    # camera_ids = camera_ids.long().view(-1); return self.weight[camera_ids]
    ids = camera_ids.astype(jnp.int64).reshape(-1)
    return jnp.take(weight, ids, axis=0)

if __name__ == "__main__":
    import jax
    _d = setup_inputs()
    print(jax.jit(kernel)(*tuple(_d.values())))

</pallas_src>

<mosaic_0001>
#map = affine_map<(d0, d1) -> (0, 0)>
module attributes {stable_mosaic.version = 14 : i64} {
  func.func @_gather_kernel(%arg0: i32, %arg1: i32, %arg2: memref<6400x128xi32, #tpu.memory_space<hbm>>, %arg3: memref<1000000x32xf32, #tpu.memory_space<hbm>>, %arg4: memref<204800x128xf32, #tpu.memory_space<hbm>>, %arg5: memref<8x128xi32, #tpu.memory_space<vmem>>, %arg6: memref<8x128xi32, #tpu.memory_space<vmem>>, %arg7: memref<512x32xf32, #tpu.memory_space<vmem>>, %arg8: memref<512x32xf32, #tpu.memory_space<vmem>>, %arg9: memref<160x136xf32, #tpu.memory_space<vmem>>, %arg10: memref<160x136xf32, #tpu.memory_space<vmem>>, %arg11: memref<!tpu.dma_semaphore, #tpu.memory_space<semaphore_mem>>, %arg12: memref<!tpu.dma_semaphore, #tpu.memory_space<semaphore_mem>>, %arg13: memref<!tpu.dma_semaphore, #tpu.memory_space<semaphore_mem>>, %arg14: memref<!tpu.dma_semaphore, #tpu.memory_space<semaphore_mem>>, %arg15: memref<!tpu.dma_semaphore, #tpu.memory_space<semaphore_mem>>, %arg16: memref<!tpu.dma_semaphore, #tpu.memory_space<semaphore_mem>>) attributes {dimension_semantics = [#tpu.dimension_semantics<core_parallel>, #tpu.dimension_semantics<subcore_parallel>], iteration_bounds = array<i64: 2, 16>, scalar_prefetch = 0 : i64, scratch_operands = 12 : i64, tpu.core_type = #tpu.core_type<sc_vector_subcore>, window_params = [{transform_indices = #map}, {transform_indices = #map}, {transform_indices = #map}]} {
    %mul3A = arith.constant 2 : i32
    %mul3A_0 = arith.muli %arg1, %mul3A : i32
    %add3A = arith.addi %mul3A_0, %arg0 : i32
    %mul3A_1 = arith.constant 200 : i32
    %mul3A_2 = arith.muli %add3A, %mul3A_1 : i32
    %mul3A_3 = arith.constant 200 : i32
    %mul3A_4 = arith.muli %add3A, %mul3A_3 : i32
    %iota3A = tpu.iota {dimensions = array<i32: 0>} : vector<16xi32>
    %shift_right_arithmetic3A = arith.constant 3 : i32
    %shift_right_arithmetic3A_5 = vector.broadcast %shift_right_arithmetic3A : i32 to vector<16xi32>
    %shift_right_arithmetic3A_6 = arith.shrsi %iota3A, %shift_right_arithmetic3A_5 : vector<16xi32>
    %mul3A_7 = arith.constant 40 : i32
    %mul3A_8 = vector.broadcast %mul3A_7 : i32 to vector<16xi32>
    %mul3A_9 = arith.muli %shift_right_arithmetic3A_6, %mul3A_8 : vector<16xi32>
    %and3A = arith.constant 7 : i32
    %and3A_10 = vector.broadcast %and3A : i32 to vector<16xi32>
    %and3A_11 = arith.andi %iota3A, %and3A_10 : vector<16xi32>
    %add3A_12 = arith.addi %mul3A_9, %and3A_11 : vector<16xi32>
    %add3A_13 = arith.constant 80 : i32
    %add3A_14 = vector.broadcast %add3A_13 : i32 to vector<16xi32>
    %add3A_15 = arith.addi %add3A_12, %add3A_14 : vector<16xi32>
    %mul3A_16 = arith.constant 0 : i32
    %mul3A_17 = vector.broadcast %mul3A_16 : i32 to vector<16xi32>
    %mul3A_18 = arith.muli %iota3A, %mul3A_17 : vector<16xi32>
    %add3A_19 = arith.constant 0 : i32
    %add3A_20 = arith.addi %mul3A_2, %add3A_19 : i32
    %dma_start3A = arith.constant 0 : i32
    %dma_start3A_21 = tpu.memref_slice %arg2[%add3A_20, %dma_start3A] : memref<6400x128xi32, #tpu.memory_space<hbm>> -> memref<8x128xi32, #tpu.memory_space<hbm>>
    %dma_start3A_22 = arith.constant 0 : i32
    %dma_start3A_23 = tpu.memref_slice %arg2[%add3A_20, %dma_start3A_22] : memref<6400x128xi32, #tpu.memory_space<hbm>> -> memref<8x128xi32, #tpu.memory_space<hbm>>
    tpu.enqueue_dma source(%dma_start3A_23 : memref<8x128xi32, #tpu.memory_space<hbm>>) target(%arg5 : memref<8x128xi32, #tpu.memory_space<vmem>>) target_semaphore(%arg11 : memref<!tpu.dma_semaphore, #tpu.memory_space<semaphore_mem>>)
    %add3A_24 = arith.constant 8 : i32
    %add3A_25 = arith.addi %mul3A_2, %add3A_24 : i32
    %dma_start3A_26 = arith.constant 0 : i32
    %dma_start3A_27 = tpu.memref_slice %arg2[%add3A_25, %dma_start3A_26] : memref<6400x128xi32, #tpu.memory_space<hbm>> -> memref<8x128xi32, #tpu.memory_space<hbm>>
    %dma_start3A_28 = arith.constant 0 : i32
    %dma_start3A_29 = tpu.memref_slice %arg2[%add3A_25, %dma_start3A_28] : memref<6400x128xi32, #tpu.memory_space<hbm>> -> memref<8x128xi32, #tpu.memory_space<hbm>>
    tpu.enqueue_dma source(%dma_start3A_29 : memref<8x128xi32, #tpu.memory_space<hbm>>) target(%arg6 : memref<8x128xi32, #tpu.memory_space<vmem>>) target_semaphore(%arg12 : memref<!tpu.dma_semaphore, #tpu.memory_space<semaphore_mem>>)
    %dma_wait3A = arith.constant 0 : i32
    %dma_wait3A_30 = arith.constant 0 : i32
    %dma_wait3A_31 = tpu.memref_slice %arg2[%dma_wait3A, %dma_wait3A_30] : memref<6400x128xi32, #tpu.memory_space<hbm>> -> memref<8x128xi32, #tpu.memory_space<hbm>>
    %dma_wait3A_32 = arith.constant 0 : i32
    %dma_wait3A_33 = arith.constant 0 : i32
    %dma_wait3A_34 = tpu.memref_slice %arg2[%dma_wait3A_32, %dma_wait3A_33] : memref<6400x128xi32, #tpu.memory_space<hbm>> -> memref<8x128xi32, #tpu.memory_space<hbm>>
    tpu.wait_dma2 semaphore(%arg11 : memref<!tpu.dma_semaphore, #tpu.memory_space<semaphore_mem>>) src(%dma_wait3A_34 : memref<8x128xi32, #tpu.memory_space<hbm>>) dst(%arg5 : memref<8x128xi32, #tpu.memory_space<vmem>>)
    %dma_start3A_35 = arith.constant 0 : i32
    %dma_start3A_36 = arith.constant 0 : i32
    %dma_start3A_37 = arith.constant 0 : i32
    %dma_start3A_38 = tpu.memref_slice %arg7[%dma_start3A_36, %dma_start3A_37] : memref<512x32xf32, #tpu.memory_space<vmem>> -> memref<128x32xf32, #tpu.memory_space<vmem>>
    %dma_start3A_39 = arith.constant 0 : i32
    %dma_start3A_40 = tpu.memref_slice %arg5[%dma_start3A_35, %dma_start3A_39] : memref<8x128xi32, #tpu.memory_space<vmem>> -> memref<1x128xi32, #tpu.memory_space<vmem>>
    %dma_start3A_41 = tpu.memref_squeeze %dma_start3A_40 : memref<1x128xi32, #tpu.memory_space<vmem>> -> memref<128xi32, #tpu.memory_space<vmem>>
    %dma_start3A_42 = arith.constant 0 : i32
    %dma_start3A_43 = arith.constant 0 : i32
    %dma_start3A_44 = tpu.memref_slice %arg3[%dma_start3A_42, %dma_start3A_43] : memref<1000000x32xf32, #tpu.memory_space<hbm>> -> memref<1000000x32xf32, #tpu.memory_space<hbm>>
    tpu.enqueue_indirect_dma source(%dma_start3A_44 : memref<1000000x32xf32, #tpu.memory_space<hbm>>) target(%dma_start3A_38 : memref<128x32xf32, #tpu.memory_space<vmem>>) offsets(%dma_start3A_41 : memref<128xi32, #tpu.memory_space<vmem>>) semaphore(%arg13 : memref<!tpu.dma_semaphore, #tpu.memory_space<semaphore_mem>>)
    %dma_start3A_45 = arith.constant 1 : i32
    %dma_start3A_46 = arith.constant 128 : i32
    %dma_start3A_47 = arith.constant 0 : i32
    %dma_start3A_48 = tpu.memref_slice %arg7[%dma_start3A_46, %dma_start3A_47] : memref<512x32xf32, #tpu.memory_space<vmem>> -> memref<128x32xf32, #tpu.memory_space<vmem>>
    %dma_start3A_49 = arith.constant 0 : i32
    %dma_start3A_50 = tpu.memref_slice %arg5[%dma_start3A_45, %dma_start3A_49] : memref<8x128xi32, #tpu.memory_space<vmem>> -> memref<1x128xi32, #tpu.memory_space<vmem>>
    %dma_start3A_51 = tpu.memref_squeeze %dma_start3A_50 : memref<1x128xi32, #tpu.memory_space<vmem>> -> memref<128xi32, #tpu.memory_space<vmem>>
    %dma_start3A_52 = arith.constant 0 : i32
    %dma_start3A_53 = arith.constant 0 : i32
    %dma_start3A_54 = tpu.memref_slice %arg3[%dma_start3A_52, %dma_start3A_53] : memref<1000000x32xf32, #tpu.memory_space<hbm>> -> memref<1000000x32xf32, #tpu.memory_space<hbm>>
    tpu.enqueue_indirect_dma source(%dma_start3A_54 : memref<1000000x32xf32, #tpu.memory_space<hbm>>) target(%dma_start3A_48 : memref<128x32xf32, #tpu.memory_space<vmem>>) offsets(%dma_start3A_51 : memref<128xi32, #tpu.memory_space<vmem>>) semaphore(%arg13 : memref<!tpu.dma_semaphore, #tpu.memory_space<semaphore_mem>>)
    %dma_start3A_55 = arith.constant 2 : i32
    %dma_start3A_56 = arith.constant 256 : i32
    %dma_start3A_57 = arith.constant 0 : i32
    %dma_start3A_58 = tpu.memref_slice %arg7[%dma_start3A_56, %dma_start3A_57] : memref<512x32xf32, #tpu.memory_space<vmem>> -> memref<128x32xf32, #tpu.memory_space<vmem>>
    %dma_start3A_59 = arith.constant 0 : i32
    %dma_start3A_60 = tpu.memref_slice %arg5[%dma_start3A_55, %dma_start3A_59] : memref<8x128xi32, #tpu.memory_space<vmem>> -> memref<1x128xi32, #tpu.memory_space<vmem>>
    %dma_start3A_61 = tpu.memref_squeeze %dma_start3A_60 : memref<1x128xi32, #tpu.memory_space<vmem>> -> memref<128xi32, #tpu.memory_space<vmem>>
    %dma_start3A_62 = arith.constant 0 : i32
    %dma_start3A_63 = arith.constant 0 : i32
    %dma_start3A_64 = tpu.memref_slice %arg3[%dma_start3A_62, %dma_start3A_63] : memref<1000000x32xf32, #tpu.memory_space<hbm>> -> memref<1000000x32xf32, #tpu.memory_space<hbm>>
    tpu.enqueue_indirect_dma source(%dma_start3A_64 : memref<1000000x32xf32, #tpu.memory_space<hbm>>) target(%dma_start3A_58 : memref<128x32xf32, #tpu.memory_space<vmem>>) offsets(%dma_start3A_61 : memref<128xi32, #tpu.memory_space<vmem>>) semaphore(%arg13 : memref<!tpu.dma_semaphore, #tpu.memory_space<semaphore_mem>>)
    %dma_start3A_65 = arith.constant 3 : i32
    %dma_start3A_66 = arith.constant 384 : i32
    %dma_start3A_67 = arith.constant 0 : i32
    %dma_start3A_68 = tpu.memref_slice %arg7[%dma_start3A_66, %dma_start3A_67] : memref<512x32xf32, #tpu.memory_space<vmem>> -> memref<128x32xf32, #tpu.memory_space<vmem>>
    %dma_start3A_69 = arith.constant 0 : i32
    %dma_start3A_70 = tpu.memref_slice %arg5[%dma_start3A_65, %dma_start3A_69] : memref<8x128xi32, #tpu.memory_space<vmem>> -> memref<1x128xi32, #tpu.memory_space<vmem>>
    %dma_start3A_71 = tpu.memref_squeeze %dma_start3A_70 : memref<1x128xi32, #tpu.memory_space<vmem>> -> memref<128xi32, #tpu.memory_space<vmem>>
    %dma_start3A_72 = arith.constant 0 : i32
    %dma_start3A_73 = arith.constant 0 : i32
    %dma_start3A_74 = tpu.memref_slice %arg3[%dma_start3A_72, %dma_start3A_73] : memref<1000000x32xf32, #tpu.memory_space<hbm>> -> memref<1000000x32xf32, #tpu.memory_space<hbm>>
    tpu.enqueue_indirect_dma source(%dma_start3A_74 : memref<1000000x32xf32, #tpu.memory_space<hbm>>) target(%dma_start3A_68 : memref<128x32xf32, #tpu.memory_space<vmem>>) offsets(%dma_start3A_71 : memref<128xi32, #tpu.memory_space<vmem>>) semaphore(%arg13 : memref<!tpu.dma_semaphore, #tpu.memory_space<semaphore_mem>>)
    %scan3A = arith.constant 0 : i32
    %scan3A_75 = arith.constant 0 : i32
    %scan3A_76 = arith.constant 12 : i32
    %scan3A_77 = arith.addi %scan3A_75, %scan3A_76 : i32
    %scan3A_78 = arith.constant 1 : i32
    %scan3A_79 = scf.for %scan3A_437 = %scan3A_75 to %scan3A_77 step %scan3A_78 iter_args(%scan3A_438 = %scan3A) -> (i32)  : i32 {
      %mul3A_439 = arith.constant 4 : i32
      %mul3A_440 = arith.muli %mul3A_439, %scan3A_437 : i32
      %add3A_441 = arith.constant 1 : i32
      %add3A_442 = arith.addi %mul3A_440, %add3A_441 : i32
      %gt3A = arith.constant 0 : i32
      %gt3A_443 = arith.cmpi sgt, %scan3A_437, %gt3A : i32
      %convert_element_type3A = arith.extui %gt3A_443 : i1 to i32
      %cond3A = arith.constant 0 : i32
      %cond3A_444 = arith.cmpi ne, %convert_element_type3A, %cond3A : i32
      scf.if %cond3A_444 {
        %add3A_1114 = arith.constant 0 : i32
        %add3A_1115 = arith.addi %mul3A_4, %add3A_1114 : i32
        %add3A_1116 = arith.constant 0 : i32
        %add3A_1117 = arith.addi %add3A_1116, %add3A_1115 : i32
        %mul3A_1118 = arith.constant 8 : i32
        %mul3A_1119 = arith.muli %add3A_1117, %mul3A_1118 : i32
        %dma_wait3A_1120 = arith.constant 0 : i32
        %dma_wait3A_1121 = arith.constant 0 : i32
        %dma_wait3A_1122 = tpu.memref_slice %arg10[%dma_wait3A_1120, %dma_wait3A_1121] : memref<160x136xf32, #tpu.memory_space<vmem>> -> memref<32x128xf32, #tpu.memory_space<vmem>>
        %dma_wait3A_1123 = arith.constant 0 : i32
        %dma_wait3A_1124 = tpu.memref_slice %arg4[%mul3A_1119, %dma_wait3A_1123] : memref<204800x128xf32, #tpu.memory_space<hbm>> -> memref<32x128xf32, #tpu.memory_space<hbm>>
        %dma_wait3A_1125 = arith.constant 0 : i32
        %dma_wait3A_1126 = tpu.memref_slice %arg4[%mul3A_1119, %dma_wait3A_1125] : memref<204800x128xf32, #tpu.memory_space<hbm>> -> memref<32x128xf32, #tpu.memory_space<hbm>>
        %dma_wait3A_1127 = arith.constant 0 : i32
        %dma_wait3A_1128 = arith.constant 0 : i32
        %dma_wait3A_1129 = tpu.memref_slice %arg10[%dma_wait3A_1127, %dma_wait3A_1128] : memref<160x136xf32, #tpu.memory_space<vmem>> -> memref<32x128xf32, #tpu.memory_space<vmem>>
        tpu.wait_dma2 semaphore(%arg16 : memref<!tpu.dma_semaphore, #tpu.memory_space<semaphore_mem>>) src(%dma_wait3A_1129 : memref<32x128xf32, #tpu.memory_space<vmem>>) dst(%dma_wait3A_1126 : memref<32x128xf32, #tpu.memory_space<hbm>>)
        %add3A_1130 = arith.constant 6400 : i32
        %add3A_1131 = arith.addi %add3A_1130, %add3A_1115 : i32
        %mul3A_1132 = arith.constant 8 : i32
        %mul3A_1133 = arith.muli %add3A_1131, %mul3A_1132 : i32
        %dma_wait3A_1134 = arith.constant 40 : i32
        %dma_wait3A_1135 = arith.constant 0 : i32
        %dma_wait3A_1136 = tpu.memref_slice %arg10[%dma_wait3A_1134, %dma_wait3A_1135] : memref<160x136xf32, #tpu.memory_space<vmem>> -> memref<32x128xf32, #tpu.memory_space<vmem>>
        %dma_wait3A_1137 = arith.constant 0 : i32
        %dma_wait3A_1138 = tpu.memref_slice %arg4[%mul3A_1133, %dma_wait3A_1137] : memref<204800x128xf32, #tpu.memory_space<hbm>> -> memref<32x128xf32, #tpu.memory_space<hbm>>
        %dma_wait3A_1139 = arith.constant 0 : i32
        %dma_wait3A_1140 = tpu.memref_slice %arg4[%mul3A_1133, %dma_wait3A_1139] : memref<204800x128xf32, #tpu.memory_space<hbm>> -> memref<32x128xf32, #tpu.memory_space<hbm>>
        %dma_wait3A_1141 = arith.constant 40 : i32
        %dma_wait3A_1142 = arith.constant 0 : i32
        %dma_wait3A_1143 = tpu.memref_slice %arg10[%dma_wait3A_1141, %dma_wait3A_1142] : memref<160x136xf32, #tpu.memory_space<vmem>> -> memref<32x128xf32, #tpu.memory_space<vmem>>
        tpu.wait_dma2 semaphore(%arg16 : memref<!tpu.dma_semaphore, #tpu.memory_space<semaphore_mem>>) src(%dma_wait3A_1143 : memref<32x128xf32, #tpu.memory_space<vmem>>) dst(%dma_wait3A_1140 : memref<32x128xf32, #tpu.memory_space<hbm>>)
        %add3A_1144 = arith.constant 12800 : i32
        %add3A_1145 = arith.addi %add3A_1144, %add3A_1115 : i32
        %mul3A_1146 = arith.constant 8 : i32
        %mul3A_1147 = arith.muli %add3A_1145, %mul3A_1146 : i32
        %dma_wait3A_1148 = arith.constant 80 : i32
        %dma_wait3A_1149 = arith.constant 0 : i32
        %dma_wait3A_1150 = tpu.memref_slice %arg10[%dma_wait3A_1148, %dma_wait3A_1149] : memref<160x136xf32, #tpu.memory_space<vmem>> -> memref<32x128xf32, #tpu.memory_space<vmem>>
        %dma_wait3A_1151 = arith.constant 0 : i32
        %dma_wait3A_1152 = tpu.memref_slice %arg4[%mul3A_1147, %dma_wait3A_1151] : memref<204800x128xf32, #tpu.memory_space<hbm>> -> memref<32x128xf32, #tpu.memory_space<hbm>>
        %dma_wait3A_1153 = arith.constant 0 : i32
        %dma_wait3A_1154 = tpu.memref_slice %arg4[%mul3A_1147, %dma_wait3A_1153] : memref<204800x128xf32, #tpu.memory_space<hbm>> -> memref<32x128xf32, #tpu.memory_space<hbm>>
        %dma_wait3A_1155 = arith.constant 80 : i32
        %dma_wait3A_1156 = arith.constant 0 : i32
        %dma_wait3A_1157 = tpu.memref_slice %arg10[%dma_wait3A_1155, %dma_wait3A_1156] : memref<160x136xf32, #tpu.memory_space<vmem>> -> memref<32x128xf32, #tpu.memory_space<vmem>>
        tpu.wait_dma2 semaphore(%arg16 : memref<!tpu.dma_semaphore, #tpu.memory_space<semaphore_mem>>) src(%dma_wait3A_1157 : memref<32x128xf32, #tpu.memory_space<vmem>>) dst(%dma_wait3A_1154 : memref<32x128xf32, #tpu.memory_space<hbm>>)
        %add3A_1158 = arith.constant 19200 : i32
        %add3A_1159 = arith.addi %add3A_1158, %add3A_1115 : i32
        %mul3A_1160 = arith.constant 8 : i32
        %mul3A_1161 = arith.muli %add3A_1159, %mul3A_1160 : i32
        %dma_wait3A_1162 = arith.constant 120 : i32
        %dma_wait3A_1163 = arith.constant 0 : i32
        %dma_wait3A_1164 = tpu.memref_slice %arg10[%dma_wait3A_1162, %dma_wait3A_1163] : memref<160x136xf32, #tpu.memory_space<vmem>> -> memref<32x128xf32, #tpu.memory_space<vmem>>
        %dma_wait3A_1165 = arith.constant 0 : i32
        %dma_wait3A_1166 = tpu.memref_slice %arg4[%mul3A_1161, %dma_wait3A_1165] : memref<204800x128xf32, #tpu.memory_space<hbm>> -> memref<32x128xf32, #tpu.memory_space<hbm>>
        %dma_wait3A_1167 = arith.constant 0 : i32
        %dma_wait3A_1168 = tpu.memref_slice %arg4[%mul3A_1161, %dma_wait3A_1167] : memref<204800x128xf32, #tpu.memory_space<hbm>> -> memref<32x128xf32, #tpu.memory_space<hbm>>
        %dma_wait3A_1169 = arith.constant 120 : i32
        %dma_wait3A_1170 = arith.constant 0 : i32
        %dma_wait3A_1171 = tpu.memref_slice %arg10[%dma_wait3A_1169, %dma_wait3A_1170] : memref<160x136xf32, #tpu.memory_space<vmem>> -> memref<32x128xf32, #tpu.memory_space<vmem>>
        tpu.wait_dma2 semaphore(%arg16 : memref<!tpu.dma_semaphore, #tpu.memory_space<semaphore_mem>>) src(%dma_wait3A_1171 : memref<32x128xf32, #tpu.memory_space<vmem>>) dst(%dma_wait3A_1168 : memref<32x128xf32, #tpu.memory_space<hbm>>)
      } else {
      }
      %dma_start3A_445 = arith.constant 4 : i32
      %dma_start3A_446 = arith.constant 0 : i32
      %dma_start3A_447 = arith.constant 0 : i32
      %dma_start3A_448 = tpu.memref_slice %arg8[%dma_start3A_446, %dma_start3A_447] : memref<512x32xf32, #tpu.memory_space<vmem>> -> memref<128x32xf32, #tpu.memory_space<vmem>>
      %dma_start3A_449 = arith.constant 0 : i32
      %dma_start3A_450 = tpu.memref_slice %arg5[%dma_start3A_445, %dma_start3A_449] : memref<8x128xi32, #tpu.memory_space<vmem>> -> memref<1x128xi32, #tpu.memory_space<vmem>>
      %dma_start3A_451 = tpu.memref_squeeze %dma_start3A_450 : memref<1x128xi32, #tpu.memory_space<vmem>> -> memref<128xi32, #tpu.memory_space<vmem>>
      %dma_start3A_452 = arith.constant 0 : i32
      %dma_start3A_453 = arith.constant 0 : i32
      %dma_start3A_454 = tpu.memref_slice %arg3[%dma_start3A_452, %dma_start3A_453] : memref<1000000x32xf32, #tpu.memory_space<hbm>> -> memref<1000000x32xf32, #tpu.memory_space<hbm>>
      tpu.enqueue_indirect_dma source(%dma_start3A_454 : memref<1000000x32xf32, #tpu.memory_space<hbm>>) target(%dma_start3A_448 : memref<128x32xf32, #tpu.memory_space<vmem>>) offsets(%dma_start3A_451 : memref<128xi32, #tpu.memory_space<vmem>>) semaphore(%arg14 : memref<!tpu.dma_semaphore, #tpu.memory_space<semaphore_mem>>)
      %dma_start3A_455 = arith.constant 5 : i32
      %dma_start3A_456 = arith.constant 128 : i32
      %dma_start3A_457 = arith.constant 0 : i32
      %dma_start3A_458 = tpu.memref_slice %arg8[%dma_start3A_456, %dma_start3A_457] : memref<512x32xf32, #tpu.memory_space<vmem>> -> memref<128x32xf32, #tpu.memory_space<vmem>>
      %dma_start3A_459 = arith.constant 0 : i32
      %dma_start3A_460 = tpu.memref_slice %arg5[%dma_start3A_455, %dma_start3A_459] : memref<8x128xi32, #tpu.memory_space<vmem>> -> memref<1x128xi32, #tpu.memory_space<vmem>>
      %dma_start3A_461 = tpu.memref_squeeze %dma_start3A_460 : memref<1x128xi32, #tpu.memory_space<vmem>> -> memref<128xi32, #tpu.memory_space<vmem>>
      %dma_start3A_462 = arith.constant 0 : i32
      %dma_start3A_463 = arith.constant 0 : i32
      %dma_start3A_464 = tpu.memref_slice %arg3[%dma_start3A_462, %dma_start3A_463] : memref<1000000x32xf32, #tpu.memory_space<hbm>> -> memref<1000000x32xf32, #tpu.memory_space<hbm>>
      tpu.enqueue_indirect_dma source(%dma_start3A_464 : memref<1000000x32xf32, #tpu.memory_space<hbm>>) target(%dma_start3A_458 : memref<128x32xf32, #tpu.memory_space<vmem>>) offsets(%dma_start3A_461 : memref<128xi32, #tpu.memory_space<vmem>>) semaphore(%arg14 : memref<!tpu.dma_semaphore, #tpu.memory_space<semaphore_mem>>)
      %dma_start3A_465 = arith.constant 6 : i32
      %dma_start3A_466 = arith.constant 256 : i32
      %dma_start3A_467 = arith.constant 0 : i32
      %dma_start3A_468 = tpu.memref_slice %arg8[%dma_start3A_466, %dma_start3A_467] : memref<512x32xf32, #tpu.memory_space<vmem>> -> memref<128x32xf32, #tpu.memory_space<vmem>>
      %dma_start3A_469 = arith.constant 0 : i32
      %dma_start3A_470 = tpu.memref_slice %arg5[%dma_start3A_465, %dma_start3A_469] : memref<8x128xi32, #tpu.memory_space<vmem>> -> memref<1x128xi32, #tpu.memory_space<vmem>>
      %dma_start3A_471 = tpu.memref_squeeze %dma_start3A_470 : memref<1x128xi32, #tpu.memory_space<vmem>> -> memref<128xi32, #tpu.memory_space<vmem>>
      %dma_start3A_472 = arith.constant 0 : i32
      %dma_start3A_473 = arith.constant 0 : i32
      %dma_start3A_474 = tpu.memref_slice %arg3[%dma_start3A_472, %dma_start3A_473] : memref<1000000x32xf32, #tpu.memory_space<hbm>> -> memref<1000000x32xf32, #tpu.memory_space<hbm>>
      tpu.enqueue_indirect_dma source(%dma_start3A_474 : memref<1000000x32xf32, #tpu.memory_space<hbm>>) target(%dma_start3A_468 : memref<128x32xf32, #tpu.memory_space<vmem>>) offsets(%dma_start3A_471 : memref<128xi32, #tpu.memory_space<vmem>>) semaphore(%arg14 : memref<!tpu.dma_semaphore, #tpu.memory_space<semaphore_mem>>)
      %dma_start3A_475 = arith.constant 7 : i32
      %dma_start3A_476 = arith.constant 384 : i32
      %dma_start3A_477 = arith.constant 0 : i32
      %dma_start3A_478 = tpu.memref_slice %arg8[%dma_start3A_476, %dma_start3A_477] : memref<512x32xf32, #tpu.memory_space<vmem>> -> memref<128x32xf32, #tpu.memory_space<vmem>>
      %dma_start3A_479 = arith.constant 0 : i32
      %dma_start3A_480 = tpu.memref_slice %arg5[%dma_start3A_475, %dma_start3A_479] : memref<8x128xi32, #tpu.memory_space<vmem>> -> memref<1x128xi32, #tpu.memory_space<vmem>>
      %dma_start3A_481 = tpu.memref_squeeze %dma_start3A_480 : memref<1x128xi32, #tpu.memory_space<vmem>> -> memref<128xi32, #tpu.memory_space<vmem>>
      %dma_start3A_482 = arith.constant 0 : i32
      %dma_start3A_483 = arith.constant 0 : i32
      %dma_start3A_484 = tpu.memref_slice %arg3[%dma_start3A_482, %dma_start3A_483] : memref<1000000x32xf32, #tpu.memory_space<hbm>> -> memref<1000000x32xf32, #tpu.memory_space<hbm>>
      tpu.enqueue_indirect_dma source(%dma_start3A_484 : memref<1000000x32xf32, #tpu.memory_space<hbm>>) target(%dma_start3A_478 : memref<128x32xf32, #tpu.memory_space<vmem>>) offsets(%dma_start3A_481 : memref<128xi32, #tpu.memory_space<vmem>>) semaphore(%arg14 : memref<!tpu.dma_semaphore, #tpu.memory_space<semaphore_mem>>)
      %dma_wait3A_485 = arith.constant 0 : i32
      %dma_wait3A_486 = arith.constant 0 : i32
      %dma_wait3A_487 = tpu.memref_slice %arg3[%dma_wait3A_485, %dma_wait3A_486] : memref<1000000x32xf32, #tpu.memory_space<hbm>> -> memref<512x32xf32, #tpu.memory_space<hbm>>
      %dma_wait3A_488 = arith.constant 0 : i32
      %dma_wait3A_489 = arith.constant 0 : i32
      %dma_wait3A_490 = tpu.memref_slice %arg3[%dma_wait3A_488, %dma_wait3A_489] : memref<1000000x32xf32, #tpu.memory_space<hbm>> -> memref<512x32xf32, #tpu.memory_space<hbm>>
      tpu.wait_dma2 semaphore(%arg13 : memref<!tpu.dma_semaphore, #tpu.memory_space<semaphore_mem>>) src(%dma_wait3A_490 : memref<512x32xf32, #tpu.memory_space<hbm>>) dst(%arg7 : memref<512x32xf32, #tpu.memory_space<vmem>>)
      %scan3A_491 = arith.constant 0 : i32
      %scan3A_492 = arith.constant 0 : i32
      %scan3A_493 = arith.constant 128 : i32
      %scan3A_494 = arith.addi %scan3A_492, %scan3A_493 : i32
      %scan3A_495 = arith.constant 1 : i32
      %scan3A_496 = scf.for %scan3A_1114 = %scan3A_492 to %scan3A_494 step %scan3A_495 iter_args(%scan3A_1115 = %scan3A_491) -> (i32)  : i32 {
        %mul3A_1116 = arith.constant 4 : i32
        %mul3A_1117 = arith.muli %scan3A_1114, %mul3A_1116 : i32
        %add3A_1118 = arith.constant 0 : i32
        %add3A_1119 = arith.addi %mul3A_1117, %add3A_1118 : i32
        %shift_right_arithmetic3A_1120 = arith.constant 7 : i32
        %shift_right_arithmetic3A_1121 = arith.shrsi %add3A_1119, %shift_right_arithmetic3A_1120 : i32
        %mul3A_1122 = arith.constant 8 : i32
        %mul3A_1123 = arith.muli %shift_right_arithmetic3A_1121, %mul3A_1122 : i32
        %and3A_1124 = arith.constant 127 : i32
        %and3A_1125 = arith.andi %add3A_1119, %and3A_1124 : i32
        %add3A_1126 = vector.broadcast %and3A_1125 : i32 to vector<16xi32>
        %add3A_1127 = arith.addi %mul3A_18, %add3A_1126 : vector<16xi32>
        %add3A_1128 = vector.broadcast %mul3A_1123 : i32 to vector<16xi32>
        %add3A_1129 = arith.addi %add3A_12, %add3A_1128 : vector<16xi32>
        %add3A_1130 = vector.broadcast %mul3A_1123 : i32 to vector<16xi32>
        %add3A_1131 = arith.addi %add3A_15, %add3A_1130 : vector<16xi32>
        %get3A = arith.index_cast %add3A_1119 : i32 to index
        %get3A_1132 = arith.constant 0 : index
        %get3A_1133 = tpu.vector_load %arg7[%get3A, %get3A_1132] {strides = array<i32>} : memref<512x32xf32, #tpu.memory_space<vmem>>, vector<16xf32>,
        %get3A_1134 = arith.index_cast %add3A_1119 : i32 to index
        %get3A_1135 = arith.constant 16 : index
        %get3A_1136 = tpu.vector_load %arg7[%get3A_1134, %get3A_1135] {strides = array<i32>} : memref<512x32xf32, #tpu.memory_space<vmem>>, vector<16xf32>,
        tpu.vector_store_idx %arg9[%add3A_1129, %add3A_1127], %get3A_1133 : memref<160x136xf32, #tpu.memory_space<vmem>>[vector<16xi32>, vector<16xi32>], vector<16xf32>,
        tpu.vector_store_idx %arg9[%add3A_1131, %add3A_1127], %get3A_1136 : memref<160x136xf32, #tpu.memory_space<vmem>>[vector<16xi32>, vector<16xi32>], vector<16xf32>,
        %mul3A_1137 = arith.constant 4 : i32
        %mul3A_1138 = arith.muli %scan3A_1114, %mul3A_1137 : i32
        %add3A_1139 = arith.constant 1 : i32
        %add3A_1140 = arith.addi %mul3A_1138, %add3A_1139 : i32
        %shift_right_arithmetic3A_1141 = arith.constant 7 : i32
        %shift_right_arithmetic3A_1142 = arith.shrsi %add3A_1140, %shift_right_arithmetic3A_1141 : i32
        %mul3A_1143 = arith.constant 8 : i32
        %mul3A_1144 = arith.muli %shift_right_arithmetic3A_1142, %mul3A_1143 : i32
        %and3A_1145 = arith.constant 127 : i32
        %and3A_1146 = arith.andi %add3A_1140, %and3A_1145 : i32
        %add3A_1147 = vector.broadcast %and3A_1146 : i32 to vector<16xi32>
        %add3A_1148 = arith.addi %mul3A_18, %add3A_1147 : vector<16xi32>
        %add3A_1149 = vector.broadcast %mul3A_1144 : i32 to vector<16xi32>
        %add3A_1150 = arith.addi %add3A_12, %add3A_1149 : vector<16xi32>
        %add3A_1151 = vector.broadcast %mul3A_1144 : i32 to vector<16xi32>
        %add3A_1152 = arith.addi %add3A_15, %add3A_1151 : vector<16xi32>
        %get3A_1153 = arith.index_cast %add3A_1140 : i32 to index
        %get3A_1154 = arith.constant 0 : index
        %get3A_1155 = tpu.vector_load %arg7[%get3A_1153, %get3A_1154] {strides = array<i32>} : memref<512x32xf32, #tpu.memory_space<vmem>>, vector<16xf32>,
        %get3A_1156 = arith.index_cast %add3A_1140 : i32 to index
        %get3A_1157 = arith.constant 16 : index
        %get3A_1158 = tpu.vector_load %arg7[%get3A_1156, %get3A_1157] {strides = array<i32>} : memref<512x32xf32, #tpu.memory_space<vmem>>, vector<16xf32>,
        tpu.vector_store_idx %arg9[%add3A_1150, %add3A_1148], %get3A_1155 : memref<160x136xf32, #tpu.memory_space<vmem>>[vector<16xi32>, vector<16xi32>], vector<16xf32>,
        tpu.vector_store_idx %arg9[%add3A_1152, %add3A_1148], %get3A_1158 : memref<160x136xf32, #tpu.memory_space<vmem>>[vector<16xi32>, vector<16xi32>], vector<16xf32>,
        %mul3A_1159 = arith.constant 4 : i32
        %mul3A_1160 = arith.muli %scan3A_1114, %mul3A_1159 : i32
        %add3A_1161 = arith.constant 2 : i32
        %add3A_1162 = arith.addi %mul3A_1160, %add3A_1161 : i32
        %shift_right_arithmetic3A_1163 = arith.constant 7 : i32
        %shift_right_arithmetic3A_1164 = arith.shrsi %add3A_1162, %shift_right_arithmetic3A_1163 : i32
        %mul3A_1165 = arith.constant 8 : i32
        %mul3A_1166 = arith.muli %shift_right_arithmetic3A_1164, %mul3A_1165 : i32
        %and3A_1167 = arith.constant 127 : i32
        %and3A_1168 = arith.andi %add3A_1162, %and3A_1167 : i32
        %add3A_1169 = vector.broadcast %and3A_1168 : i32 to vector<16xi32>
        %add3A_1170 = arith.addi %mul3A_18, %add3A_1169 : vector<16xi32>
        %add3A_1171 = vector.broadcast %mul3A_1166 : i32 to vector<16xi32>
        %add3A_1172 = arith.addi %add3A_12, %add3A_1171 : vector<16xi32>
        %add3A_1173 = vector.broadcast %mul3A_1166 : i32 to vector<16xi32>
        %add3A_1174 = arith.addi %add3A_15, %add3A_1173 : vector<16xi32>
        %get3A_1175 = arith.index_cast %add3A_1162 : i32 to index
        %get3A_1176 = arith.constant 0 : index
        %get3A_1177 = tpu.vector_load %arg7[%get3A_1175, %get3A_1176] {strides = array<i32>} : memref<512x32xf32, #tpu.memory_space<vmem>>, vector<16xf32>,
        %get3A_1178 = arith.index_cast %add3A_1162 : i32 to index
        %get3A_1179 = arith.constant 16 : index
        %get3A_1180 = tpu.vector_load %arg7[%get3A_1178, %get3A_1179] {strides = array<i32>} : memref<512x32xf32, #tpu.memory_space<vmem>>, vector<16xf32>,
        tpu.vector_store_idx %arg9[%add3A_1172, %add3A_1170], %get3A_1177 : memref<160x136xf32, #tpu.memory_space<vmem>>[vector<16xi32>, vector<16xi32>], vector<16xf32>,
        tpu.vector_store_idx %arg9[%add3A_1174, %add3A_1170], %get3A_1180 : memref<160x136xf32, #tpu.memory_space<vmem>>[vector<16xi32>, vector<16xi32>], vector<16xf32>,
        %mul3A_1181 = arith.constant 4 : i32
        %mul3A_1182 = arith.muli %scan3A_1114, %mul3A_1181 : i32
        %add3A_1183 = arith.constant 3 : i32
        %add3A_1184 = arith.addi %mul3A_1182, %add3A_1183 : i32
        %shift_right_arithmetic3A_1185 = arith.constant 7 : i32
        %shift_right_arithmetic3A_1186 = arith.shrsi %add3A_1184, %shift_right_arithmetic3A_1185 : i32
        %mul3A_1187 = arith.constant 8 : i32
        %mul3A_1188 = arith.muli %shift_right_arithmetic3A_1186, %mul3A_1187 : i32
        %and3A_1189 = arith.constant 127 : i32
        %and3A_1190 = arith.andi %add3A_1184, %and3A_1189 : i32
        %add3A_1191 = vector.broadcast %and3A_1190 : i32 to vector<16xi32>
        %add3A_1192 = arith.addi %mul3A_18, %add3A_1191 : vector<16xi32>
        %add3A_1193 = vector.broadcast %mul3A_1188 : i32 to vector<16xi32>
        %add3A_1194 = arith.addi %add3A_12, %add3A_1193 : vector<16xi32>
        %add3A_1195 = vector.broadcast %mul3A_1188 : i32 to vector<16xi32>
        %add3A_1196 = arith.addi %add3A_15, %add3A_1195 : vector<16xi32>
        %get3A_1197 = arith.index_cast %add3A_1184 : i32 to index
        %get3A_1198 = arith.constant 0 : index
        %get3A_1199 = tpu.vector_load %arg7[%get3A_1197, %get3A_1198] {strides = array<i32>} : memref<512x32xf32, #tpu.memory_space<vmem>>, vector<16xf32>,
        %get3A_1200 = arith.index_cast %add3A_1184 : i32 to index
        %get3A_1201 = arith.constant 16 : index
        %get3A_1202 = tpu.vector_load %arg7[%get3A_1200, %get3A_1201] {strides = array<i32>} : memref<512x32xf32, #tpu.memory_space<vmem>>, vector<16xf32>,
        tpu.vector_store_idx %arg9[%add3A_1194, %add3A_1192], %get3A_1199 : memref<160x136xf32, #tpu.memory_space<vmem>>[vector<16xi32>, vector<16xi32>], vector<16xf32>,
        tpu.vector_store_idx %arg9[%add3A_1196, %add3A_1192], %get3A_1202 : memref<160x136xf32, #tpu.memory_space<vmem>>[vector<16xi32>, vector<16xi32>], vector<16xf32>,
        %scan3A_1203 = arith.constant 0 : i32
        scf.yield %scan3A_1203 : i32
      }
      %scan3A_497 = arith.constant 128 : i32
      %sub3A = arith.constant 1 : i32
      %sub3A_498 = arith.subi %add3A_442, %sub3A : i32
      %mul3A_499 = arith.constant 4 : i32
      %mul3A_500 = arith.muli %sub3A_498, %mul3A_499 : i32
      %add3A_501 = arith.addi %mul3A_4, %mul3A_500 : i32
      %add3A_502 = arith.constant 0 : i32
      %add3A_503 = arith.addi %add3A_502, %add3A_501 : i32
      %mul3A_504 = arith.constant 8 : i32
      %mul3A_505 = arith.muli %add3A_503, %mul3A_504 : i32
      %dma_start3A_506 = arith.constant 0 : i32
      %dma_start3A_507 = arith.constant 0 : i32
      %dma_start3A_508 = tpu.memref_slice %arg9[%dma_start3A_506, %dma_start3A_507] : memref<160x136xf32, #tpu.memory_space<vmem>> -> memref<32x128xf32, #tpu.memory_space<vmem>>
      %dma_start3A_509 = arith.constant 0 : i32
      %dma_start3A_510 = tpu.memref_slice %arg4[%mul3A_505, %dma_start3A_509] : memref<204800x128xf32, #tpu.memory_space<hbm>> -> memref<32x128xf32, #tpu.memory_space<hbm>>
      %dma_start3A_511 = arith.constant 0 : i32
      %dma_start3A_512 = tpu.memref_slice %arg4[%mul3A_505, %dma_start3A_511] : memref<204800x128xf32, #tpu.memory_space<hbm>> -> memref<32x128xf32, #tpu.memory_space<hbm>>
      %dma_start3A_513 = arith.constant 0 : i32
      %dma_start3A_514 = arith.constant 0 : i32
      %dma_start3A_515 = tpu.memref_slice %arg9[%dma_start3A_513, %dma_start3A_514] : memref<160x136xf32, #tpu.memory_space<vmem>> -> memref<32x128xf32, #tpu.memory_space<vmem>>
      tpu.enqueue_dma source(%dma_start3A_515 : memref<32x128xf32, #tpu.memory_space<vmem>>) target(%dma_start3A_512 : memref<32x128xf32, #tpu.memory_space<hbm>>) target_semaphore(%arg15 : memref<!tpu.dma_semaphore, #tpu.memory_space<semaphore_mem>>)
      %add3A_516 = arith.constant 6400 : i32
      %add3A_517 = arith.addi %add3A_516, %add3A_501 : i32
      %mul3A_518 = arith.constant 8 : i32
      %mul3A_519 = arith.muli %add3A_517, %mul3A_518 : i32
      %dma_start3A_520 = arith.constant 40 : i32
      %dma_start3A_521 = arith.constant 0 : i32
      %dma_start3A_522 = tpu.memref_slice %arg9[%dma_start3A_520, %dma_start3A_521] : memref<160x136xf32, #tpu.memory_space<vmem>> -> memref<32x128xf32, #tpu.memory_space<vmem>>
      %dma_start3A_523 = arith.constant 0 : i32
      %dma_start3A_524 = tpu.memref_slice %arg4[%mul3A_519, %dma_start3A_523] : memref<204800x128xf32, #tpu.memory_space<hbm>> -> memref<32x128xf32, #tpu.memory_space<hbm>>
      %dma_start3A_525 = arith.constant 0 : i32
      %dma_start3A_526 = tpu.memref_slice %arg4[%mul3A_519, %dma_start3A_525] : memref<204800x128xf32, #tpu.memory_space<hbm>> -> memref<32x128xf32, #tpu.memory_space<hbm>>
      %dma_start3A_527 = arith.constant 40 : i32
      %dma_start3A_528 = arith.constant 0 : i32
      %dma_start3A_529 = tpu.memref_slice %arg9[%dma_start3A_527, %dma_start3A_528] : memref<160x136xf32, #tpu.memory_space<vmem>> -> memref<32x128xf32, #tpu.memory_space<vmem>>
      tpu.enqueue_dma source(%dma_start3A_529 : memref<32x128xf32, #tpu.memory_space<vmem>>) target(%dma_start3A_526 : memref<32x128xf32, #tpu.memory_space<hbm>>) target_semaphore(%arg15 : memref<!tpu.dma_semaphore, #tpu.memory_space<semaphore_mem>>)
      %add3A_530 = arith.constant 12800 : i32
      %add3A_531 = arith.addi %add3A_530, %add3A_501 : i32
      %mul3A_532 = arith.constant 8 : i32
      %mul3A_533 = arith.muli %add3A_531, %mul3A_532 : i32
      %dma_start3A_534 = arith.constant 80 : i32
      %dma_start3A_535 = arith.constant 0 : i32
      %dma_start3A_536 = tpu.memref_slice %arg9[%dma_start3A_534, %dma_start3A_535] : memref<160x136xf32, #tpu.memory_space<vmem>> -> memref<32x128xf32, #tpu.memory_space<vmem>>
      %dma_start3A_537 = arith.constant 0 : i32
      %dma_start3A_538 = tpu.memref_slice %arg4[%mul3A_533, %dma_start3A_537] : memref<204800x128xf32, #tpu.memory_space<hbm>> -> memref<32x128xf32, #tpu.memory_space<hbm>>
      %dma_start3A_539 = arith.constant 0 : i32
      %dma_start3A_540 = tpu.memref_slice %arg4[%mul3A_533, %dma_start3A_539] : memref<204800x128xf32, #tpu.memory_space<hbm>> -> memref<32x128xf32, #tpu.memory_space<hbm>>
      %dma_start3A_541 = arith.constant 80 : i32
      %dma_start3A_542 = arith.constant 0 : i32
      %dma_start3A_543 = tpu.memref_slice %arg9[%dma_start3A_541, %dma_start3A_542] : memref<160x136xf32, #tpu.memory_space<vmem>> -> memref<32x128xf32, #tpu.memory_space<vmem>>
      tpu.enqueue_dma source(%dma_start3A_543 : memref<32x128xf32, #tpu.memory_space<vmem>>) target(%dma_start3A_540 : memref<32x128xf32, #tpu.memory_space<hbm>>) target_semaphore(%arg15 : memref<!tpu.dma_semaphore, #tpu.memory_space<semaphore_mem>>)
      %add3A_544 = arith.constant 19200 : i32
      %add3A_545 = arith.addi %add3A_544, %add3A_501 : i32
      %mul3A_546 = arith.constant 8 : i32
      %mul3A_547 = arith.muli %add3A_545, %mul3A_546 : i32
      %dma_start3A_548 = arith.constant 120 : i32
      %dma_start3A_549 = arith.constant 0 : i32
      %dma_start3A_550 = tpu.memref_slice %arg9[%dma_start3A_548, %dma_start3A_549] : memref<160x136xf32, #tpu.memory_space<vmem>> -> memref<32x128xf32, #tpu.memory_space<vmem>>
      %dma_start3A_551 = arith.constant 0 : i32
      %dma_start3A_552 = tpu.memref_slice %arg4[%mul3A_547, %dma_start3A_551] : memref<204800x128xf32, #tpu.memory_space<hbm>> -> memref<32x128xf32, #tpu.memory_space<hbm>>
      %dma_start3A_553 = arith.constant 0 : i32
      %dma_start3A_554 = tpu.memref_slice %arg4[%mul3A_547, %dma_start3A_553] : memref<204800x128xf32, #tpu.memory_space<hbm>> -> memref<32x128xf32, #tpu.memory_space<hbm>>
      %dma_start3A_555 = arith.constant 120 : i32
      %dma_start3A_556 = arith.constant 0 : i32
      %dma_start3A_557 = tpu.memref_slice %arg9[%dma_start3A_555, %dma_start3A_556] : memref<160x136xf32, #tpu.memory_space<vmem>> -> memref<32x128xf32, #tpu.memory_space<vmem>>
      tpu.enqueue_dma source(%dma_start3A_557 : memref<32x128xf32, #tpu.memory_space<vmem>>) target(%dma_start3A_554 : memref<32x128xf32, #tpu.memory_space<hbm>>) target_semaphore(%arg15 : memref<!tpu.dma_semaphore, #tpu.memory_space<semaphore_mem>>)
      %mul3A_558 = arith.constant 4 : i32
      %mul3A_559 = arith.muli %mul3A_558, %scan3A_437 : i32
      %add3A_560 = arith.constant 2 : i32
      %add3A_561 = arith.addi %mul3A_559, %add3A_560 : i32
      %dma_wait3A_562 = arith.constant 0 : i32
      %dma_wait3A_563 = arith.constant 0 : i32
      %dma_wait3A_564 = tpu.memref_slice %arg2[%dma_wait3A_562, %dma_wait3A_563] : memref<6400x128xi32, #tpu.memory_space<hbm>> -> memref<8x128xi32, #tpu.memory_space<hbm>>
      %dma_wait3A_565 = arith.constant 0 : i32
      %dma_wait3A_566 = arith.constant 0 : i32
      %dma_wait3A_567 = tpu.memref_slice %arg2[%dma_wait3A_565, %dma_wait3A_566] : memref<6400x128xi32, #tpu.memory_space<hbm>> -> memref<8x128xi32, #tpu.memory_space<hbm>>
      tpu.wait_dma2 semaphore(%arg12 : memref<!tpu.dma_semaphore, #tpu.memory_space<semaphore_mem>>) src(%dma_wait3A_567 : memref<8x128xi32, #tpu.memory_space<hbm>>) dst(%arg6 : memref<8x128xi32, #tpu.memory_space<vmem>>)
      %add3A_568 = arith.constant 0 : i32
      %add3A_569 = arith.addi %mul3A_4, %add3A_568 : i32
      %add3A_570 = arith.constant 0 : i32
      %add3A_571 = arith.addi %add3A_570, %add3A_569 : i32
      %mul3A_572 = arith.constant 8 : i32
      %mul3A_573 = arith.muli %add3A_571, %mul3A_572 : i32
      %dma_wait3A_574 = arith.constant 0 : i32
      %dma_wait3A_575 = arith.constant 0 : i32
      %dma_wait3A_576 = tpu.memref_slice %arg9[%dma_wait3A_574, %dma_wait3A_575] : memref<160x136xf32, #tpu.memory_space<vmem>> -> memref<32x128xf32, #tpu.memory_space<vmem>>
      %dma_wait3A_577 = arith.constant 0 : i32
      %dma_wait3A_578 = tpu.memref_slice %arg4[%mul3A_573, %dma_wait3A_577] : memref<204800x128xf32, #tpu.memory_space<hbm>> -> memref<32x128xf32, #tpu.memory_space<hbm>>
      %dma_wait3A_579 = arith.constant 0 : i32
      %dma_wait3A_580 = tpu.memref_slice %arg4[%mul3A_573, %dma_wait3A_579] : memref<204800x128xf32, #tpu.memory_space<hbm>> -> memref<32x128xf32, #tpu.memory_space<hbm>>
      %dma_wait3A_581 = arith.constant 0 : i32
      %dma_wait3A_582 = arith.constant 0 : i32
      %dma_wait3A_583 = tpu.memref_slice %arg9[%dma_wait3A_581, %dma_wait3A_582] : memref<160x136xf32, #tpu.memory_space<vmem>> -> memref<32x128xf32, #tpu.memory_space<vmem>>
      tpu.wait_dma2 semaphore(%arg15 : memref<!tpu.dma_semaphore, #tpu.memory_space<semaphore_mem>>) src(%dma_wait3A_583 : memref<32x128xf32, #tpu.memory_space<vmem>>) dst(%dma_wait3A_580 : memref<32x128xf32, #tpu.memory_space<hbm>>)
      %add3A_584 = arith.constant 6400 : i32
      %add3A_585 = arith.addi %add3A_584, %add3A_569 : i32
      %mul3A_586 = arith.constant 8 : i32
      %mul3A_587 = arith.muli %add3A_585, %mul3A_586 : i32
      %dma_wait3A_588 = arith.constant 40 : i32
      %dma_wait3A_589 = arith.constant 0 : i32
      %dma_wait3A_590 = tpu.memref_slice %arg9[%dma_wait3A_588, %dma_wait3A_589] : memref<160x136xf32, #tpu.memory_space<vmem>> -> memref<32x128xf32, #tpu.memory_space<vmem>>
      %dma_wait3A_591 = arith.constant 0 : i32
      %dma_wait3A_592 = tpu.memref_slice %arg4[%mul3A_587, %dma_wait3A_591] : memref<204800x128xf32, #tpu.memory_space<hbm>> -> memref<32x128xf32, #tpu.memory_space<hbm>>
      %dma_wait3A_593 = arith.constant 0 : i32
      %dma_wait3A_594 = tpu.memref_slice %arg4[%mul3A_587, %dma_wait3A_593] : memref<204800x128xf32, #tpu.memory_space<hbm>> -> memref<32x128xf32, #tpu.memory_space<hbm>>
      %dma_wait3A_595 = arith.constant 40 : i32
      %dma_wait3A_596 = arith.constant 0 : i32
      %dma_wait3A_597 = tpu.memref_slice %arg9[%dma_wait3A_595, %dma_wait3A_596] : memref<160x136xf32, #tpu.memory_space<vmem>> -> memref<32x128xf32, #tpu.memory_space<vmem>>
      tpu.wait_dma2 semaphore(%arg15 : memref<!tpu.dma_semaphore, #tpu.memory_space<semaphore_mem>>) src(%dma_wait3A_597 : memref<32x128xf32, #tpu.memory_space<vmem>>) dst(%dma_wait3A_594 : memref<32x128xf32, #tpu.memory_space<hbm>>)
      %add3A_598 = arith.constant 12800 : i32
      %add3A_599 = arith.addi %add3A_598, %add3A_569 : i32
      %mul3A_600 = arith.constant 8 : i32
      %mul3A_601 = arith.muli %add3A_599, %mul3A_600 : i32
      %dma_wait3A_602 = arith.constant 80 : i32
      %dma_wait3A_603 = arith.constant 0 : i32
      %dma_wait3A_604 = tpu.memref_slice %arg9[%dma_wait3A_602, %dma_wait3A_603] : memref<160x136xf32, #tpu.memory_space<vmem>> -> memref<32x128xf32, #tpu.memory_space<vmem>>
      %dma_wait3A_605 = arith.constant 0 : i32
      %dma_wait3A_606 = tpu.memref_slice %arg4[%mul3A_601, %dma_wait3A_605] : memref<204800x128xf32, #tpu.memory_space<hbm>> -> memref<32x128xf32, #tpu.memory_space<hbm>>
      %dma_wait3A_607 = arith.constant 0 : i32
      %dma_wait3A_608 = tpu.memref_slice %arg4[%mul3A_601, %dma_wait3A_607] : memref<204800x128xf32, #tpu.memory_space<hbm>> -> memref<32x128xf32, #tpu.memory_space<hbm>>
      %dma_wait3A_609 = arith.constant 80 : i32
      %dma_wait3A_610 = arith.constant 0 : i32
      %dma_wait3A_611 = tpu.memref_slice %arg9[%dma_wait3A_609, %dma_wait3A_610] : memref<160x136xf32, #tpu.memory_space<vmem>> -> memref<32x128xf32, #tpu.memory_space<vmem>>
      tpu.wait_dma2 semaphore(%arg15 : memref<!tpu.dma_semaphore, #tpu.memory_space<semaphore_mem>>) src(%dma_wait3A_611 : memref<32x128xf32, #tpu.memory_space<vmem>>) dst(%dma_wait3A_608 : memref<32x128xf32, #tpu.memory_space<hbm>>)
      %add3A_612 = arith.constant 19200 : i32
      %add3A_613 = arith.addi %add3A_612, %add3A_569 : i32
      %mul3A_614 = arith.constant 8 : i32
      %mul3A_615 = arith.muli %add3A_613, %mul3A_614 : i32
      %dma_wait3A_616 = arith.constant 120 : i32
      %dma_wait3A_617 = arith.constant 0 : i32
      %dma_wait3A_618 = tpu.memref_slice %arg9[%dma_wait3A_616, %dma_wait3A_617] : memref<160x136xf32, #tpu.memory_space<vmem>> -> memref<32x128xf32, #tpu.memory_space<vmem>>
      %dma_wait3A_619 = arith.constant 0 : i32
      %dma_wait3A_620 = tpu.memref_slice %arg4[%mul3A_615, %dma_wait3A_619] : memref<204800x128xf32, #tpu.memory_space<hbm>> -> memref<32x128xf32, #tpu.memory_space<hbm>>
      %dma_wait3A_621 = arith.constant 0 : i32
      %dma_wait3A_622 = tpu.memref_slice %arg4[%mul3A_615, %dma_wait3A_621] : memref<204800x128xf32, #tpu.memory_space<hbm>> -> memref<32x128xf32, #tpu.memory_space<hbm>>
      %dma_wait3A_623 = arith.constant 120 : i32
      %dma_wait3A_624 = arith.constant 0 : i32
      %dma_wait3A_625 = tpu.memref_slice %arg9[%dma_wait3A_623, %dma_wait3A_624] : memref<160x136xf32, #tpu.memory_space<vmem>> -> memref<32x128xf32, #tpu.memory_space<vmem>>
      tpu.wait_dma2 semaphore(%arg15 : memref<!tpu.dma_semaphore, #tpu.memory_space<semaphore_mem>>) src(%dma_wait3A_625 : memref<32x128xf32, #tpu.memory_space<vmem>>) dst(%dma_wait3A_622 : memref<32x128xf32, #tpu.memory_space<hbm>>)
      %dma_start3A_626 = arith.constant 0 : i32
      %dma_start3A_627 = arith.constant 0 : i32
      %dma_start3A_628 = arith.constant 0 : i32
      %dma_start3A_629 = tpu.memref_slice %arg7[%dma_start3A_627, %dma_start3A_628] : memref<512x32xf32, #tpu.memory_space<vmem>> -> memref<128x32xf32, #tpu.memory_space<vmem>>
      %dma_start3A_630 = arith.constant 0 : i32
      %dma_start3A_631 = tpu.memref_slice %arg6[%dma_start3A_626, %dma_start3A_630] : memref<8x128xi32, #tpu.memory_space<vmem>> -> memref<1x128xi32, #tpu.memory_space<vmem>>
      %dma_start3A_632 = tpu.memref_squeeze %dma_start3A_631 : memref<1x128xi32, #tpu.memory_space<vmem>> -> memref<128xi32, #tpu.memory_space<vmem>>
      %dma_start3A_633 = arith.constant 0 : i32
      %dma_start3A_634 = arith.constant 0 : i32
      %dma_start3A_635 = tpu.memref_slice %arg3[%dma_start3A_633, %dma_start3A_634] : memref<1000000x32xf32, #tpu.memory_space<hbm>> -> memref<1000000x32xf32, #tpu.memory_space<hbm>>
      tpu.enqueue_indirect_dma source(%dma_start3A_635 : memref<1000000x32xf32, #tpu.memory_space<hbm>>) target(%dma_start3A_629 : memref<128x32xf32, #tpu.memory_space<vmem>>) offsets(%dma_start3A_632 : memref<128xi32, #tpu.memory_space<vmem>>) semaphore(%arg13 : memref<!tpu.dma_semaphore, #tpu.memory_space<semaphore_mem>>)
      %dma_start3A_636 = arith.constant 1 : i32
      %dma_start3A_637 = arith.constant 128 : i32
      %dma_start3A_638 = arith.constant 0 : i32
      %dma_start3A_639 = tpu.memref_slice %arg7[%dma_start3A_637, %dma_start3A_638] : memref<512x32xf32, #tpu.memory_space<vmem>> -> memref<128x32xf32, #tpu.memory_space<vmem>>
      %dma_start3A_640 = arith.constant 0 : i32
      %dma_start3A_641 = tpu.memref_slice %arg6[%dma_start3A_636, %dma_start3A_640] : memref<8x128xi32, #tpu.memory_space<vmem>> -> memref<1x128xi32, #tpu.memory_space<vmem>>
      %dma_start3A_642 = tpu.memref_squeeze %dma_start3A_641 : memref<1x128xi32, #tpu.memory_space<vmem>> -> memref<128xi32, #tpu.memory_space<vmem>>
      %dma_start3A_643 = arith.constant 0 : i32
      %dma_start3A_644 = arith.constant 0 : i32
      %dma_start3A_645 = tpu.memref_slice %arg3[%dma_start3A_643, %dma_start3A_644] : memref<1000000x32xf32, #tpu.memory_space<hbm>> -> memref<1000000x32xf32, #tpu.memory_space<hbm>>
      tpu.enqueue_indirect_dma source(%dma_start3A_645 : memref<1000000x32xf32, #tpu.memory_space<hbm>>) target(%dma_start3A_639 : memref<128x32xf32, #tpu.memory_space<vmem>>) offsets(%dma_start3A_642 : memref<128xi32, #tpu.memory_space<vmem>>) semaphore(%arg13 : memref<!tpu.dma_semaphore, #tpu.memory_space<semaphore_mem>>)
      %dma_start3A_646 = arith.constant 2 : i32
      %dma_start3A_647 = arith.constant 256 : i32
      %dma_start3A_648 = arith.constant 0 : i32
      %dma_start3A_649 = tpu.memref_slice %arg7[%dma_start3A_647, %dma_start3A_648] : memref<512x32xf32, #tpu.memory_space<vmem>> -> memref<128x32xf32, #tpu.memory_space<vmem>>
      %dma_start3A_650 = arith.constant 0 : i32
      %dma_start3A_651 = tpu.memref_slice %arg6[%dma_start3A_646, %dma_start3A_650] : memref<8x128xi32, #tpu.memory_space<vmem>> -> memref<1x128xi32, #tpu.memory_space<vmem>>
      %dma_start3A_652 = tpu.memref_squeeze %dma_start3A_651 : memref<1x128xi32, #tpu.memory_space<vmem>> -> memref<128xi32, #tpu.memory_space<vmem>>
      %dma_start3A_653 = arith.constant 0 : i32
      %dma_start3A_654 = arith.constant 0 : i32
      %dma_start3A_655 = tpu.memref_slice %arg3[%dma_start3A_653, %dma_start3A_654] : memref<1000000x32xf32, #tpu.memory_space<hbm>> -> memref<1000000x32xf32, #tpu.memory_space<hbm>>
      tpu.enqueue_indirect_dma source(%dma_start3A_655 : memref<1000000x32xf32, #tpu.memory_space<hbm>>) target(%dma_start3A_649 : memref<128x32xf32, #tpu.memory_space<vmem>>) offsets(%dma_start3A_652 : memref<128xi32, #tpu.memory_space<vmem>>) semaphore(%arg13 : memref<!tpu.dma_semaphore, #tpu.memory_space<semaphore_mem>>)
      %dma_start3A_656 = arith.constant 3 : i32
      %dma_start3A_657 = arith.constant 384 : i32
      %dma_start3A_658 = arith.constant 0 : i32
      %dma_start3A_659 = tpu.memref_slice %arg7[%dma_start3A_657, %dma_start3A_658] : memref<512x32xf32, #tpu.memory_space<vmem>> -> memref<128x32xf32, #tpu.memory_space<vmem>>
      %dma_start3A_660 = arith.constant 0 : i32
      %dma_start3A_661 = tpu.memref_slice %arg6[%dma_start3A_656, %dma_start3A_660] : memref<8x128xi32, #tpu.memory_space<vmem>> -> memref<1x128xi32, #tpu.memory_space<vmem>>
      %dma_start3A_662 = tpu.memref_squeeze %dma_start3A_661 : memref<1x128xi32, #tpu.memory_space<vmem>> -> memref<128xi32, #tpu.memory_space<vmem>>
      %dma_start3A_663 = arith.constant 0 : i32
      %dma_start3A_664 = arith.constant 0 : i32
      %dma_start3A_665 = tpu.memref_slice %arg3[%dma_start3A_663, %dma_start3A_664] : memref<1000000x32xf32, #tpu.memory_space<hbm>> -> memref<1000000x32xf32, #tpu.memory_space<hbm>>
      tpu.enqueue_indirect_dma source(%dma_start3A_665 : memref<1000000x32xf32, #tpu.memory_space<hbm>>) target(%dma_start3A_659 : memref<128x32xf32, #tpu.memory_space<vmem>>) offsets(%dma_start3A_662 : memref<128xi32, #tpu.memory_space<vmem>>) semaphore(%arg13 : memref<!tpu.dma_semaphore, #tpu.memory_space<semaphore_mem>>)
      %dma_wait3A_666 = arith.constant 0 : i32
      %dma_wait3A_667 = arith.constant 0 : i32
      %dma_wait3A_668 = tpu.memref_slice %arg3[%dma_wait3A_666, %dma_wait3A_667] : memref<1000000x32xf32, #tpu.memory_space<hbm>> -> memref<512x32xf32, #tpu.memory_space<hbm>>
      %dma_wait3A_669 = arith.constant 0 : i32
      %dma_wait3A_670 = arith.constant 0 : i32
      %dma_wait3A_671 = tpu.memref_slice %arg3[%dma_wait3A_669, %dma_wait3A_670] : memref<1000000x32xf32, #tpu.memory_space<hbm>> -> memref<512x32xf32, #tpu.memory_space<hbm>>
      tpu.wait_dma2 semaphore(%arg14 : memref<!tpu.dma_semaphore, #tpu.memory_space<semaphore_mem>>) src(%dma_wait3A_671 : memref<512x32xf32, #tpu.memory_space<hbm>>) dst(%arg8 : memref<512x32xf32, #tpu.memory_space<vmem>>)
      %scan3A_672 = arith.constant 0 : i32
      %scan3A_673 = arith.constant 0 : i32
      %scan3A_674 = arith.constant 128 : i32
      %scan3A_675 = arith.addi %scan3A_673, %scan3A_674 : i32
      %scan3A_676 = arith.constant 1 : i32
      %scan3A_677 = scf.for %scan3A_1114 = %scan3A_673 to %scan3A_675 step %scan3A_676 iter_args(%scan3A_1115 = %scan3A_672) -> (i32)  : i32 {
        %mul3A_1116 = arith.constant 4 : i32
        %mul3A_1117 = arith.muli %scan3A_1114, %mul3A_1116 : i32
        %add3A_1118 = arith.constant 0 : i32
        %add3A_1119 = arith.addi %mul3A_1117, %add3A_1118 : i32
        %shift_right_arithmetic3A_1120 = arith.constant 7 : i32
        %shift_right_arithmetic3A_1121 = arith.shrsi %add3A_1119, %shift_right_arithmetic3A_1120 : i32
        %mul3A_1122 = arith.constant 8 : i32
        %mul3A_1123 = arith.muli %shift_right_arithmetic3A_1121, %mul3A_1122 : i32
        %and3A_1124 = arith.constant 127 : i32
        %and3A_1125 = arith.andi %add3A_1119, %and3A_1124 : i32
        %add3A_1126 = vector.broadcast %and3A_1125 : i32 to vector<16xi32>
        %add3A_1127 = arith.addi %mul3A_18, %add3A_1126 : vector<16xi32>
        %add3A_1128 = vector.broadcast %mul3A_1123 : i32 to vector<16xi32>
        %add3A_1129 = arith.addi %add3A_12, %add3A_1128 : vector<16xi32>
        %add3A_1130 = vector.broadcast %mul3A_1123 : i32 to vector<16xi32>
        %add3A_1131 = arith.addi %add3A_15, %add3A_1130 : vector<16xi32>
        %get3A = arith.index_cast %add3A_1119 : i32 to index
        %get3A_1132 = arith.constant 0 : index
        %get3A_1133 = tpu.vector_load %arg8[%get3A, %get3A_1132] {strides = array<i32>} : memref<512x32xf32, #tpu.memory_space<vmem>>, vector<16xf32>,
        %get3A_1134 = arith.index_cast %add3A_1119 : i32 to index
        %get3A_1135 = arith.constant 16 : index
        %get3A_1136 = tpu.vector_load %arg8[%get3A_1134, %get3A_1135] {strides = array<i32>} : memref<512x32xf32, #tpu.memory_space<vmem>>, vector<16xf32>,
        tpu.vector_store_idx %arg10[%add3A_1129, %add3A_1127], %get3A_1133 : memref<160x136xf32, #tpu.memory_space<vmem>>[vector<16xi32>, vector<16xi32>], vector<16xf32>,
        tpu.vector_store_idx %arg10[%add3A_1131, %add3A_1127], %get3A_1136 : memref<160x136xf32, #tpu.memory_space<vmem>>[vector<16xi32>, vector<16xi32>], vector<16xf32>,
        %mul3A_1137 = arith.constant 4 : i32
        %mul3A_1138 = arith.muli %scan3A_1114, %mul3A_1137 : i32
        %add3A_1139 = arith.constant 1 : i32
        %add3A_1140 = arith.addi %mul3A_1138, %add3A_1139 : i32
        %shift_right_arithmetic3A_1141 = arith.constant 7 : i32
        %shift_right_arithmetic3A_1142 = arith.shrsi %add3A_1140, %shift_right_arithmetic3A_1141 : i32
        %mul3A_1143 = arith.constant 8 : i32
        %mul3A_1144 = arith.muli %shift_right_arithmetic3A_1142, %mul3A_1143 : i32
        %and3A_1145 = arith.constant 127 : i32
        %and3A_1146 = arith.andi %add3A_1140, %and3A_1145 : i32
        %add3A_1147 = vector.broadcast %and3A_1146 : i32 to vector<16xi32>
        %add3A_1148 = arith.addi %mul3A_18, %add3A_1147 : vector<16xi32>
        %add3A_1149 = vector.broadcast %mul3A_1144 : i32 to vector<16xi32>
        %add3A_1150 = arith.addi %add3A_12, %add3A_1149 : vector<16xi32>
        %add3A_1151 = vector.broadcast %mul3A_1144 : i32 to vector<16xi32>
        %add3A_1152 = arith.addi %add3A_15, %add3A_1151 : vector<16xi32>
        %get3A_1153 = arith.index_cast %add3A_1140 : i32 to index
        %get3A_1154 = arith.constant 0 : index
        %get3A_1155 = tpu.vector_load %arg8[%get3A_1153, %get3A_1154] {strides = array<i32>} : memref<512x32xf32, #tpu.memory_space<vmem>>, vector<16xf32>,
        %get3A_1156 = arith.index_cast %add3A_1140 : i32 to index
        %get3A_1157 = arith.constant 16 : index
        %get3A_1158 = tpu.vector_load %arg8[%get3A_1156, %get3A_1157] {strides = array<i32>} : memref<512x32xf32, #tpu.memory_space<vmem>>, vector<16xf32>,
        tpu.vector_store_idx %arg10[%add3A_1150, %add3A_1148], %get3A_1155 : memref<160x136xf32, #tpu.memory_space<vmem>>[vector<16xi32>, vector<16xi32>], vector<16xf32>,
        tpu.vector_store_idx %arg10[%add3A_1152, %add3A_1148], %get3A_1158 : memref<160x136xf32, #tpu.memory_space<vmem>>[vector<16xi32>, vector<16xi32>], vector<16xf32>,
        %mul3A_1159 = arith.constant 4 : i32
        %mul3A_1160 = arith.muli %scan3A_1114, %mul3A_1159 : i32
        %add3A_1161 = arith.constant 2 : i32
        %add3A_1162 = arith.addi %mul3A_1160, %add3A_1161 : i32
        %shift_right_arithmetic3A_1163 = arith.constant 7 : i32
        %shift_right_arithmetic3A_1164 = arith.shrsi %add3A_1162, %shift_right_arithmetic3A_1163 : i32
        %mul3A_1165 = arith.constant 8 : i32
        %mul3A_1166 = arith.muli %shift_right_arithmetic3A_1164, %mul3A_1165 : i32
        %and3A_1167 = arith.constant 127 : i32
        %and3A_1168 = arith.andi %add3A_1162, %and3A_1167 : i32
        %add3A_1169 = vector.broadcast %and3A_1168 : i32 to vector<16xi32>
        %add3A_1170 = arith.addi %mul3A_18, %add3A_1169 : vector<16xi32>
        %add3A_1171 = vector.broadcast %mul3A_1166 : i32 to vector<16xi32>
        %add3A_1172 = arith.addi %add3A_12, %add3A_1171 : vector<16xi32>
        %add3A_1173 = vector.broadcast %mul3A_1166 : i32 to vector<16xi32>
        %add3A_1174 = arith.addi %add3A_15, %add3A_1173 : vector<16xi32>
        %get3A_1175 = arith.index_cast %add3A_1162 : i32 to index
        %get3A_1176 = arith.constant 0 : index
        %get3A_1177 = tpu.vector_load %arg8[%get3A_1175, %get3A_1176] {strides = array<i32>} : memref<512x32xf32, #tpu.memory_space<vmem>>, vector<16xf32>,
        %get3A_1178 = arith.index_cast %add3A_1162 : i32 to index
        %get3A_1179 = arith.constant 16 : index
        %get3A_1180 = tpu.vector_load %arg8[%get3A_1178, %get3A_1179] {strides = array<i32>} : memref<512x32xf32, #tpu.memory_space<vmem>>, vector<16xf32>,
        tpu.vector_store_idx %arg10[%add3A_1172, %add3A_1170], %get3A_1177 : memref<160x136xf32, #tpu.memory_space<vmem>>[vector<16xi32>, vector<16xi32>], vector<16xf32>,
        tpu.vector_store_idx %arg10[%add3A_1174, %add3A_1170], %get3A_1180 : memref<160x136xf32, #tpu.memory_space<vmem>>[vector<16xi32>, vector<16xi32>], vector<16xf32>,
        %mul3A_1181 = arith.constant 4 : i32
        %mul3A_1182 = arith.muli %scan3A_1114, %mul3A_1181 : i32
        %add3A_1183 = arith.constant 3 : i32
        %add3A_1184 = arith.addi %mul3A_1182, %add3A_1183 : i32
        %shift_right_arithmetic3A_1185 = arith.constant 7 : i32
        %shift_right_arithmetic3A_1186 = arith.shrsi %add3A_1184, %shift_right_arithmetic3A_1185 : i32
        %mul3A_1187 = arith.constant 8 : i32
        %mul3A_1188 = arith.muli %shift_right_arithmetic3A_1186, %mul3A_1187 : i32
        %and3A_1189 = arith.constant 127 : i32
        %and3A_1190 = arith.andi %add3A_1184, %and3A_1189 : i32
        %add3A_1191 = vector.broadcast %and3A_1190 : i32 to vector<16xi32>
        %add3A_1192 = arith.addi %mul3A_18, %add3A_1191 : vector<16xi32>
        %add3A_1193 = vector.broadcast %mul3A_1188 : i32 to vector<16xi32>
        %add3A_1194 = arith.addi %add3A_12, %add3A_1193 : vector<16xi32>
        %add3A_1195 = vector.broadcast %mul3A_1188 : i32 to vector<16xi32>
        %add3A_1196 = arith.addi %add3A_15, %add3A_1195 : vector<16xi32>
        %get3A_1197 = arith.index_cast %add3A_1184 : i32 to index
        %get3A_1198 = arith.constant 0 : index
        %get3A_1199 = tpu.vector_load %arg8[%get3A_1197, %get3A_1198] {strides = array<i32>} : memref<512x32xf32, #tpu.memory_space<vmem>>, vector<16xf32>,
        %get3A_1200 = arith.index_cast %add3A_1184 : i32 to index
        %get3A_1201 = arith.constant 16 : index
        %get3A_1202 = tpu.vector_load %arg8[%get3A_1200, %get3A_1201] {strides = array<i32>} : memref<512x32xf32, #tpu.memory_space<vmem>>, vector<16xf32>,
        tpu.vector_store_idx %arg10[%add3A_1194, %add3A_1192], %get3A_1199 : memref<160x136xf32, #tpu.memory_space<vmem>>[vector<16xi32>, vector<16xi32>], vector<16xf32>,
        tpu.vector_store_idx %arg10[%add3A_1196, %add3A_1192], %get3A_1202 : memref<160x136xf32, #tpu.memory_space<vmem>>[vector<16xi32>, vector<16xi32>], vector<16xf32>,
        %scan3A_1203 = arith.constant 0 : i32
        scf.yield %scan3A_1203 : i32
      }
      %scan3A_678 = arith.constant 128 : i32
      %sub3A_679 = arith.constant 1 : i32
      %sub3A_680 = arith.subi %add3A_561, %sub3A_679 : i32
      %mul3A_681 = arith.constant 4 : i32
      %mul3A_682 = arith.muli %sub3A_680, %mul3A_681 : i32
      %add3A_683 = arith.addi %mul3A_4, %mul3A_682 : i32
      %add3A_684 = arith.constant 0 : i32
      %add3A_685 = arith.addi %add3A_684, %add3A_683 : i32
      %mul3A_686 = arith.constant 8 : i32
      %mul3A_687 = arith.muli %add3A_685, %mul3A_686 : i32
      %dma_start3A_688 = arith.constant 0 : i32
      %dma_start3A_689 = arith.constant 0 : i32
      %dma_start3A_690 = tpu.memref_slice %arg10[%dma_start3A_688, %dma_start3A_689] : memref<160x136xf32, #tpu.memory_space<vmem>> -> memref<32x128xf32, #tpu.memory_space<vmem>>
      %dma_start3A_691 = arith.constant 0 : i32
      %dma_start3A_692 = tpu.memref_slice %arg4[%mul3A_687, %dma_start3A_691] : memref<204800x128xf32, #tpu.memory_space<hbm>> -> memref<32x128xf32, #tpu.memory_space<hbm>>
      %dma_start3A_693 = arith.constant 0 : i32
      %dma_start3A_694 = tpu.memref_slice %arg4[%mul3A_687, %dma_start3A_693] : memref<204800x128xf32, #tpu.memory_space<hbm>> -> memref<32x128xf32, #tpu.memory_space<hbm>>
      %dma_start3A_695 = arith.constant 0 : i32
      %dma_start3A_696 = arith.constant 0 : i32
      %dma_start3A_697 = tpu.memref_slice %arg10[%dma_start3A_695, %dma_start3A_696] : memref<160x136xf32, #tpu.memory_space<vmem>> -> memref<32x128xf32, #tpu.memory_space<vmem>>
      tpu.enqueue_dma source(%dma_start3A_697 : memref<32x128xf32, #tpu.memory_space<vmem>>) target(%dma_start3A_694 : memref<32x128xf32, #tpu.memory_space<hbm>>) target_semaphore(%arg16 : memref<!tpu.dma_semaphore, #tpu.memory_space<semaphore_mem>>)
      %add3A_698 = arith.constant 6400 : i32
      %add3A_699 = arith.addi %add3A_698, %add3A_683 : i32
      %mul3A_700 = arith.constant 8 : i32
      %mul3A_701 = arith.muli %add3A_699, %mul3A_700 : i32
      %dma_start3A_702 = arith.constant 40 : i32
      %dma_start3A_703 = arith.constant 0 : i32
      %dma_start3A_704 = tpu.memref_slice %arg10[%dma_start3A_702, %dma_start3A_703] : memref<160x136xf32, #tpu.memory_space<vmem>> -> memref<32x128xf32, #tpu.memory_space<vmem>>
      %dma_start3A_705 = arith.constant 0 : i32
      %dma_start3A_706 = tpu.memref_slice %arg4[%mul3A_701, %dma_start3A_705] : memref<204800x128xf32, #tpu.memory_space<hbm>> -> memref<32x128xf32, #tpu.memory_space<hbm>>
      %dma_start3A_707 = arith.constant 0 : i32
      %dma_start3A_708 = tpu.memref_slice %arg4[%mul3A_701, %dma_start3A_707] : memref<204800x128xf32, #tpu.memory_space<hbm>> -> memref<32x128xf32, #tpu.memory_space<hbm>>
      %dma_start3A_709 = arith.constant 40 : i32
      %dma_start3A_710 = arith.constant 0 : i32
      %dma_start3A_711 = tpu.memref_slice %arg10[%dma_start3A_709, %dma_start3A_710] : memref<160x136xf32, #tpu.memory_space<vmem>> -> memref<32x128xf32, #tpu.memory_space<vmem>>
      tpu.enqueue_dma source(%dma_start3A_711 : memref<32x128xf32, #tpu.memory_space<vmem>>) target(%dma_start3A_708 : memref<32x128xf32, #tpu.memory_space<hbm>>) target_semaphore(%arg16 : memref<!tpu.dma_semaphore, #tpu.memory_space<semaphore_mem>>)
      %add3A_712 = arith.constant 12800 : i32
      %add3A_713 = arith.addi %add3A_712, %add3A_683 : i32
      %mul3A_714 = arith.constant 8 : i32
      %mul3A_715 = arith.muli %add3A_713, %mul3A_714 : i32
      %dma_start3A_716 = arith.constant 80 : i32
      %dma_start3A_717 = arith.constant 0 : i32
      %dma_start3A_718 = tpu.memref_slice %arg10[%dma_start3A_716, %dma_start3A_717] : memref<160x136xf32, #tpu.memory_space<vmem>> -> memref<32x128xf32, #tpu.memory_space<vmem>>
      %dma_start3A_719 = arith.constant 0 : i32
      %dma_start3A_720 = tpu.memref_slice %arg4[%mul3A_715, %dma_start3A_719] : memref<204800x128xf32, #tpu.memory_space<hbm>> -> memref<32x128xf32, #tpu.memory_space<hbm>>
      %dma_start3A_721 = arith.constant 0 : i32
      %dma_start3A_722 = tpu.memref_slice %arg4[%mul3A_715, %dma_start3A_721] : memref<204800x128xf32, #tpu.memory_space<hbm>> -> memref<32x128xf32, #tpu.memory_space<hbm>>
      %dma_start3A_723 = arith.constant 80 : i32
      %dma_start3A_724 = arith.constant 0 : i32
      %dma_start3A_725 = tpu.memref_slice %arg10[%dma_start3A_723, %dma_start3A_724] : memref<160x136xf32, #tpu.memory_space<vmem>> -> memref<32x128xf32, #tpu.memory_space<vmem>>
      tpu.enqueue_dma source(%dma_start3A_725 : memref<32x128xf32, #tpu.memory_space<vmem>>) target(%dma_start3A_722 : memref<32x128xf32, #tpu.memory_space<hbm>>) target_semaphore(%arg16 : memref<!tpu.dma_semaphore, #tpu.memory_space<semaphore_mem>>)
      %add3A_726 = arith.constant 19200 : i32
      %add3A_727 = arith.addi %add3A_726, %add3A_683 : i32
      %mul3A_728 = arith.constant 8 : i32
      %mul3A_729 = arith.muli %add3A_727, %mul3A_728 : i32
      %dma_start3A_730 = arith.constant 120 : i32
      %dma_start3A_731 = arith.constant 0 : i32
      %dma_start3A_732 = tpu.memref_slice %arg10[%dma_start3A_730, %dma_start3A_731] : memref<160x136xf32, #tpu.memory_space<vmem>> -> memref<32x128xf32, #tpu.memory_space<vmem>>
      %dma_start3A_733 = arith.constant 0 : i32
      %dma_start3A_734 = tpu.memref_slice %arg4[%mul3A_729, %dma_start3A_733] : memref<204800x128xf32, #tpu.memory_space<hbm>> -> memref<32x128xf32, #tpu.memory_space<hbm>>
      %dma_start3A_735 = arith.constant 0 : i32
      %dma_start3A_736 = tpu.memref_slice %arg4[%mul3A_729, %dma_start3A_735] : memref<204800x128xf32, #tpu.memory_space<hbm>> -> memref<32x128xf32, #tpu.memory_space<hbm>>
      %dma_start3A_737 = arith.constant 120 : i32
      %dma_start3A_738 = arith.constant 0 : i32
      %dma_start3A_739 = tpu.memref_slice %arg10[%dma_start3A_737, %dma_start3A_738] : memref<160x136xf32, #tpu.memory_space<vmem>> -> memref<32x128xf32, #tpu.memory_space<vmem>>
      tpu.enqueue_dma source(%dma_start3A_739 : memref<32x128xf32, #tpu.memory_space<vmem>>) target(%dma_start3A_736 : memref<32x128xf32, #tpu.memory_space<hbm>>) target_semaphore(%arg16 : memref<!tpu.dma_semaphore, #tpu.memory_space<semaphore_mem>>)
      %mul3A_740 = arith.constant 2 : i32
      %mul3A_741 = arith.muli %mul3A_740, %scan3A_437 : i32
      %add3A_742 = arith.constant 2 : i32
      %add3A_743 = arith.addi %mul3A_741, %add3A_742 : i32
      %mul3A_744 = arith.constant 8 : i32
      %mul3A_745 = arith.muli %add3A_743, %mul3A_744 : i32
      %add3A_746 = arith.addi %mul3A_2, %mul3A_745 : i32
      %dma_start3A_747 = arith.constant 0 : i32
      %dma_start3A_748 = tpu.memref_slice %arg2[%add3A_746, %dma_start3A_747] : memref<6400x128xi32, #tpu.memory_space<hbm>> -> memref<8x128xi32, #tpu.memory_space<hbm>>
      %dma_start3A_749 = arith.constant 0 : i32
      %dma_start3A_750 = tpu.memref_slice %arg2[%add3A_746, %dma_start3A_749] : memref<6400x128xi32, #tpu.memory_space<hbm>> -> memref<8x128xi32, #tpu.memory_space<hbm>>
      tpu.enqueue_dma source(%dma_start3A_750 : memref<8x128xi32, #tpu.memory_space<hbm>>) target(%arg5 : memref<8x128xi32, #tpu.memory_space<vmem>>) target_semaphore(%arg11 : memref<!tpu.dma_semaphore, #tpu.memory_space<semaphore_mem>>)
      %mul3A_751 = arith.constant 4 : i32
      %mul3A_752 = arith.muli %mul3A_751, %scan3A_437 : i32
      %add3A_753 = arith.constant 3 : i32
      %add3A_754 = arith.addi %mul3A_752, %add3A_753 : i32
      %add3A_755 = arith.constant 0 : i32
      %add3A_756 = arith.addi %mul3A_4, %add3A_755 : i32
      %add3A_757 = arith.constant 0 : i32
      %add3A_758 = arith.addi %add3A_757, %add3A_756 : i32
      %mul3A_759 = arith.constant 8 : i32
      %mul3A_760 = arith.muli %add3A_758, %mul3A_759 : i32
      %dma_wait3A_761 = arith.constant 0 : i32
      %dma_wait3A_762 = arith.constant 0 : i32
      %dma_wait3A_763 = tpu.memref_slice %arg10[%dma_wait3A_761, %dma_wait3A_762] : memref<160x136xf32, #tpu.memory_space<vmem>> -> memref<32x128xf32, #tpu.memory_space<vmem>>
      %dma_wait3A_764 = arith.constant 0 : i32
      %dma_wait3A_765 = tpu.memref_slice %arg4[%mul3A_760, %dma_wait3A_764] : memref<204800x128xf32, #tpu.memory_space<hbm>> -> memref<32x128xf32, #tpu.memory_space<hbm>>
      %dma_wait3A_766 = arith.constant 0 : i32
      %dma_wait3A_767 = tpu.memref_slice %arg4[%mul3A_760, %dma_wait3A_766] : memref<204800x128xf32, #tpu.memory_space<hbm>> -> memref<32x128xf32, #tpu.memory_space<hbm>>
      %dma_wait3A_768 = arith.constant 0 : i32
      %dma_wait3A_769 = arith.constant 0 : i32
      %dma_wait3A_770 = tpu.memref_slice %arg10[%dma_wait3A_768, %dma_wait3A_769] : memref<160x136xf32, #tpu.memory_space<vmem>> -> memref<32x128xf32, #tpu.memory_space<vmem>>
      tpu.wait_dma2 semaphore(%arg16 : memref<!tpu.dma_semaphore, #tpu.memory_space<semaphore_mem>>) src(%dma_wait3A_770 : memref<32x128xf32, #tpu.memory_space<vmem>>) dst(%dma_wait3A_767 : memref<32x128xf32, #tpu.memory_space<hbm>>)
      %add3A_771 = arith.constant 6400 : i32
      %add3A_772 = arith.addi %add3A_771, %add3A_756 : i32
      %mul3A_773 = arith.constant 8 : i32
      %mul3A_774 = arith.muli %add3A_772, %mul3A_773 : i32
      %dma_wait3A_775 = arith.constant 40 : i32
      %dma_wait3A_776 = arith.constant 0 : i32
      %dma_wait3A_777 = tpu.memref_slice %arg10[%dma_wait3A_775, %dma_wait3A_776] : memref<160x136xf32, #tpu.memory_space<vmem>> -> memref<32x128xf32, #tpu.memory_space<vmem>>
      %dma_wait3A_778 = arith.constant 0 : i32
      %dma_wait3A_779 = tpu.memref_slice %arg4[%mul3A_774, %dma_wait3A_778] : memref<204800x128xf32, #tpu.memory_space<hbm>> -> memref<32x128xf32, #tpu.memory_space<hbm>>
      %dma_wait3A_780 = arith.constant 0 : i32
      %dma_wait3A_781 = tpu.memref_slice %arg4[%mul3A_774, %dma_wait3A_780] : memref<204800x128xf32, #tpu.memory_space<hbm>> -> memref<32x128xf32, #tpu.memory_space<hbm>>
      %dma_wait3A_782 = arith.constant 40 : i32
      %dma_wait3A_783 = arith.constant 0 : i32
      %dma_wait3A_784 = tpu.memref_slice %arg10[%dma_wait3A_782, %dma_wait3A_783] : memref<160x136xf32, #tpu.memory_space<vmem>> -> memref<32x128xf32, #tpu.memory_space<vmem>>
      tpu.wait_dma2 semaphore(%arg16 : memref<!tpu.dma_semaphore, #tpu.memory_space<semaphore_mem>>) src(%dma_wait3A_784 : memref<32x128xf32, #tpu.memory_space<vmem>>) dst(%dma_wait3A_781 : memref<32x128xf32, #tpu.memory_space<hbm>>)
      %add3A_785 = arith.constant 12800 : i32
      %add3A_786 = arith.addi %add3A_785, %add3A_756 : i32
      %mul3A_787 = arith.constant 8 : i32
      %mul3A_788 = arith.muli %add3A_786, %mul3A_787 : i32
      %dma_wait3A_789 = arith.constant 80 : i32
      %dma_wait3A_790 = arith.constant 0 : i32
      %dma_wait3A_791 = tpu.memref_slice %arg10[%dma_wait3A_789, %dma_wait3A_790] : memref<160x136xf32, #tpu.memory_space<vmem>> -> memref<32x128xf32, #tpu.memory_space<vmem>>
      %dma_wait3A_792 = arith.constant 0 : i32
      %dma_wait3A_793 = tpu.memref_slice %arg4[%mul3A_788, %dma_wait3A_792] : memref<204800x128xf32, #tpu.memory_space<hbm>> -> memref<32x128xf32, #tpu.memory_space<hbm>>
      %dma_wait3A_794 = arith.constant 0 : i32
      %dma_wait3A_795 = tpu.memref_slice %arg4[%mul3A_788, %dma_wait3A_794] : memref<204800x128xf32, #tpu.memory_space<hbm>> -> memref<32x128xf32, #tpu.memory_space<hbm>>
      %dma_wait3A_796 = arith.constant 80 : i32
      %dma_wait3A_797 = arith.constant 0 : i32
      %dma_wait3A_798 = tpu.memref_slice %arg10[%dma_wait3A_796, %dma_wait3A_797] : memref<160x136xf32, #tpu.memory_space<vmem>> -> memref<32x128xf32, #tpu.memory_space<vmem>>
      tpu.wait_dma2 semaphore(%arg16 : memref<!tpu.dma_semaphore, #tpu.memory_space<semaphore_mem>>) src(%dma_wait3A_798 : memref<32x128xf32, #tpu.memory_space<vmem>>) dst(%dma_wait3A_795 : memref<32x128xf32, #tpu.memory_space<hbm>>)
      %add3A_799 = arith.constant 19200 : i32
      %add3A_800 = arith.addi %add3A_799, %add3A_756 : i32
      %mul3A_801 = arith.constant 8 : i32
      %mul3A_802 = arith.muli %add3A_800, %mul3A_801 : i32
      %dma_wait3A_803 = arith.constant 120 : i32
      %dma_wait3A_804 = arith.constant 0 : i32
      %dma_wait3A_805 = tpu.memref_slice %arg10[%dma_wait3A_803, %dma_wait3A_804] : memref<160x136xf32, #tpu.memory_space<vmem>> -> memref<32x128xf32, #tpu.memory_space<vmem>>
      %dma_wait3A_806 = arith.constant 0 : i32
      %dma_wait3A_807 = tpu.memref_slice %arg4[%mul3A_802, %dma_wait3A_806] : memref<204800x128xf32, #tpu.memory_space<hbm>> -> memref<32x128xf32, #tpu.memory_space<hbm>>
      %dma_wait3A_808 = arith.constant 0 : i32
      %dma_wait3A_809 = tpu.memref_slice %arg4[%mul3A_802, %dma_wait3A_808] : memref<204800x128xf32, #tpu.memory_space<hbm>> -> memref<32x128xf32, #tpu.memory_space<hbm>>
      %dma_wait3A_810 = arith.constant 120 : i32
      %dma_wait3A_811 = arith.constant 0 : i32
      %dma_wait3A_812 = tpu.memref_slice %arg10[%dma_wait3A_810, %dma_wait3A_811] : memref<160x136xf32, #tpu.memory_space<vmem>> -> memref<32x128xf32, #tpu.memory_space<vmem>>
      tpu.wait_dma2 semaphore(%arg16 : memref<!tpu.dma_semaphore, #tpu.memory_space<semaphore_mem>>) src(%dma_wait3A_812 : memref<32x128xf32, #tpu.memory_space<vmem>>) dst(%dma_wait3A_809 : memref<32x128xf32, #tpu.memory_space<hbm>>)
      %dma_start3A_813 = arith.constant 4 : i32
      %dma_start3A_814 = arith.constant 0 : i32
      %dma_start3A_815 = arith.constant 0 : i32
      %dma_start3A_816 = tpu.memref_slice %arg8[%dma_start3A_814, %dma_start3A_815] : memref<512x32xf32, #tpu.memory_space<vmem>> -> memref<128x32xf32, #tpu.memory_space<vmem>>
      %dma_start3A_817 = arith.constant 0 : i32
      %dma_start3A_818 = tpu.memref_slice %arg6[%dma_start3A_813, %dma_start3A_817] : memref<8x128xi32, #tpu.memory_space<vmem>> -> memref<1x128xi32, #tpu.memory_space<vmem>>
      %dma_start3A_819 = tpu.memref_squeeze %dma_start3A_818 : memref<1x128xi32, #tpu.memory_space<vmem>> -> memref<128xi32, #tpu.memory_space<vmem>>
      %dma_start3A_820 = arith.constant 0 : i32
      %dma_start3A_821 = arith.constant 0 : i32
      %dma_start3A_822 = tpu.memref_slice %arg3[%dma_start3A_820, %dma_start3A_821] : memref<1000000x32xf32, #tpu.memory_space<hbm>> -> memref<1000000x32xf32, #tpu.memory_space<hbm>>
      tpu.enqueue_indirect_dma source(%dma_start3A_822 : memref<1000000x32xf32, #tpu.memory_space<hbm>>) target(%dma_start3A_816 : memref<128x32xf32, #tpu.memory_space<vmem>>) offsets(%dma_start3A_819 : memref<128xi32, #tpu.memory_space<vmem>>) semaphore(%arg14 : memref<!tpu.dma_semaphore, #tpu.memory_space<semaphore_mem>>)
      %dma_start3A_823 = arith.constant 5 : i32
      %dma_start3A_824 = arith.constant 128 : i32
      %dma_start3A_825 = arith.constant 0 : i32
      %dma_start3A_826 = tpu.memref_slice %arg8[%dma_start3A_824, %dma_start3A_825] : memref<512x32xf32, #tpu.memory_space<vmem>> -> memref<128x32xf32, #tpu.memory_space<vmem>>
      %dma_start3A_827 = arith.constant 0 : i32
      %dma_start3A_828 = tpu.memref_slice %arg6[%dma_start3A_823, %dma_start3A_827] : memref<8x128xi32, #tpu.memory_space<vmem>> -> memref<1x128xi32, #tpu.memory_space<vmem>>
      %dma_start3A_829 = tpu.memref_squeeze %dma_start3A_828 : memref<1x128xi32, #tpu.memory_space<vmem>> -> memref<128xi32, #tpu.memory_space<vmem>>
      %dma_start3A_830 = arith.constant 0 : i32
      %dma_start3A_831 = arith.constant 0 : i32
      %dma_start3A_832 = tpu.memref_slice %arg3[%dma_start3A_830, %dma_start3A_831] : memref<1000000x32xf32, #tpu.memory_space<hbm>> -> memref<1000000x32xf32, #tpu.memory_space<hbm>>
      tpu.enqueue_indirect_dma source(%dma_start3A_832 : memref<1000000x32xf32, #tpu.memory_space<hbm>>) target(%dma_start3A_826 : memref<128x32xf32, #tpu.memory_space<vmem>>) offsets(%dma_start3A_829 : memref<128xi32, #tpu.memory_space<vmem>>) semaphore(%arg14 : memref<!tpu.dma_semaphore, #tpu.memory_space<semaphore_mem>>)
      %dma_start3A_833 = arith.constant 6 : i32
      %dma_start3A_834 = arith.constant 256 : i32
      %dma_start3A_835 = arith.constant 0 : i32
      %dma_start3A_836 = tpu.memref_slice %arg8[%dma_start3A_834, %dma_start3A_835] : memref<512x32xf32, #tpu.memory_space<vmem>> -> memref<128x32xf32, #tpu.memory_space<vmem>>
      %dma_start3A_837 = arith.constant 0 : i32
      %dma_start3A_838 = tpu.memref_slice %arg6[%dma_start3A_833, %dma_start3A_837] : memref<8x128xi32, #tpu.memory_space<vmem>> -> memref<1x128xi32, #tpu.memory_space<vmem>>
      %dma_start3A_839 = tpu.memref_squeeze %dma_start3A_838 : memref<1x128xi32, #tpu.memory_space<vmem>> -> memref<128xi32, #tpu.memory_space<vmem>>
      %dma_start3A_840 = arith.constant 0 : i32
      %dma_start3A_841 = arith.constant 0 : i32
      %dma_start3A_842 = tpu.memref_slice %arg3[%dma_start3A_840, %dma_start3A_841] : memref<1000000x32xf32, #tpu.memory_space<hbm>> -> memref<1000000x32xf32, #tpu.memory_space<hbm>>
      tpu.enqueue_indirect_dma source(%dma_start3A_842 : memref<1000000x32xf32, #tpu.memory_space<hbm>>) target(%dma_start3A_836 : memref<128x32xf32, #tpu.memory_space<vmem>>) offsets(%dma_start3A_839 : memref<128xi32, #tpu.memory_space<vmem>>) semaphore(%arg14 : memref<!tpu.dma_semaphore, #tpu.memory_space<semaphore_mem>>)
      %dma_start3A_843 = arith.constant 7 : i32
      %dma_start3A_844 = arith.constant 384 : i32
      %dma_start3A_845 = arith.constant 0 : i32
      %dma_start3A_846 = tpu.memref_slice %arg8[%dma_start3A_844, %dma_start3A_845] : memref<512x32xf32, #tpu.memory_space<vmem>> -> memref<128x32xf32, #tpu.memory_space<vmem>>
      %dma_start3A_847 = arith.constant 0 : i32
      %dma_start3A_848 = tpu.memref_slice %arg6[%dma_start3A_843, %dma_start3A_847] : memref<8x128xi32, #tpu.memory_space<vmem>> -> memref<1x128xi32, #tpu.memory_space<vmem>>
      %dma_start3A_849 = tpu.memref_squeeze %dma_start3A_848 : memref<1x128xi32, #tpu.memory_space<vmem>> -> memref<128xi32, #tpu.memory_space<vmem>>
      %dma_start3A_850 = arith.constant 0 : i32
      %dma_start3A_851 = arith.constant 0 : i32
      %dma_start3A_852 = tpu.memref_slice %arg3[%dma_start3A_850, %dma_start3A_851] : memref<1000000x32xf32, #tpu.memory_space<hbm>> -> memref<1000000x32xf32, #tpu.memory_space<hbm>>
      tpu.enqueue_indirect_dma source(%dma_start3A_852 : memref<1000000x32xf32, #tpu.memory_space<hbm>>) target(%dma_start3A_846 : memref<128x32xf32, #tpu.memory_space<vmem>>) offsets(%dma_start3A_849 : memref<128xi32, #tpu.memory_space<vmem>>) semaphore(%arg14 : memref<!tpu.dma_semaphore, #tpu.memory_space<semaphore_mem>>)
      %dma_wait3A_853 = arith.constant 0 : i32
      %dma_wait3A_854 = arith.constant 0 : i32
      %dma_wait3A_855 = tpu.memref_slice %arg3[%dma_wait3A_853, %dma_wait3A_854] : memref<1000000x32xf32, #tpu.memory_space<hbm>> -> memref<512x32xf32, #tpu.memory_space<hbm>>
      %dma_wait3A_856 = arith.constant 0 : i32
      %dma_wait3A_857 = arith.constant 0 : i32
      %dma_wait3A_858 = tpu.memref_slice %arg3[%dma_wait3A_856, %dma_wait3A_857] : memref<1000000x32xf32, #tpu.memory_space<hbm>> -> memref<512x32xf32, #tpu.memory_space<hbm>>
      tpu.wait_dma2 semaphore(%arg13 : memref<!tpu.dma_semaphore, #tpu.memory_space<semaphore_mem>>) src(%dma_wait3A_858 : memref<512x32xf32, #tpu.memory_space<hbm>>) dst(%arg7 : memref<512x32xf32, #tpu.memory_space<vmem>>)
      %scan3A_859 = arith.constant 0 : i32
      %scan3A_860 = arith.constant 0 : i32
      %scan3A_861 = arith.constant 128 : i32
      %scan3A_862 = arith.addi %scan3A_860, %scan3A_861 : i32
      %scan3A_863 = arith.constant 1 : i32
      %scan3A_864 = scf.for %scan3A_1114 = %scan3A_860 to %scan3A_862 step %scan3A_863 iter_args(%scan3A_1115 = %scan3A_859) -> (i32)  : i32 {
        %mul3A_1116 = arith.constant 4 : i32
        %mul3A_1117 = arith.muli %scan3A_1114, %mul3A_1116 : i32
        %add3A_1118 = arith.constant 0 : i32
        %add3A_1119 = arith.addi %mul3A_1117, %add3A_1118 : i32
        %shift_right_arithmetic3A_1120 = arith.constant 7 : i32
        %shift_right_arithmetic3A_1121 = arith.shrsi %add3A_1119, %shift_right_arithmetic3A_1120 : i32
        %mul3A_1122 = arith.constant 8 : i32
        %mul3A_1123 = arith.muli %shift_right_arithmetic3A_1121, %mul3A_1122 : i32
        %and3A_1124 = arith.constant 127 : i32
        %and3A_1125 = arith.andi %add3A_1119, %and3A_1124 : i32
        %add3A_1126 = vector.broadcast %and3A_1125 : i32 to vector<16xi32>
        %add3A_1127 = arith.addi %mul3A_18, %add3A_1126 : vector<16xi32>
        %add3A_1128 = vector.broadcast %mul3A_1123 : i32 to vector<16xi32>
        %add3A_1129 = arith.addi %add3A_12, %add3A_1128 : vector<16xi32>
        %add3A_1130 = vector.broadcast %mul3A_1123 : i32 to vector<16xi32>
        %add3A_1131 = arith.addi %add3A_15, %add3A_1130 : vector<16xi32>
        %get3A = arith.index_cast %add3A_1119 : i32 to index
        %get3A_1132 = arith.constant 0 : index
        %get3A_1133 = tpu.vector_load %arg7[%get3A, %get3A_1132] {strides = array<i32>} : memref<512x32xf32, #tpu.memory_space<vmem>>, vector<16xf32>,
        %get3A_1134 = arith.index_cast %add3A_1119 : i32 to index
        %get3A_1135 = arith.constant 16 : index
        %get3A_1136 = tpu.vector_load %arg7[%get3A_1134, %get3A_1135] {strides = array<i32>} : memref<512x32xf32, #tpu.memory_space<vmem>>, vector<16xf32>,
        tpu.vector_store_idx %arg9[%add3A_1129, %add3A_1127], %get3A_1133 : memref<160x136xf32, #tpu.memory_space<vmem>>[vector<16xi32>, vector<16xi32>], vector<16xf32>,
        tpu.vector_store_idx %arg9[%add3A_1131, %add3A_1127], %get3A_1136 : memref<160x136xf32, #tpu.memory_space<vmem>>[vector<16xi32>, vector<16xi32>], vector<16xf32>,
        %mul3A_1137 = arith.constant 4 : i32
        %mul3A_1138 = arith.muli %scan3A_1114, %mul3A_1137 : i32
        %add3A_1139 = arith.constant 1 : i32
        %add3A_1140 = arith.addi %mul3A_1138, %add3A_1139 : i32
        %shift_right_arithmetic3A_1141 = arith.constant 7 : i32
        %shift_right_arithmetic3A_1142 = arith.shrsi %add3A_1140, %shift_right_arithmetic3A_1141 : i32
        %mul3A_1143 = arith.constant 8 : i32
        %mul3A_1144 = arith.muli %shift_right_arithmetic3A_1142, %mul3A_1143 : i32
        %and3A_1145 = arith.constant 127 : i32
        %and3A_1146 = arith.andi %add3A_1140, %and3A_1145 : i32
        %add3A_1147 = vector.broadcast %and3A_1146 : i32 to vector<16xi32>
        %add3A_1148 = arith.addi %mul3A_18, %add3A_1147 : vector<16xi32>
        %add3A_1149 = vector.broadcast %mul3A_1144 : i32 to vector<16xi32>
        %add3A_1150 = arith.addi %add3A_12, %add3A_1149 : vector<16xi32>
        %add3A_1151 = vector.broadcast %mul3A_1144 : i32 to vector<16xi32>
        %add3A_1152 = arith.addi %add3A_15, %add3A_1151 : vector<16xi32>
        %get3A_1153 = arith.index_cast %add3A_1140 : i32 to index
        %get3A_1154 = arith.constant 0 : index
        %get3A_1155 = tpu.vector_load %arg7[%get3A_1153, %get3A_1154] {strides = array<i32>} : memref<512x32xf32, #tpu.memory_space<vmem>>, vector<16xf32>,
        %get3A_1156 = arith.index_cast %add3A_1140 : i32 to index
        %get3A_1157 = arith.constant 16 : index
        %get3A_1158 = tpu.vector_load %arg7[%get3A_1156, %get3A_1157] {strides = array<i32>} : memref<512x32xf32, #tpu.memory_space<vmem>>, vector<16xf32>,
        tpu.vector_store_idx %arg9[%add3A_1150, %add3A_1148], %get3A_1155 : memref<160x136xf32, #tpu.memory_space<vmem>>[vector<16xi32>, vector<16xi32>], vector<16xf32>,
        tpu.vector_store_idx %arg9[%add3A_1152, %add3A_1148], %get3A_1158 : memref<160x136xf32, #tpu.memory_space<vmem>>[vector<16xi32>, vector<16xi32>], vector<16xf32>,
        %mul3A_1159 = arith.constant 4 : i32
        %mul3A_1160 = arith.muli %scan3A_1114, %mul3A_1159 : i32
        %add3A_1161 = arith.constant 2 : i32
        %add3A_1162 = arith.addi %mul3A_1160, %add3A_1161 : i32
        %shift_right_arithmetic3A_1163 = arith.constant 7 : i32
        %shift_right_arithmetic3A_1164 = arith.shrsi %add3A_1162, %shift_right_arithmetic3A_1163 : i32
        %mul3A_1165 = arith.constant 8 : i32
        %mul3A_1166 = arith.muli %shift_right_arithmetic3A_1164, %mul3A_1165 : i32
        %and3A_1167 = arith.constant 127 : i32
        %and3A_1168 = arith.andi %add3A_1162, %and3A_1167 : i32
        %add3A_1169 = vector.broadcast %and3A_1168 : i32 to vector<16xi32>
        %add3A_1170 = arith.addi %mul3A_18, %add3A_1169 : vector<16xi32>
        %add3A_1171 = vector.broadcast %mul3A_1166 : i32 to vector<16xi32>
        %add3A_1172 = arith.addi %add3A_12, %add3A_1171 : vector<16xi32>
        %add3A_1173 = vector.broadcast %mul3A_1166 : i32 to vector<16xi32>
        %add3A_1174 = arith.addi %add3A_15, %add3A_1173 : vector<16xi32>
        %get3A_1175 = arith.index_cast %add3A_1162 : i32 to index
        %get3A_1176 = arith.constant 0 : index
        %get3A_1177 = tpu.vector_load %arg7[%get3A_1175, %get3A_1176] {strides = array<i32>} : memref<512x32xf32, #tpu.memory_space<vmem>>, vector<16xf32>,
        %get3A_1178 = arith.index_cast %add3A_1162 : i32 to index
        %get3A_1179 = arith.constant 16 : index
        %get3A_1180 = tpu.vector_load %arg7[%get3A_1178, %get3A_1179] {strides = array<i32>} : memref<512x32xf32, #tpu.memory_space<vmem>>, vector<16xf32>,
        tpu.vector_store_idx %arg9[%add3A_1172, %add3A_1170], %get3A_1177 : memref<160x136xf32, #tpu.memory_space<vmem>>[vector<16xi32>, vector<16xi32>], vector<16xf32>,
        tpu.vector_store_idx %arg9[%add3A_1174, %add3A_1170], %get3A_1180 : memref<160x136xf32, #tpu.memory_space<vmem>>[vector<16xi32>, vector<16xi32>], vector<16xf32>,
        %mul3A_1181 = arith.constant 4 : i32
        %mul3A_1182 = arith.muli %scan3A_1114, %mul3A_1181 : i32
        %add3A_1183 = arith.constant 3 : i32
        %add3A_1184 = arith.addi %mul3A_1182, %add3A_1183 : i32
        %shift_right_arithmetic3A_1185 = arith.constant 7 : i32
        %shift_right_arithmetic3A_1186 = arith.shrsi %add3A_1184, %shift_right_arithmetic3A_1185 : i32
        %mul3A_1187 = arith.constant 8 : i32
        %mul3A_1188 = arith.muli %shift_right_arithmetic3A_1186, %mul3A_1187 : i32
        %and3A_1189 = arith.constant 127 : i32
        %and3A_1190 = arith.andi %add3A_1184, %and3A_1189 : i32
        %add3A_1191 = vector.broadcast %and3A_1190 : i32 to vector<16xi32>
        %add3A_1192 = arith.addi %mul3A_18, %add3A_1191 : vector<16xi32>
        %add3A_1193 = vector.broadcast %mul3A_1188 : i32 to vector<16xi32>
        %add3A_1194 = arith.addi %add3A_12, %add3A_1193 : vector<16xi32>
        %add3A_1195 = vector.broadcast %mul3A_1188 : i32 to vector<16xi32>
        %add3A_1196 = arith.addi %add3A_15, %add3A_1195 : vector<16xi32>
        %get3A_1197 = arith.index_cast %add3A_1184 : i32 to index
        %get3A_1198 = arith.constant 0 : index
        %get3A_1199 = tpu.vector_load %arg7[%get3A_1197, %get3A_1198] {strides = array<i32>} : memref<512x32xf32, #tpu.memory_space<vmem>>, vector<16xf32>,
        %get3A_1200 = arith.index_cast %add3A_1184 : i32 to index
        %get3A_1201 = arith.constant 16 : index
        %get3A_1202 = tpu.vector_load %arg7[%get3A_1200, %get3A_1201] {strides = array<i32>} : memref<512x32xf32, #tpu.memory_space<vmem>>, vector<16xf32>,
        tpu.vector_store_idx %arg9[%add3A_1194, %add3A_1192], %get3A_1199 : memref<160x136xf32, #tpu.memory_space<vmem>>[vector<16xi32>, vector<16xi32>], vector<16xf32>,
        tpu.vector_store_idx %arg9[%add3A_1196, %add3A_1192], %get3A_1202 : memref<160x136xf32, #tpu.memory_space<vmem>>[vector<16xi32>, vector<16xi32>], vector<16xf32>,
        %scan3A_1203 = arith.constant 0 : i32
        scf.yield %scan3A_1203 : i32
      }
      %scan3A_865 = arith.constant 128 : i32
      %sub3A_866 = arith.constant 1 : i32
      %sub3A_867 = arith.subi %add3A_754, %sub3A_866 : i32
      %mul3A_868 = arith.constant 4 : i32
      %mul3A_869 = arith.muli %sub3A_867, %mul3A_868 : i32
      %add3A_870 = arith.addi %mul3A_4, %mul3A_869 : i32
      %add3A_871 = arith.constant 0 : i32
      %add3A_872 = arith.addi %add3A_871, %add3A_870 : i32
      %mul3A_873 = arith.constant 8 : i32
      %mul3A_874 = arith.muli %add3A_872, %mul3A_873 : i32
      %dma_start3A_875 = arith.constant 0 : i32
      %dma_start3A_876 = arith.constant 0 : i32
      %dma_start3A_877 = tpu.memref_slice %arg9[%dma_start3A_875, %dma_start3A_876] : memref<160x136xf32, #tpu.memory_space<vmem>> -> memref<32x128xf32, #tpu.memory_space<vmem>>
      %dma_start3A_878 = arith.constant 0 : i32
      %dma_start3A_879 = tpu.memref_slice %arg4[%mul3A_874, %dma_start3A_878] : memref<204800x128xf32, #tpu.memory_space<hbm>> -> memref<32x128xf32, #tpu.memory_space<hbm>>
      %dma_start3A_880 = arith.constant 0 : i32
      %dma_start3A_881 = tpu.memref_slice %arg4[%mul3A_874, %dma_start3A_880] : memref<204800x128xf32, #tpu.memory_space<hbm>> -> memref<32x128xf32, #tpu.memory_space<hbm>>
      %dma_start3A_882 = arith.constant 0 : i32
      %dma_start3A_883 = arith.constant 0 : i32
      %dma_start3A_884 = tpu.memref_slice %arg9[%dma_start3A_882, %dma_start3A_883] : memref<160x136xf32, #tpu.memory_space<vmem>> -> memref<32x128xf32, #tpu.memory_space<vmem>>
      tpu.enqueue_dma source(%dma_start3A_884 : memref<32x128xf32, #tpu.memory_space<vmem>>) target(%dma_start3A_881 : memref<32x128xf32, #tpu.memory_space<hbm>>) target_semaphore(%arg15 : memref<!tpu.dma_semaphore, #tpu.memory_space<semaphore_mem>>)
      %add3A_885 = arith.constant 6400 : i32
      %add3A_886 = arith.addi %add3A_885, %add3A_870 : i32
      %mul3A_887 = arith.constant 8 : i32
      %mul3A_888 = arith.muli %add3A_886, %mul3A_887 : i32
      %dma_start3A_889 = arith.constant 40 : i32
      %dma_start3A_890 = arith.constant 0 : i32
      %dma_start3A_891 = tpu.memref_slice %arg9[%dma_start3A_889, %dma_start3A_890] : memref<160x136xf32, #tpu.memory_space<vmem>> -> memref<32x128xf32, #tpu.memory_space<vmem>>
      %dma_start3A_892 = arith.constant 0 : i32
      %dma_start3A_893 = tpu.memref_slice %arg4[%mul3A_888, %dma_start3A_892] : memref<204800x128xf32, #tpu.memory_space<hbm>> -> memref<32x128xf32, #tpu.memory_space<hbm>>
      %dma_start3A_894 = arith.constant 0 : i32
      %dma_start3A_895 = tpu.memref_slice %arg4[%mul3A_888, %dma_start3A_894] : memref<204800x128xf32, #tpu.memory_space<hbm>> -> memref<32x128xf32, #tpu.memory_space<hbm>>
      %dma_start3A_896 = arith.constant 40 : i32
      %dma_start3A_897 = arith.constant 0 : i32
      %dma_start3A_898 = tpu.memref_slice %arg9[%dma_start3A_896, %dma_start3A_897] : memref<160x136xf32, #tpu.memory_space<vmem>> -> memref<32x128xf32, #tpu.memory_space<vmem>>
      tpu.enqueue_dma source(%dma_start3A_898 : memref<32x128xf32, #tpu.memory_space<vmem>>) target(%dma_start3A_895 : memref<32x128xf32, #tpu.memory_space<hbm>>) target_semaphore(%arg15 : memref<!tpu.dma_semaphore, #tpu.memory_space<semaphore_mem>>)
      %add3A_899 = arith.constant 12800 : i32
      %add3A_900 = arith.addi %add3A_899, %add3A_870 : i32
      %mul3A_901 = arith.constant 8 : i32
      %mul3A_902 = arith.muli %add3A_900, %mul3A_901 : i32
      %dma_start3A_903 = arith.constant 80 : i32
      %dma_start3A_904 = arith.constant 0 : i32
      %dma_start3A_905 = tpu.memref_slice %arg9[%dma_start3A_903, %dma_start3A_904] : memref<160x136xf32, #tpu.memory_space<vmem>> -> memref<32x128xf32, #tpu.memory_space<vmem>>
      %dma_start3A_906 = arith.constant 0 : i32
      %dma_start3A_907 = tpu.memref_slice %arg4[%mul3A_902, %dma_start3A_906] : memref<204800x128xf32, #tpu.memory_space<hbm>> -> memref<32x128xf32, #tpu.memory_space<hbm>>
      %dma_start3A_908 = arith.constant 0 : i32
      %dma_start3A_909 = tpu.memref_slice %arg4[%mul3A_902, %dma_start3A_908] : memref<204800x128xf32, #tpu.memory_space<hbm>> -> memref<32x128xf32, #tpu.memory_space<hbm>>
      %dma_start3A_910 = arith.constant 80 : i32
      %dma_start3A_911 = arith.constant 0 : i32
      %dma_start3A_912 = tpu.memref_slice %arg9[%dma_start3A_910, %dma_start3A_911] : memref<160x136xf32, #tpu.memory_space<vmem>> -> memref<32x128xf32, #tpu.memory_space<vmem>>
      tpu.enqueue_dma source(%dma_start3A_912 : memref<32x128xf32, #tpu.memory_space<vmem>>) target(%dma_start3A_909 : memref<32x128xf32, #tpu.memory_space<hbm>>) target_semaphore(%arg15 : memref<!tpu.dma_semaphore, #tpu.memory_space<semaphore_mem>>)
      %add3A_913 = arith.constant 19200 : i32
      %add3A_914 = arith.addi %add3A_913, %add3A_870 : i32
      %mul3A_915 = arith.constant 8 : i32
      %mul3A_916 = arith.muli %add3A_914, %mul3A_915 : i32
      %dma_start3A_917 = arith.constant 120 : i32
      %dma_start3A_918 = arith.constant 0 : i32
      %dma_start3A_919 = tpu.memref_slice %arg9[%dma_start3A_917, %dma_start3A_918] : memref<160x136xf32, #tpu.memory_space<vmem>> -> memref<32x128xf32, #tpu.memory_space<vmem>>
      %dma_start3A_920 = arith.constant 0 : i32
      %dma_start3A_921 = tpu.memref_slice %arg4[%mul3A_916, %dma_start3A_920] : memref<204800x128xf32, #tpu.memory_space<hbm>> -> memref<32x128xf32, #tpu.memory_space<hbm>>
      %dma_start3A_922 = arith.constant 0 : i32
      %dma_start3A_923 = tpu.memref_slice %arg4[%mul3A_916, %dma_start3A_922] : memref<204800x128xf32, #tpu.memory_space<hbm>> -> memref<32x128xf32, #tpu.memory_space<hbm>>
      %dma_start3A_924 = arith.constant 120 : i32
      %dma_start3A_925 = arith.constant 0 : i32
      %dma_start3A_926 = tpu.memref_slice %arg9[%dma_start3A_924, %dma_start3A_925] : memref<160x136xf32, #tpu.memory_space<vmem>> -> memref<32x128xf32, #tpu.memory_space<vmem>>
      tpu.enqueue_dma source(%dma_start3A_926 : memref<32x128xf32, #tpu.memory_space<vmem>>) target(%dma_start3A_923 : memref<32x128xf32, #tpu.memory_space<hbm>>) target_semaphore(%arg15 : memref<!tpu.dma_semaphore, #tpu.memory_space<semaphore_mem>>)
      %mul3A_927 = arith.constant 4 : i32
      %mul3A_928 = arith.muli %mul3A_927, %scan3A_437 : i32
      %add3A_929 = arith.constant 4 : i32
      %add3A_930 = arith.addi %mul3A_928, %add3A_929 : i32
      %dma_wait3A_931 = arith.constant 0 : i32
      %dma_wait3A_932 = arith.constant 0 : i32
      %dma_wait3A_933 = tpu.memref_slice %arg2[%dma_wait3A_931, %dma_wait3A_932] : memref<6400x128xi32, #tpu.memory_space<hbm>> -> memref<8x128xi32, #tpu.memory_space<hbm>>
      %dma_wait3A_934 = arith.constant 0 : i32
      %dma_wait3A_935 = arith.constant 0 : i32
      %dma_wait3A_936 = tpu.memref_slice %arg2[%dma_wait3A_934, %dma_wait3A_935] : memref<6400x128xi32, #tpu.memory_space<hbm>> -> memref<8x128xi32, #tpu.memory_space<hbm>>
      tpu.wait_dma2 semaphore(%arg11 : memref<!tpu.dma_semaphore, #tpu.memory_space<semaphore_mem>>) src(%dma_wait3A_936 : memref<8x128xi32, #tpu.memory_space<hbm>>) dst(%arg5 : memref<8x128xi32, #tpu.memory_space<vmem>>)
      %add3A_937 = arith.constant 0 : i32
      %add3A_938 = arith.addi %mul3A_4, %add3A_937 : i32
      %add3A_939 = arith.constant 0 : i32
      %add3A_940 = arith.addi %add3A_939, %add3A_938 : i32
      %mul3A_941 = arith.constant 8 : i32
      %mul3A_942 = arith.muli %add3A_940, %mul3A_941 : i32
      %dma_wait3A_943 = arith.constant 0 : i32
      %dma_wait3A_944 = arith.constant 0 : i32
      %dma_wait3A_945 = tpu.memref_slice %arg9[%dma_wait3A_943, %dma_wait3A_944] : memref<160x136xf32, #tpu.memory_space<vmem>> -> memref<32x128xf32, #tpu.memory_space<vmem>>
      %dma_wait3A_946 = arith.constant 0 : i32
      %dma_wait3A_947 = tpu.memref_slice %arg4[%mul3A_942, %dma_wait3A_946] : memref<204800x128xf32, #tpu.memory_space<hbm>> -> memref<32x128xf32, #tpu.memory_space<hbm>>
      %dma_wait3A_948 = arith.constant 0 : i32
      %dma_wait3A_949 = tpu.memref_slice %arg4[%mul3A_942, %dma_wait3A_948] : memref<204800x128xf32, #tpu.memory_space<hbm>> -> memref<32x128xf32, #tpu.memory_space<hbm>>
      %dma_wait3A_950 = arith.constant 0 : i32
      %dma_wait3A_951 = arith.constant 0 : i32
      %dma_wait3A_952 = tpu.memref_slice %arg9[%dma_wait3A_950, %dma_wait3A_951] : memref<160x136xf32, #tpu.memory_space<vmem>> -> memref<32x128xf32, #tpu.memory_space<vmem>>
      tpu.wait_dma2 semaphore(%arg15 : memref<!tpu.dma_semaphore, #tpu.memory_space<semaphore_mem>>) src(%dma_wait3A_952 : memref<32x128xf32, #tpu.memory_space<vmem>>) dst(%dma_wait3A_949 : memref<32x128xf32, #tpu.memory_space<hbm>>)
      %add3A_953 = arith.constant 6400 : i32
      %add3A_954 = arith.addi %add3A_953, %add3A_938 : i32
      %mul3A_955 = arith.constant 8 : i32
      %mul3A_956 = arith.muli %add3A_954, %mul3A_955 : i32
      %dma_wait3A_957 = arith.constant 40 : i32
      %dma_wait3A_958 = arith.constant 0 : i32
      %dma_wait3A_959 = tpu.memref_slice %arg9[%dma_wait3A_957, %dma_wait3A_958] : memref<160x136xf32, #tpu.memory_space<vmem>> -> memref<32x128xf32, #tpu.memory_space<vmem>>
      %dma_wait3A_960 = arith.constant 0 : i32
      %dma_wait3A_961 = tpu.memref_slice %arg4[%mul3A_956, %dma_wait3A_960] : memref<204800x128xf32, #tpu.memory_space<hbm>> -> memref<32x128xf32, #tpu.memory_space<hbm>>
      %dma_wait3A_962 = arith.constant 0 : i32
      %dma_wait3A_963 = tpu.memref_slice %arg4[%mul3A_956, %dma_wait3A_962] : memref<204800x128xf32, #tpu.memory_space<hbm>> -> memref<32x128xf32, #tpu.memory_space<hbm>>
      %dma_wait3A_964 = arith.constant 40 : i32
      %dma_wait3A_965 = arith.constant 0 : i32
      %dma_wait3A_966 = tpu.memref_slice %arg9[%dma_wait3A_964, %dma_wait3A_965] : memref<160x136xf32, #tpu.memory_space<vmem>> -> memref<32x128xf32, #tpu.memory_space<vmem>>
      tpu.wait_dma2 semaphore(%arg15 : memref<!tpu.dma_semaphore, #tpu.memory_space<semaphore_mem>>) src(%dma_wait3A_966 : memref<32x128xf32, #tpu.memory_space<vmem>>) dst(%dma_wait3A_963 : memref<32x128xf32, #tpu.memory_space<hbm>>)
      %add3A_967 = arith.constant 12800 : i32
      %add3A_968 = arith.addi %add3A_967, %add3A_938 : i32
      %mul3A_969 = arith.constant 8 : i32
      %mul3A_970 = arith.muli %add3A_968, %mul3A_969 : i32
      %dma_wait3A_971 = arith.constant 80 : i32
      %dma_wait3A_972 = arith.constant 0 : i32
      %dma_wait3A_973 = tpu.memref_slice %arg9[%dma_wait3A_971, %dma_wait3A_972] : memref<160x136xf32, #tpu.memory_space<vmem>> -> memref<32x128xf32, #tpu.memory_space<vmem>>
      %dma_wait3A_974 = arith.constant 0 : i32
      %dma_wait3A_975 = tpu.memref_slice %arg4[%mul3A_970, %dma_wait3A_974] : memref<204800x128xf32, #tpu.memory_space<hbm>> -> memref<32x128xf32, #tpu.memory_space<hbm>>
      %dma_wait3A_976 = arith.constant 0 : i32
      %dma_wait3A_977 = tpu.memref_slice %arg4[%mul3A_970, %dma_wait3A_976] : memref<204800x128xf32, #tpu.memory_space<hbm>> -> memref<32x128xf32, #tpu.memory_space<hbm>>
      %dma_wait3A_978 = arith.constant 80 : i32
      %dma_wait3A_979 = arith.constant 0 : i32
      %dma_wait3A_980 = tpu.memref_slice %arg9[%dma_wait3A_978, %dma_wait3A_979] : memref<160x136xf32, #tpu.memory_space<vmem>> -> memref<32x128xf32, #tpu.memory_space<vmem>>
      tpu.wait_dma2 semaphore(%arg15 : memref<!tpu.dma_semaphore, #tpu.memory_space<semaphore_mem>>) src(%dma_wait3A_980 : memref<32x128xf32, #tpu.memory_space<vmem>>) dst(%dma_wait3A_977 : memref<32x128xf32, #tpu.memory_space<hbm>>)
      %add3A_981 = arith.constant 19200 : i32
      %add3A_982 = arith.addi %add3A_981, %add3A_938 : i32
      %mul3A_983 = arith.constant 8 : i32
      %mul3A_984 = arith.muli %add3A_982, %mul3A_983 : i32
      %dma_wait3A_985 = arith.constant 120 : i32
      %dma_wait3A_986 = arith.constant 0 : i32
      %dma_wait3A_987 = tpu.memref_slice %arg9[%dma_wait3A_985, %dma_wait3A_986] : memref<160x136xf32, #tpu.memory_space<vmem>> -> memref<32x128xf32, #tpu.memory_space<vmem>>
      %dma_wait3A_988 = arith.constant 0 : i32
      %dma_wait3A_989 = tpu.memref_slice %arg4[%mul3A_984, %dma_wait3A_988] : memref<204800x128xf32, #tpu.memory_space<hbm>> -> memref<32x128xf32, #tpu.memory_space<hbm>>
      %dma_wait3A_990 = arith.constant 0 : i32
      %dma_wait3A_991 = tpu.memref_slice %arg4[%mul3A_984, %dma_wait3A_990] : memref<204800x128xf32, #tpu.memory_space<hbm>> -> memref<32x128xf32, #tpu.memory_space<hbm>>
      %dma_wait3A_992 = arith.constant 120 : i32
      %dma_wait3A_993 = arith.constant 0 : i32
      %dma_wait3A_994 = tpu.memref_slice %arg9[%dma_wait3A_992, %dma_wait3A_993] : memref<160x136xf32, #tpu.memory_space<vmem>> -> memref<32x128xf32, #tpu.memory_space<vmem>>
      tpu.wait_dma2 semaphore(%arg15 : memref<!tpu.dma_semaphore, #tpu.memory_space<semaphore_mem>>) src(%dma_wait3A_994 : memref<32x128xf32, #tpu.memory_space<vmem>>) dst(%dma_wait3A_991 : memref<32x128xf32, #tpu.memory_space<hbm>>)
      %dma_start3A_995 = arith.constant 0 : i32
      %dma_start3A_996 = arith.constant 0 : i32
      %dma_start3A_997 = arith.constant 0 : i32
      %dma_start3A_998 = tpu.memref_slice %arg7[%dma_start3A_996, %dma_start3A_997] : memref<512x32xf32, #tpu.memory_space<vmem>> -> memref<128x32xf32, #tpu.memory_space<vmem>>
      %dma_start3A_999 = arith.constant 0 : i32
      %dma_start3A_1000 = tpu.memref_slice %arg5[%dma_start3A_995, %dma_start3A_999] : memref<8x128xi32, #tpu.memory_space<vmem>> -> memref<1x128xi32, #tpu.memory_space<vmem>>
      %dma_start3A_1001 = tpu.memref_squeeze %dma_start3A_1000 : memref<1x128xi32, #tpu.memory_space<vmem>> -> memref<128xi32, #tpu.memory_space<vmem>>
      %dma_start3A_1002 = arith.constant 0 : i32
      %dma_start3A_1003 = arith.constant 0 : i32
      %dma_start3A_1004 = tpu.memref_slice %arg3[%dma_start3A_1002, %dma_start3A_1003] : memref<1000000x32xf32, #tpu.memory_space<hbm>> -> memref<1000000x32xf32, #tpu.memory_space<hbm>>
      tpu.enqueue_indirect_dma source(%dma_start3A_1004 : memref<1000000x32xf32, #tpu.memory_space<hbm>>) target(%dma_start3A_998 : memref<128x32xf32, #tpu.memory_space<vmem>>) offsets(%dma_start3A_1001 : memref<128xi32, #tpu.memory_space<vmem>>) semaphore(%arg13 : memref<!tpu.dma_semaphore, #tpu.memory_space<semaphore_mem>>)
      %dma_start3A_1005 = arith.constant 1 : i32
      %dma_start3A_1006 = arith.constant 128 : i32
      %dma_start3A_1007 = arith.constant 0 : i32
      %dma_start3A_1008 = tpu.memref_slice %arg7[%dma_start3A_1006, %dma_start3A_1007] : memref<512x32xf32, #tpu.memory_space<vmem>> -> memref<128x32xf32, #tpu.memory_space<vmem>>
      %dma_start3A_1009 = arith.constant 0 : i32
      %dma_start3A_1010 = tpu.memref_slice %arg5[%dma_start3A_1005, %dma_start3A_1009] : memref<8x128xi32, #tpu.memory_space<vmem>> -> memref<1x128xi32, #tpu.memory_space<vmem>>
      %dma_start3A_1011 = tpu.memref_squeeze %dma_start3A_1010 : memref<1x128xi32, #tpu.memory_space<vmem>> -> memref<128xi32, #tpu.memory_space<vmem>>
      %dma_start3A_1012 = arith.constant 0 : i32
      %dma_start3A_1013 = arith.constant 0 : i32
      %dma_start3A_1014 = tpu.memref_slice %arg3[%dma_start3A_1012, %dma_start3A_1013] : memref<1000000x32xf32, #tpu.memory_space<hbm>> -> memref<1000000x32xf32, #tpu.memory_space<hbm>>
      tpu.enqueue_indirect_dma source(%dma_start3A_1014 : memref<1000000x32xf32, #tpu.memory_space<hbm>>) target(%dma_start3A_1008 : memref<128x32xf32, #tpu.memory_space<vmem>>) offsets(%dma_start3A_1011 : memref<128xi32, #tpu.memory_space<vmem>>) semaphore(%arg13 : memref<!tpu.dma_semaphore, #tpu.memory_space<semaphore_mem>>)
      %dma_start3A_1015 = arith.constant 2 : i32
      %dma_start3A_1016 = arith.constant 256 : i32
      %dma_start3A_1017 = arith.constant 0 : i32
      %dma_start3A_1018 = tpu.memref_slice %arg7[%dma_start3A_1016, %dma_start3A_1017] : memref<512x32xf32, #tpu.memory_space<vmem>> -> memref<128x32xf32, #tpu.memory_space<vmem>>
      %dma_start3A_1019 = arith.constant 0 : i32
      %dma_start3A_1020 = tpu.memref_slice %arg5[%dma_start3A_1015, %dma_start3A_1019] : memref<8x128xi32, #tpu.memory_space<vmem>> -> memref<1x128xi32, #tpu.memory_space<vmem>>
      %dma_start3A_1021 = tpu.memref_squeeze %dma_start3A_1020 : memref<1x128xi32, #tpu.memory_space<vmem>> -> memref<128xi32, #tpu.memory_space<vmem>>
      %dma_start3A_1022 = arith.constant 0 : i32
      %dma_start3A_1023 = arith.constant 0 : i32
      %dma_start3A_1024 = tpu.memref_slice %arg3[%dma_start3A_1022, %dma_start3A_1023] : memref<1000000x32xf32, #tpu.memory_space<hbm>> -> memref<1000000x32xf32, #tpu.memory_space<hbm>>
      tpu.enqueue_indirect_dma source(%dma_start3A_1024 : memref<1000000x32xf32, #tpu.memory_space<hbm>>) target(%dma_start3A_1018 : memref<128x32xf32, #tpu.memory_space<vmem>>) offsets(%dma_start3A_1021 : memref<128xi32, #tpu.memory_space<vmem>>) semaphore(%arg13 : memref<!tpu.dma_semaphore, #tpu.memory_space<semaphore_mem>>)
      %dma_start3A_1025 = arith.constant 3 : i32
      %dma_start3A_1026 = arith.constant 384 : i32
      %dma_start3A_1027 = arith.constant 0 : i32
      %dma_start3A_1028 = tpu.memref_slice %arg7[%dma_start3A_1026, %dma_start3A_1027] : memref<512x32xf32, #tpu.memory_space<vmem>> -> memref<128x32xf32, #tpu.memory_space<vmem>>
      %dma_start3A_1029 = arith.constant 0 : i32
      %dma_start3A_1030 = tpu.memref_slice %arg5[%dma_start3A_1025, %dma_start3A_1029] : memref<8x128xi32, #tpu.memory_space<vmem>> -> memref<1x128xi32, #tpu.memory_space<vmem>>
      %dma_start3A_1031 = tpu.memref_squeeze %dma_start3A_1030 : memref<1x128xi32, #tpu.memory_space<vmem>> -> memref<128xi32, #tpu.memory_space<vmem>>
      %dma_start3A_1032 = arith.constant 0 : i32
      %dma_start3A_1033 = arith.constant 0 : i32
      %dma_start3A_1034 = tpu.memref_slice %arg3[%dma_start3A_1032, %dma_start3A_1033] : memref<1000000x32xf32, #tpu.memory_space<hbm>> -> memref<1000000x32xf32, #tpu.memory_space<hbm>>
      tpu.enqueue_indirect_dma source(%dma_start3A_1034 : memref<1000000x32xf32, #tpu.memory_space<hbm>>) target(%dma_start3A_1028 : memref<128x32xf32, #tpu.memory_space<vmem>>) offsets(%dma_start3A_1031 : memref<128xi32, #tpu.memory_space<vmem>>) semaphore(%arg13 : memref<!tpu.dma_semaphore, #tpu.memory_space<semaphore_mem>>)
      %dma_wait3A_1035 = arith.constant 0 : i32
      %dma_wait3A_1036 = arith.constant 0 : i32
      %dma_wait3A_1037 = tpu.memref_slice %arg3[%dma_wait3A_1035, %dma_wait3A_1036] : memref<1000000x32xf32, #tpu.memory_space<hbm>> -> memref<512x32xf32, #tpu.memory_space<hbm>>
      %dma_wait3A_1038 = arith.constant 0 : i32
      %dma_wait3A_1039 = arith.constant 0 : i32
      %dma_wait3A_1040 = tpu.memref_slice %arg3[%dma_wait3A_1038, %dma_wait3A_1039] : memref<1000000x32xf32, #tpu.memory_space<hbm>> -> memref<512x32xf32, #tpu.memory_space<hbm>>
      tpu.wait_dma2 semaphore(%arg14 : memref<!tpu.dma_semaphore, #tpu.memory_space<semaphore_mem>>) src(%dma_wait3A_1040 : memref<512x32xf32, #tpu.memory_space<hbm>>) dst(%arg8 : memref<512x32xf32, #tpu.memory_space<vmem>>)
      %scan3A_1041 = arith.constant 0 : i32
      %scan3A_1042 = arith.constant 0 : i32
      %scan3A_1043 = arith.constant 128 : i32
      %scan3A_1044 = arith.addi %scan3A_1042, %scan3A_1043 : i32
      %scan3A_1045 = arith.constant 1 : i32
      %scan3A_1046 = scf.for %scan3A_1114 = %scan3A_1042 to %scan3A_1044 step %scan3A_1045 iter_args(%scan3A_1115 = %scan3A_1041) -> (i32)  : i32 {
        %mul3A_1116 = arith.constant 4 : i32
        %mul3A_1117 = arith.muli %scan3A_1114, %mul3A_1116 : i32
        %add3A_1118 = arith.constant 0 : i32
        %add3A_1119 = arith.addi %mul3A_1117, %add3A_1118 : i32
        %shift_right_arithmetic3A_1120 = arith.constant 7 : i32
        %shift_right_arithmetic3A_1121 = arith.shrsi %add3A_1119, %shift_right_arithmetic3A_1120 : i32
        %mul3A_1122 = arith.constant 8 : i32
        %mul3A_1123 = arith.muli %shift_right_arithmetic3A_1121, %mul3A_1122 : i32
        %and3A_1124 = arith.constant 127 : i32
        %and3A_1125 = arith.andi %add3A_1119, %and3A_1124 : i32
        %add3A_1126 = vector.broadcast %and3A_1125 : i32 to vector<16xi32>
        %add3A_1127 = arith.addi %mul3A_18, %add3A_1126 : vector<16xi32>
        %add3A_1128 = vector.broadcast %mul3A_1123 : i32 to vector<16xi32>
        %add3A_1129 = arith.addi %add3A_12, %add3A_1128 : vector<16xi32>
        %add3A_1130 = vector.broadcast %mul3A_1123 : i32 to vector<16xi32>
        %add3A_1131 = arith.addi %add3A_15, %add3A_1130 : vector<16xi32>
        %get3A = arith.index_cast %add3A_1119 : i32 to index
        %get3A_1132 = arith.constant 0 : index
        %get3A_1133 = tpu.vector_load %arg8[%get3A, %get3A_1132] {strides = array<i32>} : memref<512x32xf32, #tpu.memory_space<vmem>>, vector<16xf32>,
        %get3A_1134 = arith.index_cast %add3A_1119 : i32 to index
        %get3A_1135 = arith.constant 16 : index
        %get3A_1136 = tpu.vector_load %arg8[%get3A_1134, %get3A_1135] {strides = array<i32>} : memref<512x32xf32, #tpu.memory_space<vmem>>, vector<16xf32>,
        tpu.vector_store_idx %arg10[%add3A_1129, %add3A_1127], %get3A_1133 : memref<160x136xf32, #tpu.memory_space<vmem>>[vector<16xi32>, vector<16xi32>], vector<16xf32>,
        tpu.vector_store_idx %arg10[%add3A_1131, %add3A_1127], %get3A_1136 : memref<160x136xf32, #tpu.memory_space<vmem>>[vector<16xi32>, vector<16xi32>], vector<16xf32>,
        %mul3A_1137 = arith.constant 4 : i32
        %mul3A_1138 = arith.muli %scan3A_1114, %mul3A_1137 : i32
        %add3A_1139 = arith.constant 1 : i32
        %add3A_1140 = arith.addi %mul3A_1138, %add3A_1139 : i32
        %shift_right_arithmetic3A_1141 = arith.constant 7 : i32
        %shift_right_arithmetic3A_1142 = arith.shrsi %add3A_1140, %shift_right_arithmetic3A_1141 : i32
        %mul3A_1143 = arith.constant 8 : i32
        %mul3A_1144 = arith.muli %shift_right_arithmetic3A_1142, %mul3A_1143 : i32
        %and3A_1145 = arith.constant 127 : i32
        %and3A_1146 = arith.andi %add3A_1140, %and3A_1145 : i32
        %add3A_1147 = vector.broadcast %and3A_1146 : i32 to vector<16xi32>
        %add3A_1148 = arith.addi %mul3A_18, %add3A_1147 : vector<16xi32>
        %add3A_1149 = vector.broadcast %mul3A_1144 : i32 to vector<16xi32>
        %add3A_1150 = arith.addi %add3A_12, %add3A_1149 : vector<16xi32>
        %add3A_1151 = vector.broadcast %mul3A_1144 : i32 to vector<16xi32>
        %add3A_1152 = arith.addi %add3A_15, %add3A_1151 : vector<16xi32>
        %get3A_1153 = arith.index_cast %add3A_1140 : i32 to index
        %get3A_1154 = arith.constant 0 : index
        %get3A_1155 = tpu.vector_load %arg8[%get3A_1153, %get3A_1154] {strides = array<i32>} : memref<512x32xf32, #tpu.memory_space<vmem>>, vector<16xf32>,
        %get3A_1156 = arith.index_cast %add3A_1140 : i32 to index
        %get3A_1157 = arith.constant 16 : index
        %get3A_1158 = tpu.vector_load %arg8[%get3A_1156, %get3A_1157] {strides = array<i32>} : memref<512x32xf32, #tpu.memory_space<vmem>>, vector<16xf32>,
        tpu.vector_store_idx %arg10[%add3A_1150, %add3A_1148], %get3A_1155 : memref<160x136xf32, #tpu.memory_space<vmem>>[vector<16xi32>, vector<16xi32>], vector<16xf32>,
        tpu.vector_store_idx %arg10[%add3A_1152, %add3A_1148], %get3A_1158 : memref<160x136xf32, #tpu.memory_space<vmem>>[vector<16xi32>, vector<16xi32>], vector<16xf32>,
        %mul3A_1159 = arith.constant 4 : i32
        %mul3A_1160 = arith.muli %scan3A_1114, %mul3A_1159 : i32
        %add3A_1161 = arith.constant 2 : i32
        %add3A_1162 = arith.addi %mul3A_1160, %add3A_1161 : i32
        %shift_right_arithmetic3A_1163 = arith.constant 7 : i32
        %shift_right_arithmetic3A_1164 = arith.shrsi %add3A_1162, %shift_right_arithmetic3A_1163 : i32
        %mul3A_1165 = arith.constant 8 : i32
        %mul3A_1166 = arith.muli %shift_right_arithmetic3A_1164, %mul3A_1165 : i32
        %and3A_1167 = arith.constant 127 : i32
        %and3A_1168 = arith.andi %add3A_1162, %and3A_1167 : i32
        %add3A_1169 = vector.broadcast %and3A_1168 : i32 to vector<16xi32>
        %add3A_1170 = arith.addi %mul3A_18, %add3A_1169 : vector<16xi32>
        %add3A_1171 = vector.broadcast %mul3A_1166 : i32 to vector<16xi32>
        %add3A_1172 = arith.addi %add3A_12, %add3A_1171 : vector<16xi32>
        %add3A_1173 = vector.broadcast %mul3A_1166 : i32 to vector<16xi32>
        %add3A_1174 = arith.addi %add3A_15, %add3A_1173 : vector<16xi32>
        %get3A_1175 = arith.index_cast %add3A_1162 : i32 to index
        %get3A_1176 = arith.constant 0 : index
        %get3A_1177 = tpu.vector_load %arg8[%get3A_1175, %get3A_1176] {strides = array<i32>} : memref<512x32xf32, #tpu.memory_space<vmem>>, vector<16xf32>,
        %get3A_1178 = arith.index_cast %add3A_1162 : i32 to index
        %get3A_1179 = arith.constant 16 : index
        %get3A_1180 = tpu.vector_load %arg8[%get3A_1178, %get3A_1179] {strides = array<i32>} : memref<512x32xf32, #tpu.memory_space<vmem>>, vector<16xf32>,
        tpu.vector_store_idx %arg10[%add3A_1172, %add3A_1170], %get3A_1177 : memref<160x136xf32, #tpu.memory_space<vmem>>[vector<16xi32>, vector<16xi32>], vector<16xf32>,
        tpu.vector_store_idx %arg10[%add3A_1174, %add3A_1170], %get3A_1180 : memref<160x136xf32, #tpu.memory_space<vmem>>[vector<16xi32>, vector<16xi32>], vector<16xf32>,
        %mul3A_1181 = arith.constant 4 : i32
        %mul3A_1182 = arith.muli %scan3A_1114, %mul3A_1181 : i32
        %add3A_1183 = arith.constant 3 : i32
        %add3A_1184 = arith.addi %mul3A_1182, %add3A_1183 : i32
        %shift_right_arithmetic3A_1185 = arith.constant 7 : i32
        %shift_right_arithmetic3A_1186 = arith.shrsi %add3A_1184, %shift_right_arithmetic3A_1185 : i32
        %mul3A_1187 = arith.constant 8 : i32
        %mul3A_1188 = arith.muli %shift_right_arithmetic3A_1186, %mul3A_1187 : i32
        %and3A_1189 = arith.constant 127 : i32
        %and3A_1190 = arith.andi %add3A_1184, %and3A_1189 : i32
        %add3A_1191 = vector.broadcast %and3A_1190 : i32 to vector<16xi32>
        %add3A_1192 = arith.addi %mul3A_18, %add3A_1191 : vector<16xi32>
        %add3A_1193 = vector.broadcast %mul3A_1188 : i32 to vector<16xi32>
        %add3A_1194 = arith.addi %add3A_12, %add3A_1193 : vector<16xi32>
        %add3A_1195 = vector.broadcast %mul3A_1188 : i32 to vector<16xi32>
        %add3A_1196 = arith.addi %add3A_15, %add3A_1195 : vector<16xi32>
        %get3A_1197 = arith.index_cast %add3A_1184 : i32 to index
        %get3A_1198 = arith.constant 0 : index
        %get3A_1199 = tpu.vector_load %arg8[%get3A_1197, %get3A_1198] {strides = array<i32>} : memref<512x32xf32, #tpu.memory_space<vmem>>, vector<16xf32>,
        %get3A_1200 = arith.index_cast %add3A_1184 : i32 to index
        %get3A_1201 = arith.constant 16 : index
        %get3A_1202 = tpu.vector_load %arg8[%get3A_1200, %get3A_1201] {strides = array<i32>} : memref<512x32xf32, #tpu.memory_space<vmem>>, vector<16xf32>,
        tpu.vector_store_idx %arg10[%add3A_1194, %add3A_1192], %get3A_1199 : memref<160x136xf32, #tpu.memory_space<vmem>>[vector<16xi32>, vector<16xi32>], vector<16xf32>,
        tpu.vector_store_idx %arg10[%add3A_1196, %add3A_1192], %get3A_1202 : memref<160x136xf32, #tpu.memory_space<vmem>>[vector<16xi32>, vector<16xi32>], vector<16xf32>,
        %scan3A_1203 = arith.constant 0 : i32
        scf.yield %scan3A_1203 : i32
      }
      %scan3A_1047 = arith.constant 128 : i32
      %sub3A_1048 = arith.constant 1 : i32
      %sub3A_1049 = arith.subi %add3A_930, %sub3A_1048 : i32
      %mul3A_1050 = arith.constant 4 : i32
      %mul3A_1051 = arith.muli %sub3A_1049, %mul3A_1050 : i32
      %add3A_1052 = arith.addi %mul3A_4, %mul3A_1051 : i32
      %add3A_1053 = arith.constant 0 : i32
      %add3A_1054 = arith.addi %add3A_1053, %add3A_1052 : i32
      %mul3A_1055 = arith.constant 8 : i32
      %mul3A_1056 = arith.muli %add3A_1054, %mul3A_1055 : i32
      %dma_start3A_1057 = arith.constant 0 : i32
      %dma_start3A_1058 = arith.constant 0 : i32
      %dma_start3A_1059 = tpu.memref_slice %arg10[%dma_start3A_1057, %dma_start3A_1058] : memref<160x136xf32, #tpu.memory_space<vmem>> -> memref<32x128xf32, #tpu.memory_space<vmem>>
      %dma_start3A_1060 = arith.constant 0 : i32
      %dma_start3A_1061 = tpu.memref_slice %arg4[%mul3A_1056, %dma_start3A_1060] : memref<204800x128xf32, #tpu.memory_space<hbm>> -> memref<32x128xf32, #tpu.memory_space<hbm>>
      %dma_start3A_1062 = arith.constant 0 : i32
      %dma_start3A_1063 = tpu.memref_slice %arg4[%mul3A_1056, %dma_start3A_1062] : memref<204800x128xf32, #tpu.memory_space<hbm>> -> memref<32x128xf32, #tpu.memory_space<hbm>>
      %dma_start3A_1064 = arith.constant 0 : i32
      %dma_start3A_1065 = arith.constant 0 : i32
      %dma_start3A_1066 = tpu.memref_slice %arg10[%dma_start3A_1064, %dma_start3A_1065] : memref<160x136xf32, #tpu.memory_space<vmem>> -> memref<32x128xf32, #tpu.memory_space<vmem>>
      tpu.enqueue_dma source(%dma_start3A_1066 : memref<32x128xf32, #tpu.memory_space<vmem>>) target(%dma_start3A_1063 : memref<32x128xf32, #tpu.memory_space<hbm>>) target_semaphore(%arg16 : memref<!tpu.dma_semaphore, #tpu.memory_space<semaphore_mem>>)
      %add3A_1067 = arith.constant 6400 : i32
      %add3A_1068 = arith.addi %add3A_1067, %add3A_1052 : i32
      %mul3A_1069 = arith.constant 8 : i32
      %mul3A_1070 = arith.muli %add3A_1068, %mul3A_1069 : i32
      %dma_start3A_1071 = arith.constant 40 : i32
      %dma_start3A_1072 = arith.constant 0 : i32
      %dma_start3A_1073 = tpu.memref_slice %arg10[%dma_start3A_1071, %dma_start3A_1072] : memref<160x136xf32, #tpu.memory_space<vmem>> -> memref<32x128xf32, #tpu.memory_space<vmem>>
      %dma_start3A_1074 = arith.constant 0 : i32
      %dma_start3A_1075 = tpu.memref_slice %arg4[%mul3A_1070, %dma_start3A_1074] : memref<204800x128xf32, #tpu.memory_space<hbm>> -> memref<32x128xf32, #tpu.memory_space<hbm>>
      %dma_start3A_1076 = arith.constant 0 : i32
      %dma_start3A_1077 = tpu.memref_slice %arg4[%mul3A_1070, %dma_start3A_1076] : memref<204800x128xf32, #tpu.memory_space<hbm>> -> memref<32x128xf32, #tpu.memory_space<hbm>>
      %dma_start3A_1078 = arith.constant 40 : i32
      %dma_start3A_1079 = arith.constant 0 : i32
      %dma_start3A_1080 = tpu.memref_slice %arg10[%dma_start3A_1078, %dma_start3A_1079] : memref<160x136xf32, #tpu.memory_space<vmem>> -> memref<32x128xf32, #tpu.memory_space<vmem>>
      tpu.enqueue_dma source(%dma_start3A_1080 : memref<32x128xf32, #tpu.memory_space<vmem>>) target(%dma_start3A_1077 : memref<32x128xf32, #tpu.memory_space<hbm>>) target_semaphore(%arg16 : memref<!tpu.dma_semaphore, #tpu.memory_space<semaphore_mem>>)
      %add3A_1081 = arith.constant 12800 : i32
      %add3A_1082 = arith.addi %add3A_1081, %add3A_1052 : i32
      %mul3A_1083 = arith.constant 8 : i32
      %mul3A_1084 = arith.muli %add3A_1082, %mul3A_1083 : i32
      %dma_start3A_1085 = arith.constant 80 : i32
      %dma_start3A_1086 = arith.constant 0 : i32
      %dma_start3A_1087 = tpu.memref_slice %arg10[%dma_start3A_1085, %dma_start3A_1086] : memref<160x136xf32, #tpu.memory_space<vmem>> -> memref<32x128xf32, #tpu.memory_space<vmem>>
      %dma_start3A_1088 = arith.constant 0 : i32
      %dma_start3A_1089 = tpu.memref_slice %arg4[%mul3A_1084, %dma_start3A_1088] : memref<204800x128xf32, #tpu.memory_space<hbm>> -> memref<32x128xf32, #tpu.memory_space<hbm>>
      %dma_start3A_1090 = arith.constant 0 : i32
      %dma_start3A_1091 = tpu.memref_slice %arg4[%mul3A_1084, %dma_start3A_1090] : memref<204800x128xf32, #tpu.memory_space<hbm>> -> memref<32x128xf32, #tpu.memory_space<hbm>>
      %dma_start3A_1092 = arith.constant 80 : i32
      %dma_start3A_1093 = arith.constant 0 : i32
      %dma_start3A_1094 = tpu.memref_slice %arg10[%dma_start3A_1092, %dma_start3A_1093] : memref<160x136xf32, #tpu.memory_space<vmem>> -> memref<32x128xf32, #tpu.memory_space<vmem>>
      tpu.enqueue_dma source(%dma_start3A_1094 : memref<32x128xf32, #tpu.memory_space<vmem>>) target(%dma_start3A_1091 : memref<32x128xf32, #tpu.memory_space<hbm>>) target_semaphore(%arg16 : memref<!tpu.dma_semaphore, #tpu.memory_space<semaphore_mem>>)
      %add3A_1095 = arith.constant 19200 : i32
      %add3A_1096 = arith.addi %add3A_1095, %add3A_1052 : i32
      %mul3A_1097 = arith.constant 8 : i32
      %mul3A_1098 = arith.muli %add3A_1096, %mul3A_1097 : i32
      %dma_start3A_1099 = arith.constant 120 : i32
      %dma_start3A_1100 = arith.constant 0 : i32
      %dma_start3A_1101 = tpu.memref_slice %arg10[%dma_start3A_1099, %dma_start3A_1100] : memref<160x136xf32, #tpu.memory_space<vmem>> -> memref<32x128xf32, #tpu.memory_space<vmem>>
      %dma_start3A_1102 = arith.constant 0 : i32
      %dma_start3A_1103 = tpu.memref_slice %arg4[%mul3A_1098, %dma_start3A_1102] : memref<204800x128xf32, #tpu.memory_space<hbm>> -> memref<32x128xf32, #tpu.memory_space<hbm>>
      %dma_start3A_1104 = arith.constant 0 : i32
      %dma_start3A_1105 = tpu.memref_slice %arg4[%mul3A_1098, %dma_start3A_1104] : memref<204800x128xf32, #tpu.memory_space<hbm>> -> memref<32x128xf32, #tpu.memory_space<hbm>>
      %dma_start3A_1106 = arith.constant 120 : i32
      %dma_start3A_1107 = arith.constant 0 : i32
      %dma_start3A_1108 = tpu.memref_slice %arg10[%dma_start3A_1106, %dma_start3A_1107] : memref<160x136xf32, #tpu.memory_space<vmem>> -> memref<32x128xf32, #tpu.memory_space<vmem>>
      tpu.enqueue_dma source(%dma_start3A_1108 : memref<32x128xf32, #tpu.memory_space<vmem>>) target(%dma_start3A_1105 : memref<32x128xf32, #tpu.memory_space<hbm>>) target_semaphore(%arg16 : memref<!tpu.dma_semaphore, #tpu.memory_space<semaphore_mem>>)
      %lt3A = arith.constant 11 : i32
      %lt3A_1109 = arith.cmpi slt, %scan3A_437, %lt3A : i32
      %convert_element_type3A_1110 = arith.extui %lt3A_1109 : i1 to i32
      %cond3A_1111 = arith.constant 0 : i32
      %cond3A_1112 = arith.cmpi ne, %convert_element_type3A_1110, %cond3A_1111 : i32
      scf.if %cond3A_1112 {
        %mul3A_1114 = arith.constant 2 : i32
        %mul3A_1115 = arith.muli %mul3A_1114, %scan3A_437 : i32
        %add3A_1116 = arith.constant 3 : i32
        %add3A_1117 = arith.addi %mul3A_1115, %add3A_1116 : i32
        %mul3A_1118 = arith.constant 8 : i32
        %mul3A_1119 = arith.muli %add3A_1117, %mul3A_1118 : i32
        %add3A_1120 = arith.addi %mul3A_2, %mul3A_1119 : i32
        %dma_start3A_1121 = arith.constant 0 : i32
        %dma_start3A_1122 = tpu.memref_slice %arg2[%add3A_1120, %dma_start3A_1121] : memref<6400x128xi32, #tpu.memory_space<hbm>> -> memref<8x128xi32, #tpu.memory_space<hbm>>
        %dma_start3A_1123 = arith.constant 0 : i32
        %dma_start3A_1124 = tpu.memref_slice %arg2[%add3A_1120, %dma_start3A_1123] : memref<6400x128xi32, #tpu.memory_space<hbm>> -> memref<8x128xi32, #tpu.memory_space<hbm>>
        tpu.enqueue_dma source(%dma_start3A_1124 : memref<8x128xi32, #tpu.memory_space<hbm>>) target(%arg6 : memref<8x128xi32, #tpu.memory_space<vmem>>) target_semaphore(%arg12 : memref<!tpu.dma_semaphore, #tpu.memory_space<semaphore_mem>>)
      } else {
      }
      %scan3A_1113 = arith.constant 0 : i32
      scf.yield %scan3A_1113 : i32
    }
    %scan3A_80 = arith.constant 12 : i32
    %add3A_81 = arith.constant 0 : i32
    %add3A_82 = arith.addi %mul3A_4, %add3A_81 : i32
    %add3A_83 = arith.constant 0 : i32
    %add3A_84 = arith.addi %add3A_83, %add3A_82 : i32
    %mul3A_85 = arith.constant 8 : i32
    %mul3A_86 = arith.muli %add3A_84, %mul3A_85 : i32
    %dma_wait3A_87 = arith.constant 0 : i32
    %dma_wait3A_88 = arith.constant 0 : i32
    %dma_wait3A_89 = tpu.memref_slice %arg10[%dma_wait3A_87, %dma_wait3A_88] : memref<160x136xf32, #tpu.memory_space<vmem>> -> memref<32x128xf32, #tpu.memory_space<vmem>>
    %dma_wait3A_90 = arith.constant 0 : i32
    %dma_wait3A_91 = tpu.memref_slice %arg4[%mul3A_86, %dma_wait3A_90] : memref<204800x128xf32, #tpu.memory_space<hbm>> -> memref<32x128xf32, #tpu.memory_space<hbm>>
    %dma_wait3A_92 = arith.constant 0 : i32
    %dma_wait3A_93 = tpu.memref_slice %arg4[%mul3A_86, %dma_wait3A_92] : memref<204800x128xf32, #tpu.memory_space<hbm>> -> memref<32x128xf32, #tpu.memory_space<hbm>>
    %dma_wait3A_94 = arith.constant 0 : i32
    %dma_wait3A_95 = arith.constant 0 : i32
    %dma_wait3A_96 = tpu.memref_slice %arg10[%dma_wait3A_94, %dma_wait3A_95] : memref<160x136xf32, #tpu.memory_space<vmem>> -> memref<32x128xf32, #tpu.memory_space<vmem>>
    tpu.wait_dma2 semaphore(%arg16 : memref<!tpu.dma_semaphore, #tpu.memory_space<semaphore_mem>>) src(%dma_wait3A_96 : memref<32x128xf32, #tpu.memory_space<vmem>>) dst(%dma_wait3A_93 : memref<32x128xf32, #tpu.memory_space<hbm>>)
    %add3A_97 = arith.constant 6400 : i32
    %add3A_98 = arith.addi %add3A_97, %add3A_82 : i32
    %mul3A_99 = arith.constant 8 : i32
    %mul3A_100 = arith.muli %add3A_98, %mul3A_99 : i32
    %dma_wait3A_101 = arith.constant 40 : i32
    %dma_wait3A_102 = arith.constant 0 : i32
    %dma_wait3A_103 = tpu.memref_slice %arg10[%dma_wait3A_101, %dma_wait3A_102] : memref<160x136xf32, #tpu.memory_space<vmem>> -> memref<32x128xf32, #tpu.memory_space<vmem>>
    %dma_wait3A_104 = arith.constant 0 : i32
    %dma_wait3A_105 = tpu.memref_slice %arg4[%mul3A_100, %dma_wait3A_104] : memref<204800x128xf32, #tpu.memory_space<hbm>> -> memref<32x128xf32, #tpu.memory_space<hbm>>
    %dma_wait3A_106 = arith.constant 0 : i32
    %dma_wait3A_107 = tpu.memref_slice %arg4[%mul3A_100, %dma_wait3A_106] : memref<204800x128xf32, #tpu.memory_space<hbm>> -> memref<32x128xf32, #tpu.memory_space<hbm>>
    %dma_wait3A_108 = arith.constant 40 : i32
    %dma_wait3A_109 = arith.constant 0 : i32
    %dma_wait3A_110 = tpu.memref_slice %arg10[%dma_wait3A_108, %dma_wait3A_109] : memref<160x136xf32, #tpu.memory_space<vmem>> -> memref<32x128xf32, #tpu.memory_space<vmem>>
    tpu.wait_dma2 semaphore(%arg16 : memref<!tpu.dma_semaphore, #tpu.memory_space<semaphore_mem>>) src(%dma_wait3A_110 : memref<32x128xf32, #tpu.memory_space<vmem>>) dst(%dma_wait3A_107 : memref<32x128xf32, #tpu.memory_space<hbm>>)
    %add3A_111 = arith.constant 12800 : i32
    %add3A_112 = arith.addi %add3A_111, %add3A_82 : i32
    %mul3A_113 = arith.constant 8 : i32
    %mul3A_114 = arith.muli %add3A_112, %mul3A_113 : i32
    %dma_wait3A_115 = arith.constant 80 : i32
    %dma_wait3A_116 = arith.constant 0 : i32
    %dma_wait3A_117 = tpu.memref_slice %arg10[%dma_wait3A_115, %dma_wait3A_116] : memref<160x136xf32, #tpu.memory_space<vmem>> -> memref<32x128xf32, #tpu.memory_space<vmem>>
    %dma_wait3A_118 = arith.constant 0 : i32
    %dma_wait3A_119 = tpu.memref_slice %arg4[%mul3A_114, %dma_wait3A_118] : memref<204800x128xf32, #tpu.memory_space<hbm>> -> memref<32x128xf32, #tpu.memory_space<hbm>>
    %dma_wait3A_120 = arith.constant 0 : i32
    %dma_wait3A_121 = tpu.memref_slice %arg4[%mul3A_114, %dma_wait3A_120] : memref<204800x128xf32, #tpu.memory_space<hbm>> -> memref<32x128xf32, #tpu.memory_space<hbm>>
    %dma_wait3A_122 = arith.constant 80 : i32
    %dma_wait3A_123 = arith.constant 0 : i32
    %dma_wait3A_124 = tpu.memref_slice %arg10[%dma_wait3A_122, %dma_wait3A_123] : memref<160x136xf32, #tpu.memory_space<vmem>> -> memref<32x128xf32, #tpu.memory_space<vmem>>
    tpu.wait_dma2 semaphore(%arg16 : memref<!tpu.dma_semaphore, #tpu.memory_space<semaphore_mem>>) src(%dma_wait3A_124 : memref<32x128xf32, #tpu.memory_space<vmem>>) dst(%dma_wait3A_121 : memref<32x128xf32, #tpu.memory_space<hbm>>)
    %add3A_125 = arith.constant 19200 : i32
    %add3A_126 = arith.addi %add3A_125, %add3A_82 : i32
    %mul3A_127 = arith.constant 8 : i32
    %mul3A_128 = arith.muli %add3A_126, %mul3A_127 : i32
    %dma_wait3A_129 = arith.constant 120 : i32
    %dma_wait3A_130 = arith.constant 0 : i32
    %dma_wait3A_131 = tpu.memref_slice %arg10[%dma_wait3A_129, %dma_wait3A_130] : memref<160x136xf32, #tpu.memory_space<vmem>> -> memref<32x128xf32, #tpu.memory_space<vmem>>
    %dma_wait3A_132 = arith.constant 0 : i32
    %dma_wait3A_133 = tpu.memref_slice %arg4[%mul3A_128, %dma_wait3A_132] : memref<204800x128xf32, #tpu.memory_space<hbm>> -> memref<32x128xf32, #tpu.memory_space<hbm>>
    %dma_wait3A_134 = arith.constant 0 : i32
    %dma_wait3A_135 = tpu.memref_slice %arg4[%mul3A_128, %dma_wait3A_134] : memref<204800x128xf32, #tpu.memory_space<hbm>> -> memref<32x128xf32, #tpu.memory_space<hbm>>
    %dma_wait3A_136 = arith.constant 120 : i32
    %dma_wait3A_137 = arith.constant 0 : i32
    %dma_wait3A_138 = tpu.memref_slice %arg10[%dma_wait3A_136, %dma_wait3A_137] : memref<160x136xf32, #tpu.memory_space<vmem>> -> memref<32x128xf32, #tpu.memory_space<vmem>>
    tpu.wait_dma2 semaphore(%arg16 : memref<!tpu.dma_semaphore, #tpu.memory_space<semaphore_mem>>) src(%dma_wait3A_138 : memref<32x128xf32, #tpu.memory_space<vmem>>) dst(%dma_wait3A_135 : memref<32x128xf32, #tpu.memory_space<hbm>>)
    %dma_start3A_139 = arith.constant 4 : i32
    %dma_start3A_140 = arith.constant 0 : i32
    %dma_start3A_141 = arith.constant 0 : i32
    %dma_start3A_142 = tpu.memref_slice %arg8[%dma_start3A_140, %dma_start3A_141] : memref<512x32xf32, #tpu.memory_space<vmem>> -> memref<128x32xf32, #tpu.memory_space<vmem>>
    %dma_start3A_143 = arith.constant 0 : i32
    %dma_start3A_144 = tpu.memref_slice %arg5[%dma_start3A_139, %dma_start3A_143] : memref<8x128xi32, #tpu.memory_space<vmem>> -> memref<1x128xi32, #tpu.memory_space<vmem>>
    %dma_start3A_145 = tpu.memref_squeeze %dma_start3A_144 : memref<1x128xi32, #tpu.memory_space<vmem>> -> memref<128xi32, #tpu.memory_space<vmem>>
    %dma_start3A_146 = arith.constant 0 : i32
    %dma_start3A_147 = arith.constant 0 : i32
    %dma_start3A_148 = tpu.memref_slice %arg3[%dma_start3A_146, %dma_start3A_147] : memref<1000000x32xf32, #tpu.memory_space<hbm>> -> memref<1000000x32xf32, #tpu.memory_space<hbm>>
    tpu.enqueue_indirect_dma source(%dma_start3A_148 : memref<1000000x32xf32, #tpu.memory_space<hbm>>) target(%dma_start3A_142 : memref<128x32xf32, #tpu.memory_space<vmem>>) offsets(%dma_start3A_145 : memref<128xi32, #tpu.memory_space<vmem>>) semaphore(%arg14 : memref<!tpu.dma_semaphore, #tpu.memory_space<semaphore_mem>>)
    %dma_start3A_149 = arith.constant 5 : i32
    %dma_start3A_150 = arith.constant 128 : i32
    %dma_start3A_151 = arith.constant 0 : i32
    %dma_start3A_152 = tpu.memref_slice %arg8[%dma_start3A_150, %dma_start3A_151] : memref<512x32xf32, #tpu.memory_space<vmem>> -> memref<128x32xf32, #tpu.memory_space<vmem>>
    %dma_start3A_153 = arith.constant 0 : i32
    %dma_start3A_154 = tpu.memref_slice %arg5[%dma_start3A_149, %dma_start3A_153] : memref<8x128xi32, #tpu.memory_space<vmem>> -> memref<1x128xi32, #tpu.memory_space<vmem>>
    %dma_start3A_155 = tpu.memref_squeeze %dma_start3A_154 : memref<1x128xi32, #tpu.memory_space<vmem>> -> memref<128xi32, #tpu.memory_space<vmem>>
    %dma_start3A_156 = arith.constant 0 : i32
    %dma_start3A_157 = arith.constant 0 : i32
    %dma_start3A_158 = tpu.memref_slice %arg3[%dma_start3A_156, %dma_start3A_157] : memref<1000000x32xf32, #tpu.memory_space<hbm>> -> memref<1000000x32xf32, #tpu.memory_space<hbm>>
    tpu.enqueue_indirect_dma source(%dma_start3A_158 : memref<1000000x32xf32, #tpu.memory_space<hbm>>) target(%dma_start3A_152 : memref<128x32xf32, #tpu.memory_space<vmem>>) offsets(%dma_start3A_155 : memref<128xi32, #tpu.memory_space<vmem>>) semaphore(%arg14 : memref<!tpu.dma_semaphore, #tpu.memory_space<semaphore_mem>>)
    %dma_start3A_159 = arith.constant 6 : i32
    %dma_start3A_160 = arith.constant 256 : i32
    %dma_start3A_161 = arith.constant 0 : i32
    %dma_start3A_162 = tpu.memref_slice %arg8[%dma_start3A_160, %dma_start3A_161] : memref<512x32xf32, #tpu.memory_space<vmem>> -> memref<128x32xf32, #tpu.memory_space<vmem>>
    %dma_start3A_163 = arith.constant 0 : i32
    %dma_start3A_164 = tpu.memref_slice %arg5[%dma_start3A_159, %dma_start3A_163] : memref<8x128xi32, #tpu.memory_space<vmem>> -> memref<1x128xi32, #tpu.memory_space<vmem>>
    %dma_start3A_165 = tpu.memref_squeeze %dma_start3A_164 : memref<1x128xi32, #tpu.memory_space<vmem>> -> memref<128xi32, #tpu.memory_space<vmem>>
    %dma_start3A_166 = arith.constant 0 : i32
    %dma_start3A_167 = arith.constant 0 : i32
    %dma_start3A_168 = tpu.memref_slice %arg3[%dma_start3A_166, %dma_start3A_167] : memref<1000000x32xf32, #tpu.memory_space<hbm>> -> memref<1000000x32xf32, #tpu.memory_space<hbm>>
    tpu.enqueue_indirect_dma source(%dma_start3A_168 : memref<1000000x32xf32, #tpu.memory_space<hbm>>) target(%dma_start3A_162 : memref<128x32xf32, #tpu.memory_space<vmem>>) offsets(%dma_start3A_165 : memref<128xi32, #tpu.memory_space<vmem>>) semaphore(%arg14 : memref<!tpu.dma_semaphore, #tpu.memory_space<semaphore_mem>>)
    %dma_start3A_169 = arith.constant 7 : i32
    %dma_start3A_170 = arith.constant 384 : i32
    %dma_start3A_171 = arith.constant 0 : i32
    %dma_start3A_172 = tpu.memref_slice %arg8[%dma_start3A_170, %dma_start3A_171] : memref<512x32xf32, #tpu.memory_space<vmem>> -> memref<128x32xf32, #tpu.memory_space<vmem>>
    %dma_start3A_173 = arith.constant 0 : i32
    %dma_start3A_174 = tpu.memref_slice %arg5[%dma_start3A_169, %dma_start3A_173] : memref<8x128xi32, #tpu.memory_space<vmem>> -> memref<1x128xi32, #tpu.memory_space<vmem>>
    %dma_start3A_175 = tpu.memref_squeeze %dma_start3A_174 : memref<1x128xi32, #tpu.memory_space<vmem>> -> memref<128xi32, #tpu.memory_space<vmem>>
    %dma_start3A_176 = arith.constant 0 : i32
    %dma_start3A_177 = arith.constant 0 : i32
    %dma_start3A_178 = tpu.memref_slice %arg3[%dma_start3A_176, %dma_start3A_177] : memref<1000000x32xf32, #tpu.memory_space<hbm>> -> memref<1000000x32xf32, #tpu.memory_space<hbm>>
    tpu.enqueue_indirect_dma source(%dma_start3A_178 : memref<1000000x32xf32, #tpu.memory_space<hbm>>) target(%dma_start3A_172 : memref<128x32xf32, #tpu.memory_space<vmem>>) offsets(%dma_start3A_175 : memref<128xi32, #tpu.memory_space<vmem>>) semaphore(%arg14 : memref<!tpu.dma_semaphore, #tpu.memory_space<semaphore_mem>>)
    %dma_wait3A_179 = arith.constant 0 : i32
    %dma_wait3A_180 = arith.constant 0 : i32
    %dma_wait3A_181 = tpu.memref_slice %arg3[%dma_wait3A_179, %dma_wait3A_180] : memref<1000000x32xf32, #tpu.memory_space<hbm>> -> memref<512x32xf32, #tpu.memory_space<hbm>>
    %dma_wait3A_182 = arith.constant 0 : i32
    %dma_wait3A_183 = arith.constant 0 : i32
    %dma_wait3A_184 = tpu.memref_slice %arg3[%dma_wait3A_182, %dma_wait3A_183] : memref<1000000x32xf32, #tpu.memory_space<hbm>> -> memref<512x32xf32, #tpu.memory_space<hbm>>
    tpu.wait_dma2 semaphore(%arg13 : memref<!tpu.dma_semaphore, #tpu.memory_space<semaphore_mem>>) src(%dma_wait3A_184 : memref<512x32xf32, #tpu.memory_space<hbm>>) dst(%arg7 : memref<512x32xf32, #tpu.memory_space<vmem>>)
    %scan3A_185 = arith.constant 0 : i32
    %scan3A_186 = arith.constant 0 : i32
    %scan3A_187 = arith.constant 128 : i32
    %scan3A_188 = arith.addi %scan3A_186, %scan3A_187 : i32
    %scan3A_189 = arith.constant 1 : i32
    %scan3A_190 = scf.for %scan3A_437 = %scan3A_186 to %scan3A_188 step %scan3A_189 iter_args(%scan3A_438 = %scan3A_185) -> (i32)  : i32 {
      %mul3A_439 = arith.constant 4 : i32
      %mul3A_440 = arith.muli %scan3A_437, %mul3A_439 : i32
      %add3A_441 = arith.constant 0 : i32
      %add3A_442 = arith.addi %mul3A_440, %add3A_441 : i32
      %shift_right_arithmetic3A_443 = arith.constant 7 : i32
      %shift_right_arithmetic3A_444 = arith.shrsi %add3A_442, %shift_right_arithmetic3A_443 : i32
      %mul3A_445 = arith.constant 8 : i32
      %mul3A_446 = arith.muli %shift_right_arithmetic3A_444, %mul3A_445 : i32
      %and3A_447 = arith.constant 127 : i32
      %and3A_448 = arith.andi %add3A_442, %and3A_447 : i32
      %add3A_449 = vector.broadcast %and3A_448 : i32 to vector<16xi32>
      %add3A_450 = arith.addi %mul3A_18, %add3A_449 : vector<16xi32>
      %add3A_451 = vector.broadcast %mul3A_446 : i32 to vector<16xi32>
      %add3A_452 = arith.addi %add3A_12, %add3A_451 : vector<16xi32>
      %add3A_453 = vector.broadcast %mul3A_446 : i32 to vector<16xi32>
      %add3A_454 = arith.addi %add3A_15, %add3A_453 : vector<16xi32>
      %get3A = arith.index_cast %add3A_442 : i32 to index
      %get3A_455 = arith.constant 0 : index
      %get3A_456 = tpu.vector_load %arg7[%get3A, %get3A_455] {strides = array<i32>} : memref<512x32xf32, #tpu.memory_space<vmem>>, vector<16xf32>,
      %get3A_457 = arith.index_cast %add3A_442 : i32 to index
      %get3A_458 = arith.constant 16 : index
      %get3A_459 = tpu.vector_load %arg7[%get3A_457, %get3A_458] {strides = array<i32>} : memref<512x32xf32, #tpu.memory_space<vmem>>, vector<16xf32>,
      tpu.vector_store_idx %arg9[%add3A_452, %add3A_450], %get3A_456 : memref<160x136xf32, #tpu.memory_space<vmem>>[vector<16xi32>, vector<16xi32>], vector<16xf32>,
      tpu.vector_store_idx %arg9[%add3A_454, %add3A_450], %get3A_459 : memref<160x136xf32, #tpu.memory_space<vmem>>[vector<16xi32>, vector<16xi32>], vector<16xf32>,
      %mul3A_460 = arith.constant 4 : i32
      %mul3A_461 = arith.muli %scan3A_437, %mul3A_460 : i32
      %add3A_462 = arith.constant 1 : i32
      %add3A_463 = arith.addi %mul3A_461, %add3A_462 : i32
      %shift_right_arithmetic3A_464 = arith.constant 7 : i32
      %shift_right_arithmetic3A_465 = arith.shrsi %add3A_463, %shift_right_arithmetic3A_464 : i32
      %mul3A_466 = arith.constant 8 : i32
      %mul3A_467 = arith.muli %shift_right_arithmetic3A_465, %mul3A_466 : i32
      %and3A_468 = arith.constant 127 : i32
      %and3A_469 = arith.andi %add3A_463, %and3A_468 : i32
      %add3A_470 = vector.broadcast %and3A_469 : i32 to vector<16xi32>
      %add3A_471 = arith.addi %mul3A_18, %add3A_470 : vector<16xi32>
      %add3A_472 = vector.broadcast %mul3A_467 : i32 to vector<16xi32>
      %add3A_473 = arith.addi %add3A_12, %add3A_472 : vector<16xi32>
      %add3A_474 = vector.broadcast %mul3A_467 : i32 to vector<16xi32>
      %add3A_475 = arith.addi %add3A_15, %add3A_474 : vector<16xi32>
      %get3A_476 = arith.index_cast %add3A_463 : i32 to index
      %get3A_477 = arith.constant 0 : index
      %get3A_478 = tpu.vector_load %arg7[%get3A_476, %get3A_477] {strides = array<i32>} : memref<512x32xf32, #tpu.memory_space<vmem>>, vector<16xf32>,
      %get3A_479 = arith.index_cast %add3A_463 : i32 to index
      %get3A_480 = arith.constant 16 : index
      %get3A_481 = tpu.vector_load %arg7[%get3A_479, %get3A_480] {strides = array<i32>} : memref<512x32xf32, #tpu.memory_space<vmem>>, vector<16xf32>,
      tpu.vector_store_idx %arg9[%add3A_473, %add3A_471], %get3A_478 : memref<160x136xf32, #tpu.memory_space<vmem>>[vector<16xi32>, vector<16xi32>], vector<16xf32>,
      tpu.vector_store_idx %arg9[%add3A_475, %add3A_471], %get3A_481 : memref<160x136xf32, #tpu.memory_space<vmem>>[vector<16xi32>, vector<16xi32>], vector<16xf32>,
      %mul3A_482 = arith.constant 4 : i32
      %mul3A_483 = arith.muli %scan3A_437, %mul3A_482 : i32
      %add3A_484 = arith.constant 2 : i32
      %add3A_485 = arith.addi %mul3A_483, %add3A_484 : i32
      %shift_right_arithmetic3A_486 = arith.constant 7 : i32
      %shift_right_arithmetic3A_487 = arith.shrsi %add3A_485, %shift_right_arithmetic3A_486 : i32
      %mul3A_488 = arith.constant 8 : i32
      %mul3A_489 = arith.muli %shift_right_arithmetic3A_487, %mul3A_488 : i32
      %and3A_490 = arith.constant 127 : i32
      %and3A_491 = arith.andi %add3A_485, %and3A_490 : i32
      %add3A_492 = vector.broadcast %and3A_491 : i32 to vector<16xi32>
      %add3A_493 = arith.addi %mul3A_18, %add3A_492 : vector<16xi32>
      %add3A_494 = vector.broadcast %mul3A_489 : i32 to vector<16xi32>
      %add3A_495 = arith.addi %add3A_12, %add3A_494 : vector<16xi32>
      %add3A_496 = vector.broadcast %mul3A_489 : i32 to vector<16xi32>
      %add3A_497 = arith.addi %add3A_15, %add3A_496 : vector<16xi32>
      %get3A_498 = arith.index_cast %add3A_485 : i32 to index
      %get3A_499 = arith.constant 0 : index
      %get3A_500 = tpu.vector_load %arg7[%get3A_498, %get3A_499] {strides = array<i32>} : memref<512x32xf32, #tpu.memory_space<vmem>>, vector<16xf32>,
      %get3A_501 = arith.index_cast %add3A_485 : i32 to index
      %get3A_502 = arith.constant 16 : index
      %get3A_503 = tpu.vector_load %arg7[%get3A_501, %get3A_502] {strides = array<i32>} : memref<512x32xf32, #tpu.memory_space<vmem>>, vector<16xf32>,
      tpu.vector_store_idx %arg9[%add3A_495, %add3A_493], %get3A_500 : memref<160x136xf32, #tpu.memory_space<vmem>>[vector<16xi32>, vector<16xi32>], vector<16xf32>,
      tpu.vector_store_idx %arg9[%add3A_497, %add3A_493], %get3A_503 : memref<160x136xf32, #tpu.memory_space<vmem>>[vector<16xi32>, vector<16xi32>], vector<16xf32>,
      %mul3A_504 = arith.constant 4 : i32
      %mul3A_505 = arith.muli %scan3A_437, %mul3A_504 : i32
      %add3A_506 = arith.constant 3 : i32
      %add3A_507 = arith.addi %mul3A_505, %add3A_506 : i32
      %shift_right_arithmetic3A_508 = arith.constant 7 : i32
      %shift_right_arithmetic3A_509 = arith.shrsi %add3A_507, %shift_right_arithmetic3A_508 : i32
      %mul3A_510 = arith.constant 8 : i32
      %mul3A_511 = arith.muli %shift_right_arithmetic3A_509, %mul3A_510 : i32
      %and3A_512 = arith.constant 127 : i32
      %and3A_513 = arith.andi %add3A_507, %and3A_512 : i32
      %add3A_514 = vector.broadcast %and3A_513 : i32 to vector<16xi32>
      %add3A_515 = arith.addi %mul3A_18, %add3A_514 : vector<16xi32>
      %add3A_516 = vector.broadcast %mul3A_511 : i32 to vector<16xi32>
      %add3A_517 = arith.addi %add3A_12, %add3A_516 : vector<16xi32>
      %add3A_518 = vector.broadcast %mul3A_511 : i32 to vector<16xi32>
      %add3A_519 = arith.addi %add3A_15, %add3A_518 : vector<16xi32>
      %get3A_520 = arith.index_cast %add3A_507 : i32 to index
      %get3A_521 = arith.constant 0 : index
      %get3A_522 = tpu.vector_load %arg7[%get3A_520, %get3A_521] {strides = array<i32>} : memref<512x32xf32, #tpu.memory_space<vmem>>, vector<16xf32>,
      %get3A_523 = arith.index_cast %add3A_507 : i32 to index
      %get3A_524 = arith.constant 16 : index
      %get3A_525 = tpu.vector_load %arg7[%get3A_523, %get3A_524] {strides = array<i32>} : memref<512x32xf32, #tpu.memory_space<vmem>>, vector<16xf32>,
      tpu.vector_store_idx %arg9[%add3A_517, %add3A_515], %get3A_522 : memref<160x136xf32, #tpu.memory_space<vmem>>[vector<16xi32>, vector<16xi32>], vector<16xf32>,
      tpu.vector_store_idx %arg9[%add3A_519, %add3A_515], %get3A_525 : memref<160x136xf32, #tpu.memory_space<vmem>>[vector<16xi32>, vector<16xi32>], vector<16xf32>,
      %scan3A_526 = arith.constant 0 : i32
      scf.yield %scan3A_526 : i32
    }
    %scan3A_191 = arith.constant 128 : i32
    %add3A_192 = arith.constant 192 : i32
    %add3A_193 = arith.addi %mul3A_4, %add3A_192 : i32
    %add3A_194 = arith.constant 0 : i32
    %add3A_195 = arith.addi %add3A_194, %add3A_193 : i32
    %mul3A_196 = arith.constant 8 : i32
    %mul3A_197 = arith.muli %add3A_195, %mul3A_196 : i32
    %dma_start3A_198 = arith.constant 0 : i32
    %dma_start3A_199 = arith.constant 0 : i32
    %dma_start3A_200 = tpu.memref_slice %arg9[%dma_start3A_198, %dma_start3A_199] : memref<160x136xf32, #tpu.memory_space<vmem>> -> memref<32x128xf32, #tpu.memory_space<vmem>>
    %dma_start3A_201 = arith.constant 0 : i32
    %dma_start3A_202 = tpu.memref_slice %arg4[%mul3A_197, %dma_start3A_201] : memref<204800x128xf32, #tpu.memory_space<hbm>> -> memref<32x128xf32, #tpu.memory_space<hbm>>
    %dma_start3A_203 = arith.constant 0 : i32
    %dma_start3A_204 = tpu.memref_slice %arg4[%mul3A_197, %dma_start3A_203] : memref<204800x128xf32, #tpu.memory_space<hbm>> -> memref<32x128xf32, #tpu.memory_space<hbm>>
    %dma_start3A_205 = arith.constant 0 : i32
    %dma_start3A_206 = arith.constant 0 : i32
    %dma_start3A_207 = tpu.memref_slice %arg9[%dma_start3A_205, %dma_start3A_206] : memref<160x136xf32, #tpu.memory_space<vmem>> -> memref<32x128xf32, #tpu.memory_space<vmem>>
    tpu.enqueue_dma source(%dma_start3A_207 : memref<32x128xf32, #tpu.memory_space<vmem>>) target(%dma_start3A_204 : memref<32x128xf32, #tpu.memory_space<hbm>>) target_semaphore(%arg15 : memref<!tpu.dma_semaphore, #tpu.memory_space<semaphore_mem>>)
    %add3A_208 = arith.constant 6400 : i32
    %add3A_209 = arith.addi %add3A_208, %add3A_193 : i32
    %mul3A_210 = arith.constant 8 : i32
    %mul3A_211 = arith.muli %add3A_209, %mul3A_210 : i32
    %dma_start3A_212 = arith.constant 40 : i32
    %dma_start3A_213 = arith.constant 0 : i32
    %dma_start3A_214 = tpu.memref_slice %arg9[%dma_start3A_212, %dma_start3A_213] : memref<160x136xf32, #tpu.memory_space<vmem>> -> memref<32x128xf32, #tpu.memory_space<vmem>>
    %dma_start3A_215 = arith.constant 0 : i32
    %dma_start3A_216 = tpu.memref_slice %arg4[%mul3A_211, %dma_start3A_215] : memref<204800x128xf32, #tpu.memory_space<hbm>> -> memref<32x128xf32, #tpu.memory_space<hbm>>
    %dma_start3A_217 = arith.constant 0 : i32
    %dma_start3A_218 = tpu.memref_slice %arg4[%mul3A_211, %dma_start3A_217] : memref<204800x128xf32, #tpu.memory_space<hbm>> -> memref<32x128xf32, #tpu.memory_space<hbm>>
    %dma_start3A_219 = arith.constant 40 : i32
    %dma_start3A_220 = arith.constant 0 : i32
    %dma_start3A_221 = tpu.memref_slice %arg9[%dma_start3A_219, %dma_start3A_220] : memref<160x136xf32, #tpu.memory_space<vmem>> -> memref<32x128xf32, #tpu.memory_space<vmem>>
    tpu.enqueue_dma source(%dma_start3A_221 : memref<32x128xf32, #tpu.memory_space<vmem>>) target(%dma_start3A_218 : memref<32x128xf32, #tpu.memory_space<hbm>>) target_semaphore(%arg15 : memref<!tpu.dma_semaphore, #tpu.memory_space<semaphore_mem>>)
    %add3A_222 = arith.constant 12800 : i32
    %add3A_223 = arith.addi %add3A_222, %add3A_193 : i32
    %mul3A_224 = arith.constant 8 : i32
    %mul3A_225 = arith.muli %add3A_223, %mul3A_224 : i32
    %dma_start3A_226 = arith.constant 80 : i32
    %dma_start3A_227 = arith.constant 0 : i32
    %dma_start3A_228 = tpu.memref_slice %arg9[%dma_start3A_226, %dma_start3A_227] : memref<160x136xf32, #tpu.memory_space<vmem>> -> memref<32x128xf32, #tpu.memory_space<vmem>>
    %dma_start3A_229 = arith.constant 0 : i32
    %dma_start3A_230 = tpu.memref_slice %arg4[%mul3A_225, %dma_start3A_229] : memref<204800x128xf32, #tpu.memory_space<hbm>> -> memref<32x128xf32, #tpu.memory_space<hbm>>
    %dma_start3A_231 = arith.constant 0 : i32
    %dma_start3A_232 = tpu.memref_slice %arg4[%mul3A_225, %dma_start3A_231] : memref<204800x128xf32, #tpu.memory_space<hbm>> -> memref<32x128xf32, #tpu.memory_space<hbm>>
    %dma_start3A_233 = arith.constant 80 : i32
    %dma_start3A_234 = arith.constant 0 : i32
    %dma_start3A_235 = tpu.memref_slice %arg9[%dma_start3A_233, %dma_start3A_234] : memref<160x136xf32, #tpu.memory_space<vmem>> -> memref<32x128xf32, #tpu.memory_space<vmem>>
    tpu.enqueue_dma source(%dma_start3A_235 : memref<32x128xf32, #tpu.memory_space<vmem>>) target(%dma_start3A_232 : memref<32x128xf32, #tpu.memory_space<hbm>>) target_semaphore(%arg15 : memref<!tpu.dma_semaphore, #tpu.memory_space<semaphore_mem>>)
    %add3A_236 = arith.constant 19200 : i32
    %add3A_237 = arith.addi %add3A_236, %add3A_193 : i32
    %mul3A_238 = arith.constant 8 : i32
    %mul3A_239 = arith.muli %add3A_237, %mul3A_238 : i32
    %dma_start3A_240 = arith.constant 120 : i32
    %dma_start3A_241 = arith.constant 0 : i32
    %dma_start3A_242 = tpu.memref_slice %arg9[%dma_start3A_240, %dma_start3A_241] : memref<160x136xf32, #tpu.memory_space<vmem>> -> memref<32x128xf32, #tpu.memory_space<vmem>>
    %dma_start3A_243 = arith.constant 0 : i32
    %dma_start3A_244 = tpu.memref_slice %arg4[%mul3A_239, %dma_start3A_243] : memref<204800x128xf32, #tpu.memory_space<hbm>> -> memref<32x128xf32, #tpu.memory_space<hbm>>
    %dma_start3A_245 = arith.constant 0 : i32
    %dma_start3A_246 = tpu.memref_slice %arg4[%mul3A_239, %dma_start3A_245] : memref<204800x128xf32, #tpu.memory_space<hbm>> -> memref<32x128xf32, #tpu.memory_space<hbm>>
    %dma_start3A_247 = arith.constant 120 : i32
    %dma_start3A_248 = arith.constant 0 : i32
    %dma_start3A_249 = tpu.memref_slice %arg9[%dma_start3A_247, %dma_start3A_248] : memref<160x136xf32, #tpu.memory_space<vmem>> -> memref<32x128xf32, #tpu.memory_space<vmem>>
    tpu.enqueue_dma source(%dma_start3A_249 : memref<32x128xf32, #tpu.memory_space<vmem>>) target(%dma_start3A_246 : memref<32x128xf32, #tpu.memory_space<hbm>>) target_semaphore(%arg15 : memref<!tpu.dma_semaphore, #tpu.memory_space<semaphore_mem>>)
    %dma_wait3A_250 = arith.constant 0 : i32
    %dma_wait3A_251 = arith.constant 0 : i32
    %dma_wait3A_252 = tpu.memref_slice %arg3[%dma_wait3A_250, %dma_wait3A_251] : memref<1000000x32xf32, #tpu.memory_space<hbm>> -> memref<512x32xf32, #tpu.memory_space<hbm>>
    %dma_wait3A_253 = arith.constant 0 : i32
    %dma_wait3A_254 = arith.constant 0 : i32
    %dma_wait3A_255 = tpu.memref_slice %arg3[%dma_wait3A_253, %dma_wait3A_254] : memref<1000000x32xf32, #tpu.memory_space<hbm>> -> memref<512x32xf32, #tpu.memory_space<hbm>>
    tpu.wait_dma2 semaphore(%arg14 : memref<!tpu.dma_semaphore, #tpu.memory_space<semaphore_mem>>) src(%dma_wait3A_255 : memref<512x32xf32, #tpu.memory_space<hbm>>) dst(%arg8 : memref<512x32xf32, #tpu.memory_space<vmem>>)
    %scan3A_256 = arith.constant 0 : i32
    %scan3A_257 = arith.constant 0 : i32
    %scan3A_258 = arith.constant 128 : i32
    %scan3A_259 = arith.addi %scan3A_257, %scan3A_258 : i32
    %scan3A_260 = arith.constant 1 : i32
    %scan3A_261 = scf.for %scan3A_437 = %scan3A_257 to %scan3A_259 step %scan3A_260 iter_args(%scan3A_438 = %scan3A_256) -> (i32)  : i32 {
      %mul3A_439 = arith.constant 4 : i32
      %mul3A_440 = arith.muli %scan3A_437, %mul3A_439 : i32
      %add3A_441 = arith.constant 0 : i32
      %add3A_442 = arith.addi %mul3A_440, %add3A_441 : i32
      %shift_right_arithmetic3A_443 = arith.constant 7 : i32
      %shift_right_arithmetic3A_444 = arith.shrsi %add3A_442, %shift_right_arithmetic3A_443 : i32
      %mul3A_445 = arith.constant 8 : i32
      %mul3A_446 = arith.muli %shift_right_arithmetic3A_444, %mul3A_445 : i32
      %and3A_447 = arith.constant 127 : i32
      %and3A_448 = arith.andi %add3A_442, %and3A_447 : i32
      %add3A_449 = vector.broadcast %and3A_448 : i32 to vector<16xi32>
      %add3A_450 = arith.addi %mul3A_18, %add3A_449 : vector<16xi32>
      %add3A_451 = vector.broadcast %mul3A_446 : i32 to vector<16xi32>
      %add3A_452 = arith.addi %add3A_12, %add3A_451 : vector<16xi32>
      %add3A_453 = vector.broadcast %mul3A_446 : i32 to vector<16xi32>
      %add3A_454 = arith.addi %add3A_15, %add3A_453 : vector<16xi32>
      %get3A = arith.index_cast %add3A_442 : i32 to index
      %get3A_455 = arith.constant 0 : index
      %get3A_456 = tpu.vector_load %arg8[%get3A, %get3A_455] {strides = array<i32>} : memref<512x32xf32, #tpu.memory_space<vmem>>, vector<16xf32>,
      %get3A_457 = arith.index_cast %add3A_442 : i32 to index
      %get3A_458 = arith.constant 16 : index
      %get3A_459 = tpu.vector_load %arg8[%get3A_457, %get3A_458] {strides = array<i32>} : memref<512x32xf32, #tpu.memory_space<vmem>>, vector<16xf32>,
      tpu.vector_store_idx %arg10[%add3A_452, %add3A_450], %get3A_456 : memref<160x136xf32, #tpu.memory_space<vmem>>[vector<16xi32>, vector<16xi32>], vector<16xf32>,
      tpu.vector_store_idx %arg10[%add3A_454, %add3A_450], %get3A_459 : memref<160x136xf32, #tpu.memory_space<vmem>>[vector<16xi32>, vector<16xi32>], vector<16xf32>,
      %mul3A_460 = arith.constant 4 : i32
      %mul3A_461 = arith.muli %scan3A_437, %mul3A_460 : i32
      %add3A_462 = arith.constant 1 : i32
      %add3A_463 = arith.addi %mul3A_461, %add3A_462 : i32
      %shift_right_arithmetic3A_464 = arith.constant 7 : i32
      %shift_right_arithmetic3A_465 = arith.shrsi %add3A_463, %shift_right_arithmetic3A_464 : i32
      %mul3A_466 = arith.constant 8 : i32
      %mul3A_467 = arith.muli %shift_right_arithmetic3A_465, %mul3A_466 : i32
      %and3A_468 = arith.constant 127 : i32
      %and3A_469 = arith.andi %add3A_463, %and3A_468 : i32
      %add3A_470 = vector.broadcast %and3A_469 : i32 to vector<16xi32>
      %add3A_471 = arith.addi %mul3A_18, %add3A_470 : vector<16xi32>
      %add3A_472 = vector.broadcast %mul3A_467 : i32 to vector<16xi32>
      %add3A_473 = arith.addi %add3A_12, %add3A_472 : vector<16xi32>
      %add3A_474 = vector.broadcast %mul3A_467 : i32 to vector<16xi32>
      %add3A_475 = arith.addi %add3A_15, %add3A_474 : vector<16xi32>
      %get3A_476 = arith.index_cast %add3A_463 : i32 to index
      %get3A_477 = arith.constant 0 : index
      %get3A_478 = tpu.vector_load %arg8[%get3A_476, %get3A_477] {strides = array<i32>} : memref<512x32xf32, #tpu.memory_space<vmem>>, vector<16xf32>,
      %get3A_479 = arith.index_cast %add3A_463 : i32 to index
      %get3A_480 = arith.constant 16 : index
      %get3A_481 = tpu.vector_load %arg8[%get3A_479, %get3A_480] {strides = array<i32>} : memref<512x32xf32, #tpu.memory_space<vmem>>, vector<16xf32>,
      tpu.vector_store_idx %arg10[%add3A_473, %add3A_471], %get3A_478 : memref<160x136xf32, #tpu.memory_space<vmem>>[vector<16xi32>, vector<16xi32>], vector<16xf32>,
      tpu.vector_store_idx %arg10[%add3A_475, %add3A_471], %get3A_481 : memref<160x136xf32, #tpu.memory_space<vmem>>[vector<16xi32>, vector<16xi32>], vector<16xf32>,
      %mul3A_482 = arith.constant 4 : i32
      %mul3A_483 = arith.muli %scan3A_437, %mul3A_482 : i32
      %add3A_484 = arith.constant 2 : i32
      %add3A_485 = arith.addi %mul3A_483, %add3A_484 : i32
      %shift_right_arithmetic3A_486 = arith.constant 7 : i32
      %shift_right_arithmetic3A_487 = arith.shrsi %add3A_485, %shift_right_arithmetic3A_486 : i32
      %mul3A_488 = arith.constant 8 : i32
      %mul3A_489 = arith.muli %shift_right_arithmetic3A_487, %mul3A_488 : i32
      %and3A_490 = arith.constant 127 : i32
      %and3A_491 = arith.andi %add3A_485, %and3A_490 : i32
      %add3A_492 = vector.broadcast %and3A_491 : i32 to vector<16xi32>
      %add3A_493 = arith.addi %mul3A_18, %add3A_492 : vector<16xi32>
      %add3A_494 = vector.broadcast %mul3A_489 : i32 to vector<16xi32>
      %add3A_495 = arith.addi %add3A_12, %add3A_494 : vector<16xi32>
      %add3A_496 = vector.broadcast %mul3A_489 : i32 to vector<16xi32>
      %add3A_497 = arith.addi %add3A_15, %add3A_496 : vector<16xi32>
      %get3A_498 = arith.index_cast %add3A_485 : i32 to index
      %get3A_499 = arith.constant 0 : index
      %get3A_500 = tpu.vector_load %arg8[%get3A_498, %get3A_499] {strides = array<i32>} : memref<512x32xf32, #tpu.memory_space<vmem>>, vector<16xf32>,
      %get3A_501 = arith.index_cast %add3A_485 : i32 to index
      %get3A_502 = arith.constant 16 : index
      %get3A_503 = tpu.vector_load %arg8[%get3A_501, %get3A_502] {strides = array<i32>} : memref<512x32xf32, #tpu.memory_space<vmem>>, vector<16xf32>,
      tpu.vector_store_idx %arg10[%add3A_495, %add3A_493], %get3A_500 : memref<160x136xf32, #tpu.memory_space<vmem>>[vector<16xi32>, vector<16xi32>], vector<16xf32>,
      tpu.vector_store_idx %arg10[%add3A_497, %add3A_493], %get3A_503 : memref<160x136xf32, #tpu.memory_space<vmem>>[vector<16xi32>, vector<16xi32>], vector<16xf32>,
      %mul3A_504 = arith.constant 4 : i32
      %mul3A_505 = arith.muli %scan3A_437, %mul3A_504 : i32
      %add3A_506 = arith.constant 3 : i32
      %add3A_507 = arith.addi %mul3A_505, %add3A_506 : i32
      %shift_right_arithmetic3A_508 = arith.constant 7 : i32
      %shift_right_arithmetic3A_509 = arith.shrsi %add3A_507, %shift_right_arithmetic3A_508 : i32
      %mul3A_510 = arith.constant 8 : i32
      %mul3A_511 = arith.muli %shift_right_arithmetic3A_509, %mul3A_510 : i32
      %and3A_512 = arith.constant 127 : i32
      %and3A_513 = arith.andi %add3A_507, %and3A_512 : i32
      %add3A_514 = vector.broadcast %and3A_513 : i32 to vector<16xi32>
      %add3A_515 = arith.addi %mul3A_18, %add3A_514 : vector<16xi32>
      %add3A_516 = vector.broadcast %mul3A_511 : i32 to vector<16xi32>
      %add3A_517 = arith.addi %add3A_12, %add3A_516 : vector<16xi32>
      %add3A_518 = vector.broadcast %mul3A_511 : i32 to vector<16xi32>
      %add3A_519 = arith.addi %add3A_15, %add3A_518 : vector<16xi32>
      %get3A_520 = arith.index_cast %add3A_507 : i32 to index
      %get3A_521 = arith.constant 0 : index
      %get3A_522 = tpu.vector_load %arg8[%get3A_520, %get3A_521] {strides = array<i32>} : memref<512x32xf32, #tpu.memory_space<vmem>>, vector<16xf32>,
      %get3A_523 = arith.index_cast %add3A_507 : i32 to index
      %get3A_524 = arith.constant 16 : index
      %get3A_525 = tpu.vector_load %arg8[%get3A_523, %get3A_524] {strides = array<i32>} : memref<512x32xf32, #tpu.memory_space<vmem>>, vector<16xf32>,
      tpu.vector_store_idx %arg10[%add3A_517, %add3A_515], %get3A_522 : memref<160x136xf32, #tpu.memory_space<vmem>>[vector<16xi32>, vector<16xi32>], vector<16xf32>,
      tpu.vector_store_idx %arg10[%add3A_519, %add3A_515], %get3A_525 : memref<160x136xf32, #tpu.memory_space<vmem>>[vector<16xi32>, vector<16xi32>], vector<16xf32>,
      %scan3A_526 = arith.constant 0 : i32
      scf.yield %scan3A_526 : i32
    }
    %scan3A_262 = arith.constant 128 : i32
    %add3A_263 = arith.constant 196 : i32
    %add3A_264 = arith.addi %mul3A_4, %add3A_263 : i32
    %add3A_265 = arith.constant 0 : i32
    %add3A_266 = arith.addi %add3A_265, %add3A_264 : i32
    %mul3A_267 = arith.constant 8 : i32
    %mul3A_268 = arith.muli %add3A_266, %mul3A_267 : i32
    %dma_start3A_269 = arith.constant 0 : i32
    %dma_start3A_270 = arith.constant 0 : i32
    %dma_start3A_271 = tpu.memref_slice %arg10[%dma_start3A_269, %dma_start3A_270] : memref<160x136xf32, #tpu.memory_space<vmem>> -> memref<32x128xf32, #tpu.memory_space<vmem>>
    %dma_start3A_272 = arith.constant 0 : i32
    %dma_start3A_273 = tpu.memref_slice %arg4[%mul3A_268, %dma_start3A_272] : memref<204800x128xf32, #tpu.memory_space<hbm>> -> memref<32x128xf32, #tpu.memory_space<hbm>>
    %dma_start3A_274 = arith.constant 0 : i32
    %dma_start3A_275 = tpu.memref_slice %arg4[%mul3A_268, %dma_start3A_274] : memref<204800x128xf32, #tpu.memory_space<hbm>> -> memref<32x128xf32, #tpu.memory_space<hbm>>
    %dma_start3A_276 = arith.constant 0 : i32
    %dma_start3A_277 = arith.constant 0 : i32
    %dma_start3A_278 = tpu.memref_slice %arg10[%dma_start3A_276, %dma_start3A_277] : memref<160x136xf32, #tpu.memory_space<vmem>> -> memref<32x128xf32, #tpu.memory_space<vmem>>
    tpu.enqueue_dma source(%dma_start3A_278 : memref<32x128xf32, #tpu.memory_space<vmem>>) target(%dma_start3A_275 : memref<32x128xf32, #tpu.memory_space<hbm>>) target_semaphore(%arg16 : memref<!tpu.dma_semaphore, #tpu.memory_space<semaphore_mem>>)
    %add3A_279 = arith.constant 6400 : i32
    %add3A_280 = arith.addi %add3A_279, %add3A_264 : i32
    %mul3A_281 = arith.constant 8 : i32
    %mul3A_282 = arith.muli %add3A_280, %mul3A_281 : i32
    %dma_start3A_283 = arith.constant 40 : i32
    %dma_start3A_284 = arith.constant 0 : i32
    %dma_start3A_285 = tpu.memref_slice %arg10[%dma_start3A_283, %dma_start3A_284] : memref<160x136xf32, #tpu.memory_space<vmem>> -> memref<32x128xf32, #tpu.memory_space<vmem>>
    %dma_start3A_286 = arith.constant 0 : i32
    %dma_start3A_287 = tpu.memref_slice %arg4[%mul3A_282, %dma_start3A_286] : memref<204800x128xf32, #tpu.memory_space<hbm>> -> memref<32x128xf32, #tpu.memory_space<hbm>>
    %dma_start3A_288 = arith.constant 0 : i32
    %dma_start3A_289 = tpu.memref_slice %arg4[%mul3A_282, %dma_start3A_288] : memref<204800x128xf32, #tpu.memory_space<hbm>> -> memref<32x128xf32, #tpu.memory_space<hbm>>
    %dma_start3A_290 = arith.constant 40 : i32
    %dma_start3A_291 = arith.constant 0 : i32
    %dma_start3A_292 = tpu.memref_slice %arg10[%dma_start3A_290, %dma_start3A_291] : memref<160x136xf32, #tpu.memory_space<vmem>> -> memref<32x128xf32, #tpu.memory_space<vmem>>
    tpu.enqueue_dma source(%dma_start3A_292 : memref<32x128xf32, #tpu.memory_space<vmem>>) target(%dma_start3A_289 : memref<32x128xf32, #tpu.memory_space<hbm>>) target_semaphore(%arg16 : memref<!tpu.dma_semaphore, #tpu.memory_space<semaphore_mem>>)
    %add3A_293 = arith.constant 12800 : i32
    %add3A_294 = arith.addi %add3A_293, %add3A_264 : i32
    %mul3A_295 = arith.constant 8 : i32
    %mul3A_296 = arith.muli %add3A_294, %mul3A_295 : i32
    %dma_start3A_297 = arith.constant 80 : i32
    %dma_start3A_298 = arith.constant 0 : i32
    %dma_start3A_299 = tpu.memref_slice %arg10[%dma_start3A_297, %dma_start3A_298] : memref<160x136xf32, #tpu.memory_space<vmem>> -> memref<32x128xf32, #tpu.memory_space<vmem>>
    %dma_start3A_300 = arith.constant 0 : i32
    %dma_start3A_301 = tpu.memref_slice %arg4[%mul3A_296, %dma_start3A_300] : memref<204800x128xf32, #tpu.memory_space<hbm>> -> memref<32x128xf32, #tpu.memory_space<hbm>>
    %dma_start3A_302 = arith.constant 0 : i32
    %dma_start3A_303 = tpu.memref_slice %arg4[%mul3A_296, %dma_start3A_302] : memref<204800x128xf32, #tpu.memory_space<hbm>> -> memref<32x128xf32, #tpu.memory_space<hbm>>
    %dma_start3A_304 = arith.constant 80 : i32
    %dma_start3A_305 = arith.constant 0 : i32
    %dma_start3A_306 = tpu.memref_slice %arg10[%dma_start3A_304, %dma_start3A_305] : memref<160x136xf32, #tpu.memory_space<vmem>> -> memref<32x128xf32, #tpu.memory_space<vmem>>
    tpu.enqueue_dma source(%dma_start3A_306 : memref<32x128xf32, #tpu.memory_space<vmem>>) target(%dma_start3A_303 : memref<32x128xf32, #tpu.memory_space<hbm>>) target_semaphore(%arg16 : memref<!tpu.dma_semaphore, #tpu.memory_space<semaphore_mem>>)
    %add3A_307 = arith.constant 19200 : i32
    %add3A_308 = arith.addi %add3A_307, %add3A_264 : i32
    %mul3A_309 = arith.constant 8 : i32
    %mul3A_310 = arith.muli %add3A_308, %mul3A_309 : i32
    %dma_start3A_311 = arith.constant 120 : i32
    %dma_start3A_312 = arith.constant 0 : i32
    %dma_start3A_313 = tpu.memref_slice %arg10[%dma_start3A_311, %dma_start3A_312] : memref<160x136xf32, #tpu.memory_space<vmem>> -> memref<32x128xf32, #tpu.memory_space<vmem>>
    %dma_start3A_314 = arith.constant 0 : i32
    %dma_start3A_315 = tpu.memref_slice %arg4[%mul3A_310, %dma_start3A_314] : memref<204800x128xf32, #tpu.memory_space<hbm>> -> memref<32x128xf32, #tpu.memory_space<hbm>>
    %dma_start3A_316 = arith.constant 0 : i32
    %dma_start3A_317 = tpu.memref_slice %arg4[%mul3A_310, %dma_start3A_316] : memref<204800x128xf32, #tpu.memory_space<hbm>> -> memref<32x128xf32, #tpu.memory_space<hbm>>
    %dma_start3A_318 = arith.constant 120 : i32
    %dma_start3A_319 = arith.constant 0 : i32
    %dma_start3A_320 = tpu.memref_slice %arg10[%dma_start3A_318, %dma_start3A_319] : memref<160x136xf32, #tpu.memory_space<vmem>> -> memref<32x128xf32, #tpu.memory_space<vmem>>
    tpu.enqueue_dma source(%dma_start3A_320 : memref<32x128xf32, #tpu.memory_space<vmem>>) target(%dma_start3A_317 : memref<32x128xf32, #tpu.memory_space<hbm>>) target_semaphore(%arg16 : memref<!tpu.dma_semaphore, #tpu.memory_space<semaphore_mem>>)
    %add3A_321 = arith.constant 0 : i32
    %add3A_322 = arith.addi %mul3A_4, %add3A_321 : i32
    %add3A_323 = arith.constant 0 : i32
    %add3A_324 = arith.addi %add3A_323, %add3A_322 : i32
    %mul3A_325 = arith.constant 8 : i32
    %mul3A_326 = arith.muli %add3A_324, %mul3A_325 : i32
    %dma_wait3A_327 = arith.constant 0 : i32
    %dma_wait3A_328 = arith.constant 0 : i32
    %dma_wait3A_329 = tpu.memref_slice %arg9[%dma_wait3A_327, %dma_wait3A_328] : memref<160x136xf32, #tpu.memory_space<vmem>> -> memref<32x128xf32, #tpu.memory_space<vmem>>
    %dma_wait3A_330 = arith.constant 0 : i32
    %dma_wait3A_331 = tpu.memref_slice %arg4[%mul3A_326, %dma_wait3A_330] : memref<204800x128xf32, #tpu.memory_space<hbm>> -> memref<32x128xf32, #tpu.memory_space<hbm>>
    %dma_wait3A_332 = arith.constant 0 : i32
    %dma_wait3A_333 = tpu.memref_slice %arg4[%mul3A_326, %dma_wait3A_332] : memref<204800x128xf32, #tpu.memory_space<hbm>> -> memref<32x128xf32, #tpu.memory_space<hbm>>
    %dma_wait3A_334 = arith.constant 0 : i32
    %dma_wait3A_335 = arith.constant 0 : i32
    %dma_wait3A_336 = tpu.memref_slice %arg9[%dma_wait3A_334, %dma_wait3A_335] : memref<160x136xf32, #tpu.memory_space<vmem>> -> memref<32x128xf32, #tpu.memory_space<vmem>>
    tpu.wait_dma2 semaphore(%arg15 : memref<!tpu.dma_semaphore, #tpu.memory_space<semaphore_mem>>) src(%dma_wait3A_336 : memref<32x128xf32, #tpu.memory_space<vmem>>) dst(%dma_wait3A_333 : memref<32x128xf32, #tpu.memory_space<hbm>>)
    %add3A_337 = arith.constant 6400 : i32
    %add3A_338 = arith.addi %add3A_337, %add3A_322 : i32
    %mul3A_339 = arith.constant 8 : i32
    %mul3A_340 = arith.muli %add3A_338, %mul3A_339 : i32
    %dma_wait3A_341 = arith.constant 40 : i32
    %dma_wait3A_342 = arith.constant 0 : i32
    %dma_wait3A_343 = tpu.memref_slice %arg9[%dma_wait3A_341, %dma_wait3A_342] : memref<160x136xf32, #tpu.memory_space<vmem>> -> memref<32x128xf32, #tpu.memory_space<vmem>>
    %dma_wait3A_344 = arith.constant 0 : i32
    %dma_wait3A_345 = tpu.memref_slice %arg4[%mul3A_340, %dma_wait3A_344] : memref<204800x128xf32, #tpu.memory_space<hbm>> -> memref<32x128xf32, #tpu.memory_space<hbm>>
    %dma_wait3A_346 = arith.constant 0 : i32
    %dma_wait3A_347 = tpu.memref_slice %arg4[%mul3A_340, %dma_wait3A_346] : memref<204800x128xf32, #tpu.memory_space<hbm>> -> memref<32x128xf32, #tpu.memory_space<hbm>>
    %dma_wait3A_348 = arith.constant 40 : i32
    %dma_wait3A_349 = arith.constant 0 : i32
    %dma_wait3A_350 = tpu.memref_slice %arg9[%dma_wait3A_348, %dma_wait3A_349] : memref<160x136xf32, #tpu.memory_space<vmem>> -> memref<32x128xf32, #tpu.memory_space<vmem>>
    tpu.wait_dma2 semaphore(%arg15 : memref<!tpu.dma_semaphore, #tpu.memory_space<semaphore_mem>>) src(%dma_wait3A_350 : memref<32x128xf32, #tpu.memory_space<vmem>>) dst(%dma_wait3A_347 : memref<32x128xf32, #tpu.memory_space<hbm>>)
    %add3A_351 = arith.constant 12800 : i32
    %add3A_352 = arith.addi %add3A_351, %add3A_322 : i32
    %mul3A_353 = arith.constant 8 : i32
    %mul3A_354 = arith.muli %add3A_352, %mul3A_353 : i32
    %dma_wait3A_355 = arith.constant 80 : i32
    %dma_wait3A_356 = arith.constant 0 : i32
    %dma_wait3A_357 = tpu.memref_slice %arg9[%dma_wait3A_355, %dma_wait3A_356] : memref<160x136xf32, #tpu.memory_space<vmem>> -> memref<32x128xf32, #tpu.memory_space<vmem>>
    %dma_wait3A_358 = arith.constant 0 : i32
    %dma_wait3A_359 = tpu.memref_slice %arg4[%mul3A_354, %dma_wait3A_358] : memref<204800x128xf32, #tpu.memory_space<hbm>> -> memref<32x128xf32, #tpu.memory_space<hbm>>
    %dma_wait3A_360 = arith.constant 0 : i32
    %dma_wait3A_361 = tpu.memref_slice %arg4[%mul3A_354, %dma_wait3A_360] : memref<204800x128xf32, #tpu.memory_space<hbm>> -> memref<32x128xf32, #tpu.memory_space<hbm>>
    %dma_wait3A_362 = arith.constant 80 : i32
    %dma_wait3A_363 = arith.constant 0 : i32
    %dma_wait3A_364 = tpu.memref_slice %arg9[%dma_wait3A_362, %dma_wait3A_363] : memref<160x136xf32, #tpu.memory_space<vmem>> -> memref<32x128xf32, #tpu.memory_space<vmem>>
    tpu.wait_dma2 semaphore(%arg15 : memref<!tpu.dma_semaphore, #tpu.memory_space<semaphore_mem>>) src(%dma_wait3A_364 : memref<32x128xf32, #tpu.memory_space<vmem>>) dst(%dma_wait3A_361 : memref<32x128xf32, #tpu.memory_space<hbm>>)
    %add3A_365 = arith.constant 19200 : i32
    %add3A_366 = arith.addi %add3A_365, %add3A_322 : i32
    %mul3A_367 = arith.constant 8 : i32
    %mul3A_368 = arith.muli %add3A_366, %mul3A_367 : i32
    %dma_wait3A_369 = arith.constant 120 : i32
    %dma_wait3A_370 = arith.constant 0 : i32
    %dma_wait3A_371 = tpu.memref_slice %arg9[%dma_wait3A_369, %dma_wait3A_370] : memref<160x136xf32, #tpu.memory_space<vmem>> -> memref<32x128xf32, #tpu.memory_space<vmem>>
    %dma_wait3A_372 = arith.constant 0 : i32
    %dma_wait3A_373 = tpu.memref_slice %arg4[%mul3A_368, %dma_wait3A_372] : memref<204800x128xf32, #tpu.memory_space<hbm>> -> memref<32x128xf32, #tpu.memory_space<hbm>>
    %dma_wait3A_374 = arith.constant 0 : i32
    %dma_wait3A_375 = tpu.memref_slice %arg4[%mul3A_368, %dma_wait3A_374] : memref<204800x128xf32, #tpu.memory_space<hbm>> -> memref<32x128xf32, #tpu.memory_space<hbm>>
    %dma_wait3A_376 = arith.constant 120 : i32
    %dma_wait3A_377 = arith.constant 0 : i32
    %dma_wait3A_378 = tpu.memref_slice %arg9[%dma_wait3A_376, %dma_wait3A_377] : memref<160x136xf32, #tpu.memory_space<vmem>> -> memref<32x128xf32, #tpu.memory_space<vmem>>
    tpu.wait_dma2 semaphore(%arg15 : memref<!tpu.dma_semaphore, #tpu.memory_space<semaphore_mem>>) src(%dma_wait3A_378 : memref<32x128xf32, #tpu.memory_space<vmem>>) dst(%dma_wait3A_375 : memref<32x128xf32, #tpu.memory_space<hbm>>)
    %add3A_379 = arith.constant 0 : i32
    %add3A_380 = arith.addi %mul3A_4, %add3A_379 : i32
    %add3A_381 = arith.constant 0 : i32
    %add3A_382 = arith.addi %add3A_381, %add3A_380 : i32
    %mul3A_383 = arith.constant 8 : i32
    %mul3A_384 = arith.muli %add3A_382, %mul3A_383 : i32
    %dma_wait3A_385 = arith.constant 0 : i32
    %dma_wait3A_386 = arith.constant 0 : i32
    %dma_wait3A_387 = tpu.memref_slice %arg10[%dma_wait3A_385, %dma_wait3A_386] : memref<160x136xf32, #tpu.memory_space<vmem>> -> memref<32x128xf32, #tpu.memory_space<vmem>>
    %dma_wait3A_388 = arith.constant 0 : i32
    %dma_wait3A_389 = tpu.memref_slice %arg4[%mul3A_384, %dma_wait3A_388] : memref<204800x128xf32, #tpu.memory_space<hbm>> -> memref<32x128xf32, #tpu.memory_space<hbm>>
    %dma_wait3A_390 = arith.constant 0 : i32
    %dma_wait3A_391 = tpu.memref_slice %arg4[%mul3A_384, %dma_wait3A_390] : memref<204800x128xf32, #tpu.memory_space<hbm>> -> memref<32x128xf32, #tpu.memory_space<hbm>>
    %dma_wait3A_392 = arith.constant 0 : i32
    %dma_wait3A_393 = arith.constant 0 : i32
    %dma_wait3A_394 = tpu.memref_slice %arg10[%dma_wait3A_392, %dma_wait3A_393] : memref<160x136xf32, #tpu.memory_space<vmem>> -> memref<32x128xf32, #tpu.memory_space<vmem>>
    tpu.wait_dma2 semaphore(%arg16 : memref<!tpu.dma_semaphore, #tpu.memory_space<semaphore_mem>>) src(%dma_wait3A_394 : memref<32x128xf32, #tpu.memory_space<vmem>>) dst(%dma_wait3A_391 : memref<32x128xf32, #tpu.memory_space<hbm>>)
    %add3A_395 = arith.constant 6400 : i32
    %add3A_396 = arith.addi %add3A_395, %add3A_380 : i32
    %mul3A_397 = arith.constant 8 : i32
    %mul3A_398 = arith.muli %add3A_396, %mul3A_397 : i32
    %dma_wait3A_399 = arith.constant 40 : i32
    %dma_wait3A_400 = arith.constant 0 : i32
    %dma_wait3A_401 = tpu.memref_slice %arg10[%dma_wait3A_399, %dma_wait3A_400] : memref<160x136xf32, #tpu.memory_space<vmem>> -> memref<32x128xf32, #tpu.memory_space<vmem>>
    %dma_wait3A_402 = arith.constant 0 : i32
    %dma_wait3A_403 = tpu.memref_slice %arg4[%mul3A_398, %dma_wait3A_402] : memref<204800x128xf32, #tpu.memory_space<hbm>> -> memref<32x128xf32, #tpu.memory_space<hbm>>
    %dma_wait3A_404 = arith.constant 0 : i32
    %dma_wait3A_405 = tpu.memref_slice %arg4[%mul3A_398, %dma_wait3A_404] : memref<204800x128xf32, #tpu.memory_space<hbm>> -> memref<32x128xf32, #tpu.memory_space<hbm>>
    %dma_wait3A_406 = arith.constant 40 : i32
    %dma_wait3A_407 = arith.constant 0 : i32
    %dma_wait3A_408 = tpu.memref_slice %arg10[%dma_wait3A_406, %dma_wait3A_407] : memref<160x136xf32, #tpu.memory_space<vmem>> -> memref<32x128xf32, #tpu.memory_space<vmem>>
    tpu.wait_dma2 semaphore(%arg16 : memref<!tpu.dma_semaphore, #tpu.memory_space<semaphore_mem>>) src(%dma_wait3A_408 : memref<32x128xf32, #tpu.memory_space<vmem>>) dst(%dma_wait3A_405 : memref<32x128xf32, #tpu.memory_space<hbm>>)
    %add3A_409 = arith.constant 12800 : i32
    %add3A_410 = arith.addi %add3A_409, %add3A_380 : i32
    %mul3A_411 = arith.constant 8 : i32
    %mul3A_412 = arith.muli %add3A_410, %mul3A_411 : i32
    %dma_wait3A_413 = arith.constant 80 : i32
    %dma_wait3A_414 = arith.constant 0 : i32
    %dma_wait3A_415 = tpu.memref_slice %arg10[%dma_wait3A_413, %dma_wait3A_414] : memref<160x136xf32, #tpu.memory_space<vmem>> -> memref<32x128xf32, #tpu.memory_space<vmem>>
    %dma_wait3A_416 = arith.constant 0 : i32
    %dma_wait3A_417 = tpu.memref_slice %arg4[%mul3A_412, %dma_wait3A_416] : memref<204800x128xf32, #tpu.memory_space<hbm>> -> memref<32x128xf32, #tpu.memory_space<hbm>>
    %dma_wait3A_418 = arith.constant 0 : i32
    %dma_wait3A_419 = tpu.memref_slice %arg4[%mul3A_412, %dma_wait3A_418] : memref<204800x128xf32, #tpu.memory_space<hbm>> -> memref<32x128xf32, #tpu.memory_space<hbm>>
    %dma_wait3A_420 = arith.constant 80 : i32
    %dma_wait3A_421 = arith.constant 0 : i32
    %dma_wait3A_422 = tpu.memref_slice %arg10[%dma_wait3A_420, %dma_wait3A_421] : memref<160x136xf32, #tpu.memory_space<vmem>> -> memref<32x128xf32, #tpu.memory_space<vmem>>
    tpu.wait_dma2 semaphore(%arg16 : memref<!tpu.dma_semaphore, #tpu.memory_space<semaphore_mem>>) src(%dma_wait3A_422 : memref<32x128xf32, #tpu.memory_space<vmem>>) dst(%dma_wait3A_419 : memref<32x128xf32, #tpu.memory_space<hbm>>)
    %add3A_423 = arith.constant 19200 : i32
    %add3A_424 = arith.addi %add3A_423, %add3A_380 : i32
    %mul3A_425 = arith.constant 8 : i32
    %mul3A_426 = arith.muli %add3A_424, %mul3A_425 : i32
    %dma_wait3A_427 = arith.constant 120 : i32
    %dma_wait3A_428 = arith.constant 0 : i32
    %dma_wait3A_429 = tpu.memref_slice %arg10[%dma_wait3A_427, %dma_wait3A_428] : memref<160x136xf32, #tpu.memory_space<vmem>> -> memref<32x128xf32, #tpu.memory_space<vmem>>
    %dma_wait3A_430 = arith.constant 0 : i32
    %dma_wait3A_431 = tpu.memref_slice %arg4[%mul3A_426, %dma_wait3A_430] : memref<204800x128xf32, #tpu.memory_space<hbm>> -> memref<32x128xf32, #tpu.memory_space<hbm>>
    %dma_wait3A_432 = arith.constant 0 : i32
    %dma_wait3A_433 = tpu.memref_slice %arg4[%mul3A_426, %dma_wait3A_432] : memref<204800x128xf32, #tpu.memory_space<hbm>> -> memref<32x128xf32, #tpu.memory_space<hbm>>
    %dma_wait3A_434 = arith.constant 120 : i32
    %dma_wait3A_435 = arith.constant 0 : i32
    %dma_wait3A_436 = tpu.memref_slice %arg10[%dma_wait3A_434, %dma_wait3A_435] : memref<160x136xf32, #tpu.memory_space<vmem>> -> memref<32x128xf32, #tpu.memory_space<vmem>>
    tpu.wait_dma2 semaphore(%arg16 : memref<!tpu.dma_semaphore, #tpu.memory_space<semaphore_mem>>) src(%dma_wait3A_436 : memref<32x128xf32, #tpu.memory_space<vmem>>) dst(%dma_wait3A_433 : memref<32x128xf32, #tpu.memory_space<hbm>>)
    return
  }
}

</mosaic_0001>

<sc_bundles>
// kernel: kernel.3.cloned.1.call-start
scs
__scs_entry_jumppad:
0x0: {  	(pc) =	sbr.rel $0x88, $3  }
0x1: {  	(tag) =	ssettag $0x0;
	lr =	simm.s32 $0x1  }
0x2: {  	[smem:$0x3F9F] =	sst lr;
	_ =	strace $0xD0000000  }
0x3: {  	_ = 	snop  }
0x4: {  	_ = 	snop  }
0x5: {  	_ = 	snop  }
0x6: {  	_ = 	snop  }
0x7: {  	_ = 	snop  }
__scs_overlays_trampoline_lowered:
0x8: {  	[smem:$0x3FAE] =	sst s0  }
0x9: {  	[smem:$0x3FAF] =	sst s1  }
0xa: {  	[smem:$0x3FB0] =	sst s2  }
0xb: {  	[smem:$0x3FB1] =	sst s3  }
0xc: {  	[smem:$0x3FB2] =	sst s4  }
0xd: {  	[smem:$0x3FB3] =	sst s5  }
0xe: {  	[smem:$0x3FB4] =	sst s6  }
0xf: {  	[smem:$0x3FB5] =	sst s7  }
0x10: {  	[smem:$0x3FB6] =	sst s8  }
0x11: {  	[smem:$0x3FB7] =	sst s9;
	s0 =	simm.s32 @!p0 $0x0  }
0x12: {  	s1 =	sld [smem:$0x3F9D];
	s0 =	simm.s32 @p0 $0x1  }
0x13: {  	[smem:$0x3FB8] =	sst s0;
	s0 =	simm.s32 @!p1 $0x0  }
0x14: {  	s2 =	sld [smem:$0x3F9C];
	s0 =	simm.s32 @p1 $0x1  }
0x15: {  	[smem:$0x3FB9] =	sst s0;
	s0 =	simm.s32 @!p2 $0x0  }
0x16: {  	s3 =	sld [smem:$0x3FDB];
	s0 =	simm.s32 @p2 $0x1  }
0x17: {  	s4 =	simm.s32 $0x1BF5;
	[smem:$0x3FBB] =	sst s0  }
0x18: {  	s0 =	sld [smem:$0x3F9E];
	_ =	swait.ge [sflag:s4], $0x0  }
0x19: {  	s7 =	sld [smem:$0x3F9F]  }
0x1a: {  	s8 =	sadd.s32 $0xFFFFE003, lr  }
0x1b: {  	s9 =	sadd.s32 $0xFFFFFEF7, lr;
	s5 =	simm.s32 $0xFFFFFFFF;
	p2 =	slt.u32 s8, $0xFFFFF086  }
0x1c: {  	p1 =	slt.u32 s9, $0xF7A;
	s5 =	simm.s32 @!p2 $0x0  }
0x1d: {  	s5 =	simm.s32 @p1 $0x1;
	p0 =	seq.s32 s7, s2  }
0x1e: {  	s7 =	smul.u32 @!p0 $0xF7A, s2;
	p2 =	seq.s32 @!p0 s5, $0x0  }
0x1f: {  	s9 =	smul.u32 $0xF7A, s1;
	s8 =	simm.s32 @!p0 $0x1BF5;
	p2 =	por !p2, p0  }
0x20: {  	[sflag:s8] =	ssyncset.s32 @!p0 $0xFFFFF086;
	s6 =	sadd.s32 @!p0 s3, s7;
	s7 =	simm.s32 @!p0 $0x108  }
0x21: {  	s3 =	sadd.s32 s3, s9;
	s6 =	sadd.s32 @!p0 $0x88, s6;
	s7 =	simm.s32 @p2 $0x1082  }
0x22: {  	[simem:s7], [sflag:s8] =	dma.local @!p0 [hbm:s6], $0xF7A  }
0x23: {  	s9 =	sor.u32 $0xD0000000, s2;
	s6 =	simm.s32 $0x108;
	_ =	swait.ge @!p0 [sflag:s8], $0x0  }
0x24: {  	s3 =	sadd.s32 $0x88, s3;
	s6 =	simm.s32 @!p1 $0x1082;
	[sflag:s4] =	ssyncset.s32 $0xFFFFF086  }
0x25: {  	[simem:s6], [sflag:s4] =	dma.local [hbm:s3], $0xF7A  }
0x26: {  	[smem:$0x3F9F] =	sst s1;
	(tag) =	ssettag s2;
	_ =	strace s9  }
0x27: {  	s1 =	sld [smem:$0x3FAF]  }
0x28: {  	s2 =	sld [smem:$0x3FB0]  }
0x29: {  	s4 =	sld [smem:$0x3FB2]  }
0x2a: {  	p0 =	seq.s32 s5, $0x0;
	s5 =	sld [smem:$0x3FB3]  }
0x2b: {  	s6 =	sld [smem:$0x3FB4]  }
0x2c: {  	s7 =	sld [smem:$0x3FB5]  }
0x2d: {  	s3 =	simm.s32 $0x108;
	s8 =	sld [smem:$0x3FB6]  }
0x2e: {  	s3 =	simm.s32 @!p0 $0x1082;
	s9 =	sld [smem:$0x3FB7]  }
0x2f: {  	lr =	sadd.s32 s0, s3;
	s0 =	sld [smem:$0x3FAE]  }
0x30: {  	s3 =	sld [smem:$0x3FB1]  }
0x31: {  	[smem:$0x3FBA] =	sst s10  }
0x32: {  	s10 =	sld [smem:$0x3FB8];
	_ =	sdelay $0x3  }
0x33: {  	p0 =	seq.s32 s10, $0x1;
	s10 =	sld [smem:$0x3FBA];
	_ =	sdelay $0x3  }
0x34: {  	[smem:$0x3FBA] =	sst s10  }
0x35: {  	s10 =	sld [smem:$0x3FB9];
	_ =	sdelay $0x3  }
0x36: {  	p1 =	seq.s32 s10, $0x1;
	s10 =	sld [smem:$0x3FBA];
	_ =	sdelay $0x3  }
0x37: {  	[smem:$0x3FBA] =	sst s10  }
0x38: {  	s10 =	sld [smem:$0x3FBB]  }
0x39: {  	_ = 	snop;
	(pc) =	sbr.ind lr, $3  }
0x3a: {  	_ = 	snop  }
0x3b: {  	_ = 	snop  }
0x3c: {  	p2 =	seq.s32 s10, $0x1;
	s10 =	sld [smem:$0x3FBA]  }
0x3d: {  	_ =	shalt  }
0x3e: {  	_ =	shalt  }
0x3f: {  	_ =	shalt  }
0x40: {  	_ =	shalt  }
0x41: {  	_ =	shalt  }
0x42: {  	_ =	shalt  }
0x43: {  	_ =	shalt  }
0x44: {  	_ =	shalt  }
0x45: {  	_ =	shalt  }
0x46: {  	_ =	shalt  }
0x47: {  	_ =	shalt  }
0x48: {  	_ =	shalt  }
0x49: {  	_ =	shalt  }
0x4a: {  	_ =	shalt  }
0x4b: {  	_ =	shalt  }
0x4c: {  	_ =	shalt  }
0x4d: {  	_ =	shalt  }
0x4e: {  	_ =	shalt  }
0x4f: {  	_ =	shalt  }
0x50: {  	_ =	shalt  }
0x51: {  	_ =	shalt  }
0x52: {  	_ =	shalt  }
0x53: {  	_ =	shalt  }
0x54: {  	_ =	shalt  }
0x55: {  	_ =	shalt  }
0x56: {  	_ =	shalt  }
0x57: {  	_ =	shalt  }
0x58: {  	_ =	shalt  }
0x59: {  	_ =	shalt  }
0x5a: {  	_ =	shalt  }
0x5b: {  	_ =	shalt  }
0x5c: {  	_ =	shalt  }
0x5d: {  	_ =	shalt  }
0x5e: {  	_ =	shalt  }
0x5f: {  	_ =	shalt  }
0x60: {  	_ =	shalt  }
0x61: {  	_ =	shalt  }
0x62: {  	_ =	shalt  }
0x63: {  	_ =	shalt  }
0x64: {  	_ =	shalt  }
0x65: {  	_ =	shalt  }
0x66: {  	_ =	shalt  }
0x67: {  	_ =	shalt  }
0x68: {  	_ =	shalt  }
0x69: {  	_ =	shalt  }
0x6a: {  	_ =	shalt  }
0x6b: {  	_ =	shalt  }
0x6c: {  	_ =	shalt  }
0x6d: {  	_ =	shalt  }
0x6e: {  	_ =	shalt  }
0x6f: {  	_ =	shalt  }
0x70: {  	_ =	shalt  }
0x71: {  	_ =	shalt  }
0x72: {  	_ =	shalt  }
0x73: {  	_ =	shalt  }
0x74: {  	_ =	shalt  }
0x75: {  	_ =	shalt  }
0x76: {  	_ =	shalt  }
0x77: {  	_ =	shalt  }
0x78: {  	_ =	shalt  }
0x79: {  	_ =	shalt  }
0x7a: {  	_ =	shalt  }
0x7b: {  	_ =	shalt  }
0x7c: {  	_ =	shalt  }
0x7d: {  	_ =	shalt  }
0x7e: {  	_ =	shalt  }
0x7f: {  	_ =	shalt  }
0x80: {  	_ =	shalt  }
0x81: {  	_ =	shalt  }
0x82: {  	_ =	shalt  }
0x83: {  	_ =	shalt  }
0x84: {  	_ =	shalt  }
0x85: {  	_ =	shalt  }
0x86: {  	_ =	shalt  }
0x87: {  	_ =	shalt  }
.Lfunc_end0:
.L_simem_size_0:
called_computation_lowered:
.L_overlay_start_0:
0x88: {  	s2 =	sld [smem:$0x3FD9]  }
0x89: {  	s3 =	sld [smem:$0x3FFE];
	_ =	sdelay $0x1  }
0x8a: {  	s1 =	srdreg.scid  }
0x8b: {  	s0 =	sand.u32 $0x1, s1  }
0x8c: {  	s17 =	sshll.u32 s0, $0xA;
	s2 =	sadd.s32 s3, s2  }
0x8d: {  	s2 =	sadd.s32 s2, s17  }
0x8e: {  	[smem:$0x3FC6] =	sst s2  }
0x8f: {  	_ = 	snop  }
0x90: {  	s2 =	sld [smem:$0x3FD0];
	(tm) =	ssettm $0x1  }
0x91: {  	s18 =	sld [smem:$0x3FFB];
	_ =	sdelay $0x3  }
0x92: {  	_ =	strace s18  }
0x93: {  	s3 =	sld [smem:$0x3FFC];
	_ =	sdelay $0x3  }
0x94: {  	_ =	strace s3  }
0x95: {  	s3 =	sld [smem:$0x3FFD];
	_ =	sdelay $0x3  }
0x96: {  	_ =	strace s3  }
0x97: {  	_ =	strace $0x8FFFFFFF  }
0x98: {  	s19 =	sld [smem:$0x3FDB];
	_ =	sdelay $0x1  }
0x99: {  	s4 =	simm.s32 $_scs_section_size  }
0x9a: {  	s5 =	simm.s32 $_size__tile_overlayer_lowered;
	s6 =	simm.s32 $_tile_overlayer_lowered  }
0x9b: {  	s22 =	simm.s32 $0x1BFF;
	s21 =	sshll.u32 s6, $0x1;
	s3 =	sadd.s32 s4, s19  }
0x9c: {  	s7 =	simm.s32 $0x0;
	s20 =	sshll.u32 s5, $0x1;
	s5 =	sadd.s32 s21, s3  }
0x9d: {  	[timem:s7], [sflag:s22] =	dma.local [hbm:s5], s20  }
0x9e: {  	_ =	swait.ge [sflag:s22], s20  }
0x9f: {  	s4 =	ssub.s32 $0x0, s20;
	[sflag:s22] =	ssyncset.done $0x0  }
0xa0: {  	[sflag:s22] =	ssyncadd.s32 s4;
	_ =	sdelay $0x1  }
0xa1: {  	s23 =	simm.s32 $0x1B8B  }
0xa2: {  	_ =	swait.ge [sflag:s23], $0x1  }
0xa3: {  	[sflag:s23] =	ssyncset.done $0x0  }
0xa4: {  	s25 =	simm.s32 $0x1B8E;
	s24 =	sld [smem:$0x3FFE];
	[sflag:s23] =	ssyncadd.s32 $0xFFFFFFFF  }
0xa5: {  	s26 =	simm.s32 $execute0_lowered;
	[smem:$0x3FD2] =	sst s25  }
0xa6: {  	s5 =	sshll.u32 s26, $0x1;
	_ =	strace $0x80000046;
	[dreg:$0x1] =	wrdreg $0xFFFFFFFF  }
0xa7: {  	s28 =	simm.s32 $_size_execute0_lowered;
	s3 =	sadd.s32 s3, s5;
	[dreg:$0x0] =	wrdreg $0x0  }
0xa8: {  	s5 =	sshll.u32 s28, $0x1;
	[dreg:$0x2] =	wrdreg s3  }
0xa9: {  	[dreg:$0x3] =	wrdreg s5  }
0xaa: {  	[dreg:$0x4] =	wrdreg $0xC0  }
0xab: {  	_ =	task [dreg:s7], $0x5FFFF  }
0xac: {  	[dreg:$0x1] =	wrdreg $0xFFFFFFFF  }
0xad: {  	[dreg:$0x0] =	wrdreg $0x60  }
0xae: {  	[dreg:$0x2] =	wrdreg s24  }
0xaf: {  	[dreg:$0x3] =	wrdreg s2  }
0xb0: {  	[dreg:$0x4] =	wrdreg $0x9  }
0xb1: {  	_ =	task.clear_ibuf [dreg:s7], $0x5FFFF;
	_ =	strace $0x90000046  }
0xb2: {  	s29 =	simm.s32 $0x9;
	_ =	strace $0x80000048  }
0xb3: {  	_ =	swait.ge [sflag:s29], $0x1  }
0xb4: {  	[sflag:s29] =	ssyncadd.s32 $0xFFFFFFFF  }
0xb5: {  	_ =	strace $0x90000048  }
0xb6: {  	_ =	sfence  }
0xb7: {  	s30 =	sld [smem:$0x0];
	_ =	sdelay $0x2  }
0xb8: {  	s31 =	sshll.u32 s1, $0xD;
	s1 =	sshrl.u32 s1, $0x2  }
0xb9: {  	s3 =	sand.u32 $0x4000, s31;
	s1 =	sadd.s32 s1, s30  }
0xba: {  	s0 =	sor.u32 s3, s0;
	s1 =	sshll.u32 s1, $0x11  }
0xbb: {  	s0 =	sor.u32 s1, s0  }
0xbc: {  	s0 =	sadd.s32 $0x8F2B, s0  }
0xbd: {  	[sflag:s0] =	ssyncadd.remote.s32 $0x1  }
0xbe: {  	_ =	sfence.sel $0xFFFF  }
0xbf: {  	[dreg:$0x0] =	wrdreg $0xFFFFFFFF;
	(pc) =	sbr.abs _section_cstart, $3  }
0xc0: {  	[dreg:$0x1] =	wrdreg $0xFFFFFFFF  }
0xc1: {  	_ =	task.clear_ibuf [dreg:s7], $0x2FFFF;
	_ =	strace $0x9FFFFFFF  }
0xc2: {  	(tm) =	ssettm $0x7FFFFFFF  }
0xc3: {  	_ =	shalt  }
tec
execute0_lowered:
.L_overlay_start_1:
0x0: {  	(tag) =	ssettag $0x1  }
0x1: {  	s0 =	rddreg [dreg:$0x0]  }
0x2: {  	s2 =	rddreg [dreg:$0x1];
	s1 =	srdreg.scid  }
0x3: {  	s4 =	stileid.u32;
	s3 =	simm.s32 $0x0;
	s28 =	simm.s32 $0x1  }
0x4: {  	s29 =	simm.s32 $0x80;
	s13 =	simm.s32 $0x8800;
	s14 =	simm.s32 $0x5  }
0x5: {  	s15 =	simm.s32 $0x4;
	s1 =	sand.u32 $0x1, s1;
	s4 =	sshll.u32 s4, $0x1  }
0x6: {  	v0 =	vimm.s32 $0x18F8;
	vm0 =	vcmask $0x300;
	v1 =	vimm.s32 $0x4378;
	s30 =	simm.s32 $0x6;
	[smem:$0x7FF] =	sst s3;
	s6 =	sor.u32 s1, s4  }
0x7: {  	vm1 =	vcmask $0x704;
	s5 =	sadd.s32 $0xF42A00, s0;
	s9 =	sadd.s32 $0xC8000, s2;
	v0 =	vsel vm0, $0x0, v0;
	v1 =	vsel vm0, $0x2A80, v1;
	s8 =	smul.u32 $0xC80, s6  }
0x8: {  	vm15 =	vcmask $0xB08;
	s10 =	sadd.s32 $0x190000, s2;
	s11 =	sadd.s32 $0x258000, s2;
	v0 =	vsel vm1, $0x88, v0;
	v1 =	vsel vm1, $0x2B08, v1;
	s12 =	smul.u32 $0xC8, s6  }
0x9: {  	vm4 =	vcmask $0xF0C;
	_ =	strace $0x80000047;
	s4 =	sadd.s32 $0x600, s0;
	s19 =	ssub.s32 $0x2, s1;
	v0 =	vsel vm15, $0x110, v0;
	v1 =	vsel vm15, $0x2B90, v1  }
0xa: {  	vm5 =	vcmask $0x1310;
	s7 =	smul.u32 $0x6400, s6;
	v0 =	vsel vm4, $0x198, v0;
	v1 =	vsel vm4, $0x2C18, v1;
	s21 =	sadd.s32 s4, s8;
	[dreg:$0x3] =	wrdreg s12  }
0xb: {  	vm6 =	vcmask $0x1714;
	s1 =	sshrl.u32 s19, $0x1;
	s23 =	sor.u32 $0x4, s12;
	v0 =	vsel vm5, $0x220, v0;
	v1 =	vsel vm5, $0x2CA0, v1;
	[dreg:$0x4] =	wrdreg s21  }
0xc: {  	vm7 =	vcmask $0x1B18;
	s22 =	smul.u32 $0x32000, s6;
	s24 =	sadd.s32 $0x10, s12;
	[dreg:$0x6] =	wrdreg s23;
	v0 =	vsel vm6, $0x2A8, v0;
	v1 =	vsel vm6, $0x2D28, v1  }
0xd: {  	vm8 =	vcmask $0x1F1C;
	s0 =	ssub.s32 s19, s1;
	s25 =	sadd.s32 $0x8, s12;
	[dreg:$0x7] =	wrdreg s24;
	v0 =	vsel vm7, $0x330, v0;
	v1 =	vsel vm7, $0x2DB0, v1  }
0xe: {  	vm9 =	vcmask $0x2320;
	s7 =	sshrl.u32 s7, $0x3;
	s26 =	sadd.s32 $0xC, s12;
	[dreg:$0x8] =	wrdreg s25;
	v0 =	vsel vm8, $0x3B8, v0;
	v1 =	vsel vm8, $0x2E38, v1  }
0xf: {  	vm10 =	vcmask $0x2724;
	s31 =	sadd.s32 $0x18, s12;
	s20 =	sadd.s32 s4, s7;
	[dreg:$0x9] =	wrdreg s26;
	v0 =	vsel vm9, $0x1540, v0;
	v1 =	vsel vm9, $0x3FC0, v1  }
0x10: {  	vm11 =	vcmask $0x2B28;
	s0 =	smax.u32 s0, $0x1;
	[dreg:$0xa] =	wrdreg s31;
	s1 =	sadd.s32 $0x80, s20;
	v0 =	vsel vm10, $0x15C8, v0;
	v1 =	vsel vm10, $0x4048, v1  }
0x11: {  	vm12 =	vcmask $0x2F2C;
	s12 =	simm.s32 $0x3;
	[dreg:$0x5] =	wrdreg s1;
	s1 =	sshrl.u32 s22, $0x3;
	v0 =	vsel vm11, $0x1650, v0;
	v1 =	vsel vm11, $0x40D0, v1  }
0x12: {  	vm13 =	vcmask $0x3330;
	[dreg:$0xb] =	wrdreg s0;
	s26 =	simm.s32 $0xDD00;
	s1 =	sadd.s32 s2, s1;
	v0 =	vsel vm12, $0x16D8, v0;
	v1 =	vsel vm12, $0x4158, v1  }
0x13: {  	vm14 =	vcmask $0x3734;
	s16 =	sadd.s32 $0x6000, s1;
	s17 =	sadd.s32 $0xCE000, s1;
	s18 =	sadd.s32 $0x196000, s1;
	v0 =	vsel vm13, $0x1760, v0;
	v1 =	vsel vm13, $0x41E0, v1  }
0x14: {  	vm15 =	vcmask $0x3B38;
	s19 =	sadd.s32 $0x25E000, s1;
	s20 =	sadd.s32 $0x6200, s1;
	s21 =	sadd.s32 $0x196200, s1;
	v0 =	vsel vm14, $0x17E8, v0;
	v1 =	vsel vm14, $0x4268, v1  }
0x15: {  	s23 =	sadd.s32 $0xCE200, s1;
	s24 =	sadd.s32 $0x25E200, s1;
	s1 =	simm.s32 $0x0;
	v0 =	vsel vm15, $0x1870, v0;
	v1 =	vsel vm15, $0x42F0, v1  }
.LBB2_1:
0x16: {  	[dreg:$0xc] =	wrdreg s1  }
0x17: {  	s0 =	rddreg [dreg:$0x4]  }
0x18: {  	[tilespmem:s3], [sflag:$0x1] =	stream.linear.gather [hbm4b:s0+s3], $0x400, $0x38;
	[tilespmem:$0x13200] =	vst v63  }
0x19: {  	s22 =	rddreg [dreg:$0x5];
	s25 =	simm.s32 $0x400  }
0x1a: {  	[tilespmem:s25], [sflag:$0x2] =	stream.linear.gather [hbm4b:s22+s3], $0x400, $0x38;
	[tilespmem:$0x13200] =	vst v63  }
0x1b: {  	_ =	swait.ge [sflag:s28], $0x400  }
0x1c: {  	[sflag:s28] =	ssyncset.done $0x0  }
0x1d: {  	s1 =	simm.s32 $0x800;
	[sflag:s28] =	ssyncadd.s32 $0xFFFFFC00  }
0x1e: {  	[tilespmem:s1], [sflag:$0x3] =	stream.indirect.gather [hbm4b:s5+s29], $0x20, s3, s29, $0xb8;
	[tilespmem:$0x13200] =	vst v63  }
0x1f: {  	s6 =	simm.s32 $0x1800  }
0x20: {  	[tilespmem:s6], [sflag:$0x3] =	stream.indirect.gather [hbm4b:s5+s29], $0x20, s29, s29, $0xb8;
	[tilespmem:$0x13200] =	vst v63  }
0x21: {  	s7 =	simm.s32 $0x100;
	s8 =	simm.s32 $0x2800  }
0x22: {  	[tilespmem:s8], [sflag:$0x3] =	stream.indirect.gather [hbm4b:s5+s29], $0x20, s7, s29, $0xb8;
	[tilespmem:$0x13200] =	vst v63  }
0x23: {  	s31 =	simm.s32 $0x0;
	s22 =	simm.s32 $0x180;
	s25 =	simm.s32 $0x3800  }
0x24: {  	[tilespmem:s25], [sflag:$0x3] =	stream.indirect.gather [hbm4b:s5+s29], $0x20, s22, s29, $0xb8;
	[tilespmem:$0x13200] =	vst v63  }
.LBB2_2:
0x25: {  	p0 =	seq.s32 s31, $0x0  }
0x26: {  	s0 =	simm.s32 @!p0 $0x6  }
0x27: {  	_ =	swait.ge @!p0 [sflag:s0], $0x1000  }
0x28: {  	[sflag:s0] =	ssyncset.done @!p0 $0x0  }
0x29: {  	[sflag:s0] =	ssyncadd.s32 @!p0 $0xFFFFF000  }
0x2a: {  	_ =	swait.ge @!p0 [sflag:s0], $0x1000  }
0x2b: {  	[sflag:s0] =	ssyncset.done @!p0 $0x0  }
0x2c: {  	[sflag:s0] =	ssyncadd.s32 @!p0 $0xFFFFF000  }
0x2d: {  	_ =	swait.ge @!p0 [sflag:s0], $0x1000  }
0x2e: {  	[sflag:s0] =	ssyncset.done @!p0 $0x0  }
0x2f: {  	[sflag:s0] =	ssyncadd.s32 @!p0 $0xFFFFF000  }
0x30: {  	_ =	swait.ge @!p0 [sflag:s0], $0x1000  }
0x31: {  	s25 =	simm.s32 $0x200;
	[sflag:s0] =	ssyncset.done @!p0 $0x0  }
0x32: {  	s1 =	simm.s32 $0x4800;
	s7 =	simm.s32 $0x0;
	[sflag:s0] =	ssyncadd.s32 @!p0 $0xFFFFF000  }
0x33: {  	[tilespmem:s1], [sflag:$0x4] =	stream.indirect.gather [hbm4b:s5+s29], $0x20, s25, s29, $0xb8;
	[tilespmem:$0x13200] =	vst v63  }
0x34: {  	s6 =	simm.s32 $0x5800;
	s0 =	sand.u32 $0x18, s7;
	s1 =	simm.s32 $0x280  }
0x35: {  	[tilespmem:s6], [sflag:$0x4] =	stream.indirect.gather [hbm4b:s5+s29], $0x20, s1, s29, $0xb8;
	[tilespmem:$0x13200] =	vst v63  }
0x36: {  	s8 =	simm.s32 $0x300;
	v2 =	vmov s0;
	s6 =	simm.s32 $0x6800  }
0x37: {  	v2 =	vmul.u32 $0x88, v2;
	[tilespmem:s6], [sflag:$0x4] =	stream.indirect.gather [hbm4b:s5+s29], $0x20, s8, s29, $0xb8;
	[tilespmem:$0x13200] =	vst v63  }
0x38: {  	s22 =	simm.s32 $0x380;
	s25 =	simm.s32 $0x7800;
	s6 =	simm.s32 $0x0  }
0x39: {  	v2 =	vbroadcast v2, $0x0;
	[tilespmem:s25], [sflag:$0x4] =	stream.indirect.gather [hbm4b:s5+s29], $0x20, s22, s29, $0xb8;
	[tilespmem:$0x13200] =	vst v63  }
0x3a: {  	v3 =	vmov s6;
	_ =	swait.ge [sflag:s12], $0x4000  }
0x3b: {  	v5 =	vadd.s32 v0, v2;
	v4 =	vand.u32 $0x78, v3;
	[sflag:s12] =	ssyncset.done $0x0  }
0x3c: {  	s1 =	simm.s32 $0x840;
	v2 =	vadd.s32 v1, v2;
	v3 =	vand.u32 $0x4, v3;
	v6 =	vadd.s32 v4, v5;
	[sflag:s12] =	ssyncadd.s32 $0xFFFFC000  }
0x3d: {  	v4 =	vadd.s32 v4, v2;
	v6 =	vor.u32 v3, v6;
	v7 =	vld [tilespmem:s1+$0xFFFFFFC0]  }
0x3e: {  	v3 =	vor.u32 v3, v4;
	v8 =	vld [tilespmem:s1+$0xFFFFFFD0];
	_ =	sdelay $0x1  }
0x3f: {  	s7 =	simm.s32 $0x1  }
0x40: {  	v4 =	vmov s7  }
0x41: {  	[tilespmem:v6+s13+$0x0] =	vst.idx.msk $0xffff, v7;
	v6 =	vand.u32 $0x78, v4  }
0x42: {  	[tilespmem:v3+s13+$0x0] =	vst.idx.msk $0xffff, v8;
	v3 =	vand.u32 $0x5, v4;
	v4 =	vadd.s32 v6, v5  }
0x43: {  	v6 =	vadd.s32 v6, v2;
	v7 =	vld [tilespmem:s1+$0xFFFFFFE0];
	v4 =	vor.u32 v3, v4  }
0x44: {  	v8 =	vld [tilespmem:s1+$0xFFFFFFF0];
	v3 =	vor.u32 v3, v6;
	_ =	sdelay $0x1  }
0x45: {  	s8 =	simm.s32 $0x2  }
0x46: {  	v6 =	vmov s8  }
0x47: {  	[tilespmem:v4+s13+$0x0] =	vst.idx.msk $0xffff, v7;
	v4 =	vand.u32 $0x78, v6  }
0x48: {  	[tilespmem:v3+s13+$0x0] =	vst.idx.msk $0xffff, v8;
	v3 =	vand.u32 $0x6, v6;
	v6 =	vadd.s32 v4, v5  }
0x49: {  	v4 =	vadd.s32 v4, v2;
	v7 =	vld [tilespmem:s1+$0x0];
	v6 =	vor.u32 v3, v6  }
0x4a: {  	v8 =	vld [tilespmem:s1+$0x10];
	v3 =	vor.u32 v3, v4;
	_ =	sdelay $0x1  }
0x4b: {  	s22 =	simm.s32 $0x3  }
0x4c: {  	s25 =	simm.s32 $0x0;
	v4 =	vmov s22  }
0x4d: {  	s0 =	sand.u32 $0x18, s25;
	[tilespmem:v6+s13+$0x0] =	vst.idx.msk $0xffff, v7;
	v6 =	vand.u32 $0x78, v4  }
0x4e: {  	[tilespmem:v3+s13+$0x0] =	vst.idx.msk $0xffff, v8;
	v3 =	vand.u32 $0x7, v4;
	v4 =	vadd.s32 v6, v5;
	v5 =	vmov s0  }
0x4f: {  	v8 =	vld [tilespmem:s1+$0x20];
	v9 =	vor.u32 v3, v4;
	v4 =	vmul.u32 $0x88, v5  }
0x50: {  	v2 =	vadd.s32 v6, v2  }
0x51: {  	v6 =	vor.u32 v3, v2;
	v10 =	vbroadcast v4, $0x0;
	v4 =	vld [tilespmem:s1+$0x30]  }
0x52: {  	s8 =	simm.s32 $0x4  }
0x53: {  	v7 =	vmov s8  }
0x54: {  	s0 =	simm.s32 $0x2;
	v5 =	vand.u32 $0x78, v7;
	v3 =	vadd.s32 v0, v10;
	v2 =	vadd.s32 v1, v10;
	[tilespmem:v9+s13+$0x0] =	vst.idx.msk $0xffff, v8  }
.LBB2_3:
0x55: {  	p0 =	sne.s32 s0, $0x7F  }
0x56: {  	v7 =	vand.u32 $0x4, v7;
	v8 =	vadd.s32 v5, v3;
	[tilespmem:v6+s13+$0x0] =	vst.idx.msk $0xffff, v4;
	s1 =	sadd.s32 $0x80, s1;
	s6 =	smov.u32 s0;
	s0 =	sadd.s32 $0x1, s0  }
0x57: {  	v5 =	vadd.s32 v5, v2;
	v4 =	vld [tilespmem:s1+$0xFFFFFFC0];
	v6 =	vor.u32 v7, v8  }
0x58: {  	v5 =	vor.u32 v7, v5;
	v8 =	vld [tilespmem:s1+$0xFFFFFFD0];
	_ =	sdelay $0x1  }
0x59: {  	s7 =	sadd.s32 $0x1, s8  }
0x5a: {  	v7 =	vmov s7  }
0x5b: {  	[tilespmem:v6+s13+$0x0] =	vst.idx.msk $0xffff, v4;
	v4 =	vand.u32 $0x78, v7  }
0x5c: {  	[tilespmem:v5+s13+$0x0] =	vst.idx.msk $0xffff, v8;
	v5 =	vand.u32 $0x5, v7;
	v6 =	vadd.s32 v4, v3  }
0x5d: {  	v4 =	vadd.s32 v4, v2;
	v7 =	vld [tilespmem:s1+$0xFFFFFFE0];
	v6 =	vor.u32 v5, v6  }
0x5e: {  	v4 =	vor.u32 v5, v4;
	v8 =	vld [tilespmem:s1+$0xFFFFFFF0];
	_ =	sdelay $0x1  }
0x5f: {  	s7 =	sadd.s32 $0x2, s8  }
0x60: {  	v5 =	vmov s7  }
0x61: {  	[tilespmem:v6+s13+$0x0] =	vst.idx.msk $0xffff, v7;
	v6 =	vand.u32 $0x78, v5  }
0x62: {  	[tilespmem:v4+s13+$0x0] =	vst.idx.msk $0xffff, v8;
	v4 =	vand.u32 $0x6, v5;
	v5 =	vadd.s32 v6, v3  }
0x63: {  	v6 =	vadd.s32 v6, v2;
	v7 =	vld [tilespmem:s1+$0x0];
	v5 =	vor.u32 v4, v5  }
0x64: {  	v4 =	vor.u32 v4, v6;
	v8 =	vld [tilespmem:s1+$0x10];
	_ =	sdelay $0x1  }
0x65: {  	s7 =	sadd.s32 $0x3, s8  }
0x66: {  	v6 =	vmov s7  }
0x67: {  	s6 =	sshrl.u32 s6, $0x2;
	[tilespmem:v5+s13+$0x0] =	vst.idx.msk $0xffff, v7;
	v5 =	vand.u32 $0x78, v6  }
0x68: {  	s6 =	sand.u32 $0x18, s6;
	v6 =	vand.u32 $0x7, v6;
	[tilespmem:v4+s13+$0x0] =	vst.idx.msk $0xffff, v8;
	v3 =	vadd.s32 v5, v3  }
0x69: {  	v4 =	vmov s6;
	v2 =	vadd.s32 v5, v2;
	v8 =	vld [tilespmem:s1+$0x20];
	v9 =	vor.u32 v6, v3  }
.Ltmp0:
0x6a: {  	v3 =	vmul.u32 $0x88, v4;
	v6 =	vor.u32 v6, v2;
	v4 =	vld [tilespmem:s1+$0x30];
	(pc) =	sbr.rel @p0 .LBB2_3-.Ltmp0, $4  }
0x6b: {  	_ = 	snop  }
0x6c: {  	s8 =	sadd.s32 $0x4, s8;
	v2 =	vbroadcast v3, $0x0  }
0x6d: {  	v7 =	vmov s8  }
0x6e: {  	v5 =	vand.u32 $0x78, v7;
	v3 =	vadd.s32 v0, v2;
	v2 =	vadd.s32 v1, v2;
	[tilespmem:v9+s13+$0x0] =	vst.idx.msk $0xffff, v8  }
0x6f: {  	_ =	sdelay $0x3  }
0x70: {  	v7 =	vand.u32 $0x4, v7;
	v8 =	vadd.s32 v5, v3;
	[tilespmem:v6+s13+$0x0] =	vst.idx.msk $0xffff, v4;
	s0 =	sadd.s32 $0x80, s1  }
0x71: {  	v48 =	vadd.s32 v5, v2;
	v4 =	vld [tilespmem:s0+$0xFFFFFFC0];
	v47 =	vor.u32 v7, v8  }
0x72: {  	v49 =	vld [tilespmem:s0+$0xFFFFFFD0];
	v5 =	vor.u32 v7, v48;
	_ =	sdelay $0x1  }
0x73: {  	s6 =	sadd.s32 $0x1, s8  }
0x74: {  	v50 =	vmov s6  }
0x75: {  	v51 =	vand.u32 $0x78, v50;
	[tilespmem:v47+s13+$0x0] =	vst.idx.msk $0xffff, v4  }
0x76: {  	v52 =	vand.u32 $0x5, v50;
	v53 =	vadd.s32 v51, v3;
	[tilespmem:v5+s13+$0x0] =	vst.idx.msk $0xffff, v49  }
0x77: {  	v6 =	vor.u32 v52, v53;
	v4 =	vadd.s32 v51, v2;
	v54 =	vld [tilespmem:s0+$0xFFFFFFE0]  }
0x78: {  	v4 =	vor.u32 v52, v4;
	v8 =	vld [tilespmem:s0+$0xFFFFFFF0];
	_ =	sdelay $0x1  }
0x79: {  	s7 =	sadd.s32 $0x2, s8  }
0x7a: {  	v55 =	vmov s7  }
0x7b: {  	v56 =	vand.u32 $0x78, v55;
	[tilespmem:v6+s13+$0x0] =	vst.idx.msk $0xffff, v54  }
0x7c: {  	v57 =	vand.u32 $0x6, v55;
	v58 =	vadd.s32 v56, v3;
	[tilespmem:v4+s13+$0x0] =	vst.idx.msk $0xffff, v8  }
0x7d: {  	v5 =	vor.u32 v57, v58;
	v6 =	vadd.s32 v56, v2;
	v7 =	vld [tilespmem:s0+$0x0]  }
0x7e: {  	v4 =	vor.u32 v57, v6;
	v8 =	vld [tilespmem:s0+$0x10];
	_ =	sdelay $0x1  }
0x7f: {  	s22 =	sadd.s32 $0x3, s8  }
0x80: {  	v59 =	vmov s22  }
0x81: {  	v60 =	vand.u32 $0x78, v59;
	[tilespmem:v5+s13+$0x0] =	vst.idx.msk $0xffff, v7  }
0x82: {  	v61 =	vand.u32 $0x7, v59;
	v3 =	vadd.s32 v60, v3;
	[tilespmem:v4+s13+$0x0] =	vst.idx.msk $0xffff, v8  }
0x83: {  	v3 =	vor.u32 v61, v3;
	v2 =	vadd.s32 v60, v2;
	v62 =	vld [tilespmem:s0+$0x20]  }
0x84: {  	v2 =	vor.u32 v61, v2;
	v63 =	vld [tilespmem:s0+$0x30]  }
0x85: {  	s1 =	sshll.u32 s31, $0x4;
	s25 =	rddreg [dreg:$0x3]  }
0x86: {  	s0 =	sadd.s32 s25, s1  }
0x87: {  	s0 =	sshll.u32 s0, $0x7  }
0x88: {  	s7 =	simm.s32 $0x10;
	s8 =	sadd.s32 s2, s0;
	[tilespmem:v3+s13+$0x0] =	vst.idx.msk $0xffff, v62  }
0x89: {  	s22 =	simm.s32 $0x8888;
	s25 =	simm.s32 $0x8800;
	s6 =	sadd.s32 $0x0, s8;
	[tilespmem:v2+s13+$0x0] =	vst.idx.msk $0xffff, v63  }
.LBB2_5:
0x8a: {  	[hbm4b:s6+s3] =	stream.linear.scatter [tilespmem:s25], [sflag:$0x5], $0x80, $0x38;
	[tilespmem:$0x13200] =	vst v63  }
0x8b: {  	s6 =	smov.u32 s7;
	s25 =	smov.u32 s22;
	p0 =	sne.s32 s7, $0x1F0  }
.Ltmp1:
0x8c: {  	s7 =	sadd.s32 $0x10, s7;
	(pc) =	sbr.rel @p0 .LBB2_5-.Ltmp1, $2  }
0x8d: {  	_ =	sdelay $0x2  }
0x8e: {  	s22 =	sadd.s32 $0x88, s22;
	s6 =	sadd.s32 s6, s8  }
0x8f: {  	[hbm4b:s6+s3] =	stream.linear.scatter [tilespmem:s25], [sflag:$0x5], $0x80, $0x38;
	[tilespmem:$0x13200] =	vst v63  }
0x90: {  	s8 =	sadd.s32 s0, s9;
	s25 =	simm.s32 $0x9D40  }
0x91: {  	s7 =	simm.s32 $0x10;
	s22 =	simm.s32 $0x9DC8;
	s6 =	sadd.s32 $0x0, s8  }
.LBB2_7:
0x92: {  	[hbm4b:s6+s3] =	stream.linear.scatter [tilespmem:s25], [sflag:$0x5], $0x80, $0x38;
	[tilespmem:$0x13200] =	vst v63  }
0x93: {  	s6 =	smov.u32 s7;
	s25 =	smov.u32 s22;
	p0 =	sne.s32 s7, $0x1F0  }
.Ltmp2:
0x94: {  	s7 =	sadd.s32 $0x10, s7;
	(pc) =	sbr.rel @p0 .LBB2_7-.Ltmp2, $2  }
0x95: {  	_ =	sdelay $0x2  }
0x96: {  	s22 =	sadd.s32 $0x88, s22;
	s6 =	sadd.s32 s6, s8  }
0x97: {  	[hbm4b:s6+s3] =	stream.linear.scatter [tilespmem:s25], [sflag:$0x5], $0x80, $0x38;
	[tilespmem:$0x13200] =	vst v63  }
0x98: {  	s8 =	sadd.s32 s0, s10;
	s25 =	simm.s32 $0xB280  }
0x99: {  	s7 =	simm.s32 $0x10;
	s22 =	simm.s32 $0xB308;
	s6 =	sadd.s32 $0x0, s8  }
.LBB2_9:
0x9a: {  	[hbm4b:s6+s3] =	stream.linear.scatter [tilespmem:s25], [sflag:$0x5], $0x80, $0x38;
	[tilespmem:$0x13200] =	vst v63  }
0x9b: {  	s6 =	smov.u32 s7;
	s25 =	smov.u32 s22;
	p0 =	sne.s32 s7, $0x1F0  }
.Ltmp3:
0x9c: {  	s7 =	sadd.s32 $0x10, s7;
	(pc) =	sbr.rel @p0 .LBB2_9-.Ltmp3, $2  }
0x9d: {  	_ =	sdelay $0x2  }
0x9e: {  	s22 =	sadd.s32 $0x88, s22;
	s6 =	sadd.s32 s6, s8  }
0x9f: {  	[hbm4b:s6+s3] =	stream.linear.scatter [tilespmem:s25], [sflag:$0x5], $0x80, $0x38;
	[tilespmem:$0x13200] =	vst v63  }
0xa0: {  	s0 =	sadd.s32 s0, s11;
	s8 =	simm.s32 $0xC7C0  }
0xa1: {  	s7 =	simm.s32 $0x10;
	s22 =	simm.s32 $0xC848;
	s6 =	sadd.s32 $0x0, s0  }
.LBB2_11:
0xa2: {  	[hbm4b:s6+s3] =	stream.linear.scatter [tilespmem:s8], [sflag:$0x5], $0x80, $0x38;
	[tilespmem:$0x13200] =	vst v63  }
0xa3: {  	s6 =	smov.u32 s7;
	s8 =	smov.u32 s22;
	p0 =	sne.s32 s7, $0x1F0  }
.Ltmp4:
0xa4: {  	s7 =	sadd.s32 $0x10, s7;
	(pc) =	sbr.rel @p0 .LBB2_11-.Ltmp4, $2  }
0xa5: {  	_ =	sdelay $0x2  }
0xa6: {  	s22 =	sadd.s32 $0x88, s22;
	s6 =	sadd.s32 s6, s0  }
0xa7: {  	[hbm4b:s6+s3] =	stream.linear.scatter [tilespmem:s8], [sflag:$0x5], $0x80, $0x38;
	[tilespmem:$0x13200] =	vst v63  }
0xa8: {  	s0 =	simm.s32 $0x2  }
0xa9: {  	_ =	swait.ge [sflag:s0], $0x400  }
0xaa: {  	[sflag:s0] =	ssyncset.done $0x0  }
0xab: {  	[sflag:s0] =	ssyncadd.s32 $0xFFFFFC00  }
0xac: {  	_ =	swait.ge [sflag:s14], $0x1000  }
0xad: {  	[sflag:s14] =	ssyncset.done $0x0  }
0xae: {  	[sflag:s14] =	ssyncadd.s32 $0xFFFFF000  }
0xaf: {  	_ =	swait.ge [sflag:s14], $0x1000  }
0xb0: {  	[sflag:s14] =	ssyncset.done $0x0  }
0xb1: {  	[sflag:s14] =	ssyncadd.s32 $0xFFFFF000  }
0xb2: {  	_ =	swait.ge [sflag:s14], $0x1000  }
0xb3: {  	[sflag:s14] =	ssyncset.done $0x0  }
0xb4: {  	[sflag:s14] =	ssyncadd.s32 $0xFFFFF000  }
0xb5: {  	_ =	swait.ge [sflag:s14], $0x1000  }
0xb6: {  	[sflag:s14] =	ssyncset.done $0x0  }
0xb7: {  	s22 =	simm.s32 $0x400;
	s25 =	simm.s32 $0x800;
	[sflag:s14] =	ssyncadd.s32 $0xFFFFF000  }
0xb8: {  	[tilespmem:s25], [sflag:$0x3] =	stream.indirect.gather [hbm4b:s5+s29], $0x20, s22, s29, $0xb8;
	[tilespmem:$0x13200] =	vst v63  }
0xb9: {  	s22 =	simm.s32 $0x0  }
0xba: {  	s7 =	simm.s32 $0x1800;
	s8 =	simm.s32 $0x480;
	s0 =	sand.u32 $0x18, s22  }
0xbb: {  	[tilespmem:s7], [sflag:$0x3] =	stream.indirect.gather [hbm4b:s5+s29], $0x20, s8, s29, $0xb8;
	[tilespmem:$0x13200] =	vst v63  }
0xbc: {  	s25 =	simm.s32 $0x2800;
	s7 =	simm.s32 $0x500;
	v2 =	vmov s0  }
0xbd: {  	v2 =	vmul.u32 $0x88, v2;
	[tilespmem:s25], [sflag:$0x3] =	stream.indirect.gather [hbm4b:s5+s29], $0x20, s7, s29, $0xb8;
	[tilespmem:$0x13200] =	vst v63  }
0xbe: {  	s22 =	simm.s32 $0x580;
	s8 =	simm.s32 $0x3800;
	s25 =	simm.s32 $0x0  }
0xbf: {  	v2 =	vbroadcast v2, $0x0;
	[tilespmem:s8], [sflag:$0x3] =	stream.indirect.gather [hbm4b:s5+s29], $0x20, s22, s29, $0xb8;
	[tilespmem:$0x13200] =	vst v63  }
0xc0: {  	v3 =	vmov s25;
	_ =	swait.ge [sflag:s15], $0x4000  }
0xc1: {  	v4 =	vand.u32 $0x78, v3;
	v5 =	vadd.s32 v0, v2;
	[sflag:s15] =	ssyncset.done $0x0  }
0xc2: {  	s8 =	simm.s32 $0x4840;
	v3 =	vand.u32 $0x4, v3;
	v2 =	vadd.s32 v1, v2;
	v6 =	vadd.s32 v4, v5;
	[sflag:s15] =	ssyncadd.s32 $0xFFFFC000  }
0xc3: {  	v4 =	vadd.s32 v4, v2;
	v6 =	vor.u32 v3, v6;
	v7 =	vld [tilespmem:s8+$0xFFFFFFC0]  }
0xc4: {  	v3 =	vor.u32 v3, v4;
	v8 =	vld [tilespmem:s8+$0xFFFFFFD0];
	_ =	sdelay $0x1  }
0xc5: {  	s6 =	simm.s32 $0x1  }
0xc6: {  	v4 =	vmov s6  }
0xc7: {  	[tilespmem:v6+s26+$0x0] =	vst.idx.msk $0xffff, v7;
	v6 =	vand.u32 $0x78, v4  }
0xc8: {  	[tilespmem:v3+s26+$0x0] =	vst.idx.msk $0xffff, v8;
	v3 =	vand.u32 $0x5, v4;
	v4 =	vadd.s32 v6, v5  }
0xc9: {  	v6 =	vadd.s32 v6, v2;
	v7 =	vld [tilespmem:s8+$0xFFFFFFE0];
	v4 =	vor.u32 v3, v4  }
0xca: {  	v8 =	vld [tilespmem:s8+$0xFFFFFFF0];
	v3 =	vor.u32 v3, v6;
	_ =	sdelay $0x1  }
0xcb: {  	s7 =	simm.s32 $0x2  }
0xcc: {  	v6 =	vmov s7  }
0xcd: {  	[tilespmem:v4+s26+$0x0] =	vst.idx.msk $0xffff, v7;
	v4 =	vand.u32 $0x78, v6  }
0xce: {  	[tilespmem:v3+s26+$0x0] =	vst.idx.msk $0xffff, v8;
	v3 =	vand.u32 $0x6, v6;
	v6 =	vadd.s32 v4, v5  }
0xcf: {  	v4 =	vadd.s32 v4, v2;
	v7 =	vld [tilespmem:s8+$0x0];
	v6 =	vor.u32 v3, v6  }
0xd0: {  	v8 =	vld [tilespmem:s8+$0x10];
	v3 =	vor.u32 v3, v4;
	_ =	sdelay $0x1  }
0xd1: {  	s22 =	simm.s32 $0x3  }
0xd2: {  	s25 =	simm.s32 $0x0;
	v4 =	vmov s22  }
0xd3: {  	s0 =	sand.u32 $0x18, s25;
	[tilespmem:v6+s26+$0x0] =	vst.idx.msk $0xffff, v7;
	v6 =	vand.u32 $0x78, v4  }
0xd4: {  	[tilespmem:v3+s26+$0x0] =	vst.idx.msk $0xffff, v8;
	v3 =	vand.u32 $0x7, v4;
	v4 =	vadd.s32 v6, v5;
	v5 =	vmov s0  }
0xd5: {  	v8 =	vld [tilespmem:s8+$0x20];
	v9 =	vor.u32 v3, v4;
	v4 =	vmul.u32 $0x88, v5  }
0xd6: {  	v2 =	vadd.s32 v6, v2  }
0xd7: {  	v6 =	vor.u32 v3, v2;
	v10 =	vbroadcast v4, $0x0;
	v4 =	vld [tilespmem:s8+$0x30]  }
0xd8: {  	s0 =	simm.s32 $0x4  }
0xd9: {  	v7 =	vmov s0  }
0xda: {  	s25 =	simm.s32 $0x2;
	v5 =	vand.u32 $0x78, v7;
	v3 =	vadd.s32 v0, v10;
	v2 =	vadd.s32 v1, v10;
	[tilespmem:v9+s26+$0x0] =	vst.idx.msk $0xffff, v8  }
.LBB2_13:
0xdb: {  	p0 =	sne.s32 s25, $0x7F  }
0xdc: {  	v7 =	vand.u32 $0x4, v7;
	v8 =	vadd.s32 v5, v3;
	[tilespmem:v6+s26+$0x0] =	vst.idx.msk $0xffff, v4;
	s8 =	sadd.s32 $0x80, s8;
	s6 =	smov.u32 s25;
	s25 =	sadd.s32 $0x1, s25  }
0xdd: {  	v5 =	vadd.s32 v5, v2;
	v4 =	vld [tilespmem:s8+$0xFFFFFFC0];
	v6 =	vor.u32 v7, v8  }
0xde: {  	v5 =	vor.u32 v7, v5;
	v8 =	vld [tilespmem:s8+$0xFFFFFFD0];
	_ =	sdelay $0x1  }
0xdf: {  	s7 =	sadd.s32 $0x1, s0  }
0xe0: {  	v7 =	vmov s7  }
0xe1: {  	[tilespmem:v6+s26+$0x0] =	vst.idx.msk $0xffff, v4;
	v4 =	vand.u32 $0x78, v7  }
0xe2: {  	[tilespmem:v5+s26+$0x0] =	vst.idx.msk $0xffff, v8;
	v5 =	vand.u32 $0x5, v7;
	v6 =	vadd.s32 v4, v3  }
0xe3: {  	v4 =	vadd.s32 v4, v2;
	v7 =	vld [tilespmem:s8+$0xFFFFFFE0];
	v6 =	vor.u32 v5, v6  }
0xe4: {  	v4 =	vor.u32 v5, v4;
	v8 =	vld [tilespmem:s8+$0xFFFFFFF0];
	_ =	sdelay $0x1  }
0xe5: {  	s7 =	sadd.s32 $0x2, s0  }
0xe6: {  	v5 =	vmov s7  }
0xe7: {  	[tilespmem:v6+s26+$0x0] =	vst.idx.msk $0xffff, v7;
	v6 =	vand.u32 $0x78, v5  }
0xe8: {  	[tilespmem:v4+s26+$0x0] =	vst.idx.msk $0xffff, v8;
	v4 =	vand.u32 $0x6, v5;
	v5 =	vadd.s32 v6, v3  }
0xe9: {  	v6 =	vadd.s32 v6, v2;
	v7 =	vld [tilespmem:s8+$0x0];
	v5 =	vor.u32 v4, v5  }
0xea: {  	v4 =	vor.u32 v4, v6;
	v8 =	vld [tilespmem:s8+$0x10];
	_ =	sdelay $0x1  }
0xeb: {  	s7 =	sadd.s32 $0x3, s0  }
0xec: {  	v6 =	vmov s7  }
0xed: {  	s6 =	sshrl.u32 s6, $0x2;
	[tilespmem:v5+s26+$0x0] =	vst.idx.msk $0xffff, v7;
	v5 =	vand.u32 $0x78, v6  }
0xee: {  	s6 =	sand.u32 $0x18, s6;
	v6 =	vand.u32 $0x7, v6;
	[tilespmem:v4+s26+$0x0] =	vst.idx.msk $0xffff, v8;
	v3 =	vadd.s32 v5, v3  }
0xef: {  	v4 =	vmov s6;
	v2 =	vadd.s32 v5, v2;
	v8 =	vld [tilespmem:s8+$0x20];
	v9 =	vor.u32 v6, v3  }
.Ltmp5:
0xf0: {  	v3 =	vmul.u32 $0x88, v4;
	v6 =	vor.u32 v6, v2;
	v4 =	vld [tilespmem:s8+$0x30];
	(pc) =	sbr.rel @p0 .LBB2_13-.Ltmp5, $4  }
0xf1: {  	_ = 	snop  }
0xf2: {  	s0 =	sadd.s32 $0x4, s0;
	v2 =	vbroadcast v3, $0x0  }
0xf3: {  	v7 =	vmov s0  }
0xf4: {  	v5 =	vand.u32 $0x78, v7;
	v3 =	vadd.s32 v0, v2;
	v2 =	vadd.s32 v1, v2;
	[tilespmem:v9+s26+$0x0] =	vst.idx.msk $0xffff, v8  }
0xf5: {  	_ =	sdelay $0x3  }
0xf6: {  	v7 =	vand.u32 $0x4, v7;
	v8 =	vadd.s32 v5, v3;
	[tilespmem:v6+s26+$0x0] =	vst.idx.msk $0xffff, v4;
	s6 =	sadd.s32 $0x80, s8  }
0xf7: {  	v48 =	vadd.s32 v5, v2;
	v4 =	vld [tilespmem:s6+$0xFFFFFFC0];
	v47 =	vor.u32 v7, v8  }
0xf8: {  	v49 =	vld [tilespmem:s6+$0xFFFFFFD0];
	v5 =	vor.u32 v7, v48;
	_ =	sdelay $0x1  }
0xf9: {  	s7 =	sadd.s32 $0x1, s0  }
0xfa: {  	v50 =	vmov s7  }
0xfb: {  	v51 =	vand.u32 $0x78, v50;
	[tilespmem:v47+s26+$0x0] =	vst.idx.msk $0xffff, v4  }
0xfc: {  	v52 =	vand.u32 $0x5, v50;
	v53 =	vadd.s32 v51, v3;
	[tilespmem:v5+s26+$0x0] =	vst.idx.msk $0xffff, v49  }
0xfd: {  	v6 =	vor.u32 v52, v53;
	v4 =	vadd.s32 v51, v2;
	v54 =	vld [tilespmem:s6+$0xFFFFFFE0]  }
0xfe: {  	v4 =	vor.u32 v52, v4;
	v8 =	vld [tilespmem:s6+$0xFFFFFFF0];
	_ =	sdelay $0x1  }
0xff: {  	s25 =	sadd.s32 $0x2, s0  }
0x100: {  	v55 =	vmov s25  }
0x101: {  	v56 =	vand.u32 $0x78, v55;
	[tilespmem:v6+s26+$0x0] =	vst.idx.msk $0xffff, v54  }
0x102: {  	v57 =	vand.u32 $0x6, v55;
	v58 =	vadd.s32 v56, v3;
	[tilespmem:v4+s26+$0x0] =	vst.idx.msk $0xffff, v8  }
0x103: {  	v5 =	vor.u32 v57, v58;
	v6 =	vadd.s32 v56, v2;
	v7 =	vld [tilespmem:s6+$0x0]  }
0x104: {  	v4 =	vor.u32 v57, v6;
	v8 =	vld [tilespmem:s6+$0x10];
	_ =	sdelay $0x1  }
0x105: {  	s8 =	sadd.s32 $0x3, s0  }
0x106: {  	v59 =	vmov s8  }
0x107: {  	v60 =	vand.u32 $0x78, v59;
	[tilespmem:v5+s26+$0x0] =	vst.idx.msk $0xffff, v7  }
0x108: {  	v61 =	vand.u32 $0x7, v59;
	v3 =	vadd.s32 v60, v3;
	[tilespmem:v4+s26+$0x0] =	vst.idx.msk $0xffff, v8  }
0x109: {  	v3 =	vor.u32 v61, v3;
	v2 =	vadd.s32 v60, v2;
	v62 =	vld [tilespmem:s6+$0x20]  }
0x10a: {  	s22 =	rddreg [dreg:$0x6];
	v2 =	vor.u32 v61, v2;
	v63 =	vld [tilespmem:s6+$0x30]  }
0x10b: {  	s0 =	sadd.s32 s1, s22  }
0x10c: {  	s0 =	sshll.u32 s0, $0x7  }
0x10d: {  	s25 =	sand.u32 $0x1FFFFE00, s0  }
0x10e: {  	s7 =	simm.s32 $0x10;
	s8 =	sadd.s32 s2, s25;
	[tilespmem:v3+s26+$0x0] =	vst.idx.msk $0xffff, v62  }
0x10f: {  	s22 =	simm.s32 $0xDD88;
	s25 =	simm.s32 $0xDD00;
	s6 =	sadd.s32 $0x0, s8;
	[tilespmem:v2+s26+$0x0] =	vst.idx.msk $0xffff, v63  }
.LBB2_15:
0x110: {  	[hbm4b:s6+s3] =	stream.linear.scatter [tilespmem:s25], [sflag:$0x6], $0x80, $0x38;
	[tilespmem:$0x13200] =	vst v63  }
0x111: {  	s6 =	smov.u32 s7;
	s25 =	smov.u32 s22;
	p0 =	sne.s32 s7, $0x1F0  }
.Ltmp6:
0x112: {  	s7 =	sadd.s32 $0x10, s7;
	(pc) =	sbr.rel @p0 .LBB2_15-.Ltmp6, $2  }
0x113: {  	_ =	sdelay $0x2  }
0x114: {  	s22 =	sadd.s32 $0x88, s22;
	s6 =	sadd.s32 s6, s8  }
0x115: {  	[hbm4b:s6+s3] =	stream.linear.scatter [tilespmem:s25], [sflag:$0x6], $0x80, $0x38;
	[tilespmem:$0x13200] =	vst v63  }
0x116: {  	s8 =	sadd.s32 s0, s9;
	s25 =	simm.s32 $0xF240  }
0x117: {  	s7 =	simm.s32 $0x10;
	s22 =	simm.s32 $0xF2C8;
	s6 =	sadd.s32 $0x0, s8  }
.LBB2_17:
0x118: {  	[hbm4b:s6+s3] =	stream.linear.scatter [tilespmem:s25], [sflag:$0x6], $0x80, $0x38;
	[tilespmem:$0x13200] =	vst v63  }
0x119: {  	s6 =	smov.u32 s7;
	s25 =	smov.u32 s22;
	p0 =	sne.s32 s7, $0x1F0  }
.Ltmp7:
0x11a: {  	s7 =	sadd.s32 $0x10, s7;
	(pc) =	sbr.rel @p0 .LBB2_17-.Ltmp7, $2  }
0x11b: {  	_ =	sdelay $0x2  }
0x11c: {  	s22 =	sadd.s32 $0x88, s22;
	s6 =	sadd.s32 s6, s8  }
0x11d: {  	[hbm4b:s6+s3] =	stream.linear.scatter [tilespmem:s25], [sflag:$0x6], $0x80, $0x38;
	[tilespmem:$0x13200] =	vst v63  }
0x11e: {  	s8 =	sadd.s32 s0, s10;
	s25 =	simm.s32 $0x10780  }
0x11f: {  	s7 =	simm.s32 $0x10;
	s22 =	simm.s32 $0x10808;
	s6 =	sadd.s32 $0x0, s8  }
.LBB2_19:
0x120: {  	[hbm4b:s6+s3] =	stream.linear.scatter [tilespmem:s25], [sflag:$0x6], $0x80, $0x38;
	[tilespmem:$0x13200] =	vst v63  }
0x121: {  	s6 =	smov.u32 s7;
	s25 =	smov.u32 s22;
	p0 =	sne.s32 s7, $0x1F0  }
.Ltmp8:
0x122: {  	s7 =	sadd.s32 $0x10, s7;
	(pc) =	sbr.rel @p0 .LBB2_19-.Ltmp8, $2  }
0x123: {  	_ =	sdelay $0x2  }
0x124: {  	s22 =	sadd.s32 $0x88, s22;
	s6 =	sadd.s32 s6, s8  }
0x125: {  	[hbm4b:s6+s3] =	stream.linear.scatter [tilespmem:s25], [sflag:$0x6], $0x80, $0x38;
	[tilespmem:$0x13200] =	vst v63  }
0x126: {  	s0 =	sadd.s32 s0, s11;
	s8 =	simm.s32 $0x11CC0  }
0x127: {  	s7 =	simm.s32 $0x10;
	s22 =	simm.s32 $0x11D48;
	s6 =	sadd.s32 $0x0, s0  }
.LBB2_21:
0x128: {  	[hbm4b:s6+s3] =	stream.linear.scatter [tilespmem:s8], [sflag:$0x6], $0x80, $0x38;
	[tilespmem:$0x13200] =	vst v63  }
0x129: {  	s6 =	smov.u32 s7;
	s8 =	smov.u32 s22;
	p0 =	sne.s32 s7, $0x1F0  }
.Ltmp9:
0x12a: {  	s7 =	sadd.s32 $0x10, s7;
	(pc) =	sbr.rel @p0 .LBB2_21-.Ltmp9, $2  }
0x12b: {  	_ =	sdelay $0x2  }
0x12c: {  	s22 =	sadd.s32 $0x88, s22;
	s6 =	sadd.s32 s6, s0  }
0x12d: {  	[hbm4b:s6+s3] =	stream.linear.scatter [tilespmem:s8], [sflag:$0x6], $0x80, $0x38;
	[tilespmem:$0x13200] =	vst v63  }
0x12e: {  	s0 =	rddreg [dreg:$0x7]  }
0x12f: {  	s0 =	sadd.s32 s1, s0  }
0x130: {  	s0 =	sshll.u32 s0, $0x4  }
0x131: {  	s0 =	sand.u32 $0x1FFFFF80, s0  }
0x132: {  	s6 =	simm.s32 $0x0;
	s0 =	sadd.s32 s4, s0  }
0x133: {  	[tilespmem:s6], [sflag:$0x1] =	stream.linear.gather [hbm4b:s0+s6], $0x400, $0x38;
	[tilespmem:$0x13200] =	vst v63  }
0x134: {  	_ =	swait.ge [sflag:s30], $0x1000  }
0x135: {  	[sflag:s30] =	ssyncset.done $0x0  }
0x136: {  	[sflag:s30] =	ssyncadd.s32 $0xFFFFF000  }
0x137: {  	_ =	swait.ge [sflag:s30], $0x1000  }
0x138: {  	[sflag:s30] =	ssyncset.done $0x0  }
0x139: {  	[sflag:s30] =	ssyncadd.s32 $0xFFFFF000  }
0x13a: {  	_ =	swait.ge [sflag:s30], $0x1000  }
0x13b: {  	[sflag:s30] =	ssyncset.done $0x0  }
0x13c: {  	[sflag:s30] =	ssyncadd.s32 $0xFFFFF000  }
0x13d: {  	_ =	swait.ge [sflag:s30], $0x1000  }
0x13e: {  	[sflag:s30] =	ssyncset.done $0x0  }
0x13f: {  	s25 =	simm.s32 $0x4800;
	s7 =	simm.s32 $0x600;
	[sflag:s30] =	ssyncadd.s32 $0xFFFFF000  }
0x140: {  	[tilespmem:s25], [sflag:$0x4] =	stream.indirect.gather [hbm4b:s5+s29], $0x20, s7, s29, $0xb8;
	[tilespmem:$0x13200] =	vst v63  }
0x141: {  	s25 =	simm.s32 $0x0  }
0x142: {  	s8 =	simm.s32 $0x5800;
	s22 =	simm.s32 $0x680;
	s0 =	sand.u32 $0x18, s25  }
0x143: {  	[tilespmem:s8], [sflag:$0x4] =	stream.indirect.gather [hbm4b:s5+s29], $0x20, s22, s29, $0xb8;
	[tilespmem:$0x13200] =	vst v63  }
0x144: {  	s7 =	simm.s32 $0x6800;
	v2 =	vmov s0;
	s8 =	simm.s32 $0x700  }
0x145: {  	v2 =	vmul.u32 $0x88, v2;
	[tilespmem:s7], [sflag:$0x4] =	stream.indirect.gather [hbm4b:s5+s29], $0x20, s8, s29, $0xb8;
	[tilespmem:$0x13200] =	vst v63  }
0x146: {  	s25 =	simm.s32 $0x780;
	s22 =	simm.s32 $0x7800  }
0x147: {  	v2 =	vbroadcast v2, $0x0;
	[tilespmem:s22], [sflag:$0x4] =	stream.indirect.gather [hbm4b:s5+s29], $0x20, s25, s29, $0xb8;
	[tilespmem:$0x13200] =	vst v63  }
0x148: {  	v3 =	vmov s6;
	_ =	swait.ge [sflag:s12], $0x4000  }
0x149: {  	v4 =	vand.u32 $0x78, v3;
	v5 =	vadd.s32 v0, v2;
	[sflag:s12] =	ssyncset.done $0x0  }
0x14a: {  	v3 =	vand.u32 $0x4, v3;
	s8 =	simm.s32 $0x840;
	v2 =	vadd.s32 v1, v2;
	v6 =	vadd.s32 v4, v5;
	[sflag:s12] =	ssyncadd.s32 $0xFFFFC000  }
0x14b: {  	v4 =	vadd.s32 v4, v2;
	v6 =	vor.u32 v3, v6;
	v7 =	vld [tilespmem:s8+$0xFFFFFFC0]  }
0x14c: {  	v3 =	vor.u32 v3, v4;
	v8 =	vld [tilespmem:s8+$0xFFFFFFD0];
	_ =	sdelay $0x1  }
0x14d: {  	s6 =	simm.s32 $0x1  }
0x14e: {  	v4 =	vmov s6  }
0x14f: {  	[tilespmem:v6+s13+$0x0] =	vst.idx.msk $0xffff, v7;
	v6 =	vand.u32 $0x78, v4  }
0x150: {  	[tilespmem:v3+s13+$0x0] =	vst.idx.msk $0xffff, v8;
	v3 =	vand.u32 $0x5, v4;
	v4 =	vadd.s32 v6, v5  }
0x151: {  	v6 =	vadd.s32 v6, v2;
	v7 =	vld [tilespmem:s8+$0xFFFFFFE0];
	v4 =	vor.u32 v3, v4  }
0x152: {  	v8 =	vld [tilespmem:s8+$0xFFFFFFF0];
	v3 =	vor.u32 v3, v6;
	_ =	sdelay $0x1  }
0x153: {  	s7 =	simm.s32 $0x2  }
0x154: {  	v6 =	vmov s7  }
0x155: {  	[tilespmem:v4+s13+$0x0] =	vst.idx.msk $0xffff, v7;
	v4 =	vand.u32 $0x78, v6  }
0x156: {  	[tilespmem:v3+s13+$0x0] =	vst.idx.msk $0xffff, v8;
	v3 =	vand.u32 $0x6, v6;
	v6 =	vadd.s32 v4, v5  }
0x157: {  	v4 =	vadd.s32 v4, v2;
	v7 =	vld [tilespmem:s8+$0x0];
	v6 =	vor.u32 v3, v6  }
0x158: {  	v8 =	vld [tilespmem:s8+$0x10];
	v3 =	vor.u32 v3, v4;
	_ =	sdelay $0x1  }
0x159: {  	s22 =	simm.s32 $0x3  }
0x15a: {  	s25 =	simm.s32 $0x0;
	v4 =	vmov s22  }
0x15b: {  	s0 =	sand.u32 $0x18, s25;
	[tilespmem:v6+s13+$0x0] =	vst.idx.msk $0xffff, v7;
	v6 =	vand.u32 $0x78, v4  }
0x15c: {  	[tilespmem:v3+s13+$0x0] =	vst.idx.msk $0xffff, v8;
	v3 =	vand.u32 $0x7, v4;
	v4 =	vadd.s32 v6, v5;
	v5 =	vmov s0  }
0x15d: {  	v8 =	vld [tilespmem:s8+$0x20];
	v9 =	vor.u32 v3, v4;
	v4 =	vmul.u32 $0x88, v5  }
0x15e: {  	v2 =	vadd.s32 v6, v2  }
0x15f: {  	v6 =	vor.u32 v3, v2;
	v10 =	vbroadcast v4, $0x0;
	v4 =	vld [tilespmem:s8+$0x30]  }
0x160: {  	s0 =	simm.s32 $0x4  }
0x161: {  	v7 =	vmov s0  }
0x162: {  	s25 =	simm.s32 $0x2;
	v5 =	vand.u32 $0x78, v7;
	v3 =	vadd.s32 v0, v10;
	v2 =	vadd.s32 v1, v10;
	[tilespmem:v9+s13+$0x0] =	vst.idx.msk $0xffff, v8  }
.LBB2_23:
0x163: {  	p0 =	sne.s32 s25, $0x7F  }
0x164: {  	v7 =	vand.u32 $0x4, v7;
	v8 =	vadd.s32 v5, v3;
	[tilespmem:v6+s13+$0x0] =	vst.idx.msk $0xffff, v4;
	s8 =	sadd.s32 $0x80, s8;
	s6 =	smov.u32 s25;
	s25 =	sadd.s32 $0x1, s25  }
0x165: {  	v5 =	vadd.s32 v5, v2;
	v4 =	vld [tilespmem:s8+$0xFFFFFFC0];
	v6 =	vor.u32 v7, v8  }
0x166: {  	v5 =	vor.u32 v7, v5;
	v8 =	vld [tilespmem:s8+$0xFFFFFFD0];
	_ =	sdelay $0x1  }
0x167: {  	s7 =	sadd.s32 $0x1, s0  }
0x168: {  	v7 =	vmov s7  }
0x169: {  	[tilespmem:v6+s13+$0x0] =	vst.idx.msk $0xffff, v4;
	v4 =	vand.u32 $0x78, v7  }
0x16a: {  	[tilespmem:v5+s13+$0x0] =	vst.idx.msk $0xffff, v8;
	v5 =	vand.u32 $0x5, v7;
	v6 =	vadd.s32 v4, v3  }
0x16b: {  	v4 =	vadd.s32 v4, v2;
	v7 =	vld [tilespmem:s8+$0xFFFFFFE0];
	v6 =	vor.u32 v5, v6  }
0x16c: {  	v4 =	vor.u32 v5, v4;
	v8 =	vld [tilespmem:s8+$0xFFFFFFF0];
	_ =	sdelay $0x1  }
0x16d: {  	s7 =	sadd.s32 $0x2, s0  }
0x16e: {  	v5 =	vmov s7  }
0x16f: {  	[tilespmem:v6+s13+$0x0] =	vst.idx.msk $0xffff, v7;
	v6 =	vand.u32 $0x78, v5  }
0x170: {  	[tilespmem:v4+s13+$0x0] =	vst.idx.msk $0xffff, v8;
	v4 =	vand.u32 $0x6, v5;
	v5 =	vadd.s32 v6, v3  }
0x171: {  	v6 =	vadd.s32 v6, v2;
	v7 =	vld [tilespmem:s8+$0x0];
	v5 =	vor.u32 v4, v5  }
0x172: {  	v4 =	vor.u32 v4, v6;
	v8 =	vld [tilespmem:s8+$0x10];
	_ =	sdelay $0x1  }
0x173: {  	s7 =	sadd.s32 $0x3, s0  }
0x174: {  	v6 =	vmov s7  }
0x175: {  	s6 =	sshrl.u32 s6, $0x2;
	[tilespmem:v5+s13+$0x0] =	vst.idx.msk $0xffff, v7;
	v5 =	vand.u32 $0x78, v6  }
0x176: {  	s6 =	sand.u32 $0x18, s6;
	v6 =	vand.u32 $0x7, v6;
	[tilespmem:v4+s13+$0x0] =	vst.idx.msk $0xffff, v8;
	v3 =	vadd.s32 v5, v3  }
0x177: {  	v4 =	vmov s6;
	v2 =	vadd.s32 v5, v2;
	v8 =	vld [tilespmem:s8+$0x20];
	v9 =	vor.u32 v6, v3  }
.Ltmp10:
0x178: {  	v3 =	vmul.u32 $0x88, v4;
	v6 =	vor.u32 v6, v2;
	v4 =	vld [tilespmem:s8+$0x30];
	(pc) =	sbr.rel @p0 .LBB2_23-.Ltmp10, $4  }
0x179: {  	_ = 	snop  }
0x17a: {  	s0 =	sadd.s32 $0x4, s0;
	v2 =	vbroadcast v3, $0x0  }
0x17b: {  	v7 =	vmov s0  }
0x17c: {  	v5 =	vand.u32 $0x78, v7;
	v3 =	vadd.s32 v0, v2;
	v2 =	vadd.s32 v1, v2;
	[tilespmem:v9+s13+$0x0] =	vst.idx.msk $0xffff, v8  }
0x17d: {  	_ =	sdelay $0x3  }
0x17e: {  	v7 =	vand.u32 $0x4, v7;
	v8 =	vadd.s32 v5, v3;
	[tilespmem:v6+s13+$0x0] =	vst.idx.msk $0xffff, v4;
	s6 =	sadd.s32 $0x80, s8  }
0x17f: {  	v48 =	vadd.s32 v5, v2;
	v4 =	vld [tilespmem:s6+$0xFFFFFFC0];
	v47 =	vor.u32 v7, v8  }
0x180: {  	v49 =	vld [tilespmem:s6+$0xFFFFFFD0];
	v5 =	vor.u32 v7, v48;
	_ =	sdelay $0x1  }
0x181: {  	s7 =	sadd.s32 $0x1, s0  }
0x182: {  	v50 =	vmov s7  }
0x183: {  	v51 =	vand.u32 $0x78, v50;
	[tilespmem:v47+s13+$0x0] =	vst.idx.msk $0xffff, v4  }
0x184: {  	v52 =	vand.u32 $0x5, v50;
	v53 =	vadd.s32 v51, v3;
	[tilespmem:v5+s13+$0x0] =	vst.idx.msk $0xffff, v49  }
0x185: {  	v6 =	vor.u32 v52, v53;
	v4 =	vadd.s32 v51, v2;
	v54 =	vld [tilespmem:s6+$0xFFFFFFE0]  }
0x186: {  	v4 =	vor.u32 v52, v4;
	v8 =	vld [tilespmem:s6+$0xFFFFFFF0];
	_ =	sdelay $0x1  }
0x187: {  	s25 =	sadd.s32 $0x2, s0  }
0x188: {  	v55 =	vmov s25  }
0x189: {  	v56 =	vand.u32 $0x78, v55;
	[tilespmem:v6+s13+$0x0] =	vst.idx.msk $0xffff, v54  }
0x18a: {  	v57 =	vand.u32 $0x6, v55;
	v58 =	vadd.s32 v56, v3;
	[tilespmem:v4+s13+$0x0] =	vst.idx.msk $0xffff, v8  }
0x18b: {  	v5 =	vor.u32 v57, v58;
	v6 =	vadd.s32 v56, v2;
	v7 =	vld [tilespmem:s6+$0x0]  }
0x18c: {  	v4 =	vor.u32 v57, v6;
	v8 =	vld [tilespmem:s6+$0x10];
	_ =	sdelay $0x1  }
0x18d: {  	s8 =	sadd.s32 $0x3, s0  }
0x18e: {  	v59 =	vmov s8  }
0x18f: {  	v60 =	vand.u32 $0x78, v59;
	[tilespmem:v5+s13+$0x0] =	vst.idx.msk $0xffff, v7  }
0x190: {  	v61 =	vand.u32 $0x7, v59;
	v3 =	vadd.s32 v60, v3;
	[tilespmem:v4+s13+$0x0] =	vst.idx.msk $0xffff, v8  }
0x191: {  	v3 =	vor.u32 v61, v3;
	v2 =	vadd.s32 v60, v2;
	v62 =	vld [tilespmem:s6+$0x20]  }
0x192: {  	s22 =	rddreg [dreg:$0x8];
	v2 =	vor.u32 v61, v2;
	v63 =	vld [tilespmem:s6+$0x30]  }
0x193: {  	s0 =	sadd.s32 s1, s22  }
0x194: {  	s0 =	sshll.u32 s0, $0x7  }
0x195: {  	s25 =	sand.u32 $0x1FFFFC00, s0  }
0x196: {  	s7 =	simm.s32 $0x10;
	s8 =	sadd.s32 s2, s25;
	[tilespmem:v3+s13+$0x0] =	vst.idx.msk $0xffff, v62  }
0x197: {  	s22 =	simm.s32 $0x8888;
	s25 =	simm.s32 $0x8800;
	s6 =	sadd.s32 $0x0, s8;
	[tilespmem:v2+s13+$0x0] =	vst.idx.msk $0xffff, v63  }
.LBB2_25:
0x198: {  	[hbm4b:s6+s3] =	stream.linear.scatter [tilespmem:s25], [sflag:$0x5], $0x80, $0x38;
	[tilespmem:$0x13200] =	vst v63  }
0x199: {  	s6 =	smov.u32 s7;
	s25 =	smov.u32 s22;
	p0 =	sne.s32 s7, $0x1F0  }
.Ltmp11:
0x19a: {  	s7 =	sadd.s32 $0x10, s7;
	(pc) =	sbr.rel @p0 .LBB2_25-.Ltmp11, $2  }
0x19b: {  	_ =	sdelay $0x2  }
0x19c: {  	s22 =	sadd.s32 $0x88, s22;
	s6 =	sadd.s32 s6, s8  }
0x19d: {  	[hbm4b:s6+s3] =	stream.linear.scatter [tilespmem:s25], [sflag:$0x5], $0x80, $0x38;
	[tilespmem:$0x13200] =	vst v63  }
0x19e: {  	s8 =	sadd.s32 s0, s9;
	s25 =	simm.s32 $0x9D40  }
0x19f: {  	s7 =	simm.s32 $0x10;
	s22 =	simm.s32 $0x9DC8;
	s6 =	sadd.s32 $0x0, s8  }
.LBB2_27:
0x1a0: {  	[hbm4b:s6+s3] =	stream.linear.scatter [tilespmem:s25], [sflag:$0x5], $0x80, $0x38;
	[tilespmem:$0x13200] =	vst v63  }
0x1a1: {  	s6 =	smov.u32 s7;
	s25 =	smov.u32 s22;
	p0 =	sne.s32 s7, $0x1F0  }
.Ltmp12:
0x1a2: {  	s7 =	sadd.s32 $0x10, s7;
	(pc) =	sbr.rel @p0 .LBB2_27-.Ltmp12, $2  }
0x1a3: {  	_ =	sdelay $0x2  }
0x1a4: {  	s22 =	sadd.s32 $0x88, s22;
	s6 =	sadd.s32 s6, s8  }
0x1a5: {  	[hbm4b:s6+s3] =	stream.linear.scatter [tilespmem:s25], [sflag:$0x5], $0x80, $0x38;
	[tilespmem:$0x13200] =	vst v63  }
0x1a6: {  	s8 =	sadd.s32 s0, s10;
	s25 =	simm.s32 $0xB280  }
0x1a7: {  	s7 =	simm.s32 $0x10;
	s22 =	simm.s32 $0xB308;
	s6 =	sadd.s32 $0x0, s8  }
.LBB2_29:
0x1a8: {  	[hbm4b:s6+s3] =	stream.linear.scatter [tilespmem:s25], [sflag:$0x5], $0x80, $0x38;
	[tilespmem:$0x13200] =	vst v63  }
0x1a9: {  	s6 =	smov.u32 s7;
	s25 =	smov.u32 s22;
	p0 =	sne.s32 s7, $0x1F0  }
.Ltmp13:
0x1aa: {  	s7 =	sadd.s32 $0x10, s7;
	(pc) =	sbr.rel @p0 .LBB2_29-.Ltmp13, $2  }
0x1ab: {  	_ =	sdelay $0x2  }
0x1ac: {  	s22 =	sadd.s32 $0x88, s22;
	s6 =	sadd.s32 s6, s8  }
0x1ad: {  	[hbm4b:s6+s3] =	stream.linear.scatter [tilespmem:s25], [sflag:$0x5], $0x80, $0x38;
	[tilespmem:$0x13200] =	vst v63  }
0x1ae: {  	s0 =	sadd.s32 s0, s11;
	s8 =	simm.s32 $0xC7C0  }
0x1af: {  	s7 =	simm.s32 $0x10;
	s22 =	simm.s32 $0xC848;
	s6 =	sadd.s32 $0x0, s0  }
.LBB2_31:
0x1b0: {  	[hbm4b:s6+s3] =	stream.linear.scatter [tilespmem:s8], [sflag:$0x5], $0x80, $0x38;
	[tilespmem:$0x13200] =	vst v63  }
0x1b1: {  	s6 =	smov.u32 s7;
	s8 =	smov.u32 s22;
	p0 =	sne.s32 s7, $0x1F0  }
.Ltmp14:
0x1b2: {  	s7 =	sadd.s32 $0x10, s7;
	(pc) =	sbr.rel @p0 .LBB2_31-.Ltmp14, $2  }
0x1b3: {  	_ =	sdelay $0x2  }
0x1b4: {  	s22 =	sadd.s32 $0x88, s22;
	s6 =	sadd.s32 s6, s0  }
0x1b5: {  	[hbm4b:s6+s3] =	stream.linear.scatter [tilespmem:s8], [sflag:$0x5], $0x80, $0x38;
	[tilespmem:$0x13200] =	vst v63  }
0x1b6: {  	_ =	swait.ge [sflag:s28], $0x400  }
0x1b7: {  	[sflag:s28] =	ssyncset.done $0x0  }
0x1b8: {  	[sflag:s28] =	ssyncadd.s32 $0xFFFFFC00  }
0x1b9: {  	_ =	swait.ge [sflag:s14], $0x1000  }
0x1ba: {  	[sflag:s14] =	ssyncset.done $0x0  }
0x1bb: {  	[sflag:s14] =	ssyncadd.s32 $0xFFFFF000  }
0x1bc: {  	_ =	swait.ge [sflag:s14], $0x1000  }
0x1bd: {  	[sflag:s14] =	ssyncset.done $0x0  }
0x1be: {  	[sflag:s14] =	ssyncadd.s32 $0xFFFFF000  }
0x1bf: {  	_ =	swait.ge [sflag:s14], $0x1000  }
0x1c0: {  	[sflag:s14] =	ssyncset.done $0x0  }
0x1c1: {  	[sflag:s14] =	ssyncadd.s32 $0xFFFFF000  }
0x1c2: {  	_ =	swait.ge [sflag:s14], $0x1000  }
0x1c3: {  	s0 =	simm.s32 $0x0;
	[sflag:s14] =	ssyncset.done $0x0  }
0x1c4: {  	s22 =	simm.s32 $0x800;
	s7 =	simm.s32 $0x0;
	[sflag:s14] =	ssyncadd.s32 $0xFFFFF000  }
0x1c5: {  	[tilespmem:s22], [sflag:$0x3] =	stream.indirect.gather [hbm4b:s5+s29], $0x20, s0, s29, $0xb8;
	[tilespmem:$0x13200] =	vst v63  }
0x1c6: {  	s25 =	simm.s32 $0x1800;
	s6 =	sand.u32 $0x18, s7  }
0x1c7: {  	[tilespmem:s25], [sflag:$0x3] =	stream.indirect.gather [hbm4b:s5+s29], $0x20, s29, s29, $0xb8;
	[tilespmem:$0x13200] =	vst v63  }
0x1c8: {  	s8 =	simm.s32 $0x100;
	s7 =	simm.s32 $0x2800;
	v2 =	vmov s6  }
0x1c9: {  	v2 =	vmul.u32 $0x88, v2;
	[tilespmem:s7], [sflag:$0x3] =	stream.indirect.gather [hbm4b:s5+s29], $0x20, s8, s29, $0xb8;
	[tilespmem:$0x13200] =	vst v63  }
0x1ca: {  	s22 =	simm.s32 $0x180;
	s25 =	simm.s32 $0x3800  }
0x1cb: {  	v2 =	vbroadcast v2, $0x0;
	[tilespmem:s25], [sflag:$0x3] =	stream.indirect.gather [hbm4b:s5+s29], $0x20, s22, s29, $0xb8;
	[tilespmem:$0x13200] =	vst v63  }
0x1cc: {  	v3 =	vmov s0;
	_ =	swait.ge [sflag:s15], $0x4000  }
0x1cd: {  	v4 =	vand.u32 $0x78, v3;
	v5 =	vadd.s32 v0, v2;
	[sflag:s15] =	ssyncset.done $0x0  }
0x1ce: {  	v3 =	vand.u32 $0x4, v3;
	v2 =	vadd.s32 v1, v2;
	v6 =	vadd.s32 v4, v5;
	s8 =	simm.s32 $0x4840;
	[sflag:s15] =	ssyncadd.s32 $0xFFFFC000  }
0x1cf: {  	v4 =	vadd.s32 v4, v2;
	v6 =	vor.u32 v3, v6;
	v7 =	vld [tilespmem:s8+$0xFFFFFFC0]  }
0x1d0: {  	v3 =	vor.u32 v3, v4;
	v8 =	vld [tilespmem:s8+$0xFFFFFFD0];
	_ =	sdelay $0x1  }
0x1d1: {  	s6 =	simm.s32 $0x1  }
0x1d2: {  	v4 =	vmov s6  }
0x1d3: {  	[tilespmem:v6+s26+$0x0] =	vst.idx.msk $0xffff, v7;
	v6 =	vand.u32 $0x78, v4  }
0x1d4: {  	[tilespmem:v3+s26+$0x0] =	vst.idx.msk $0xffff, v8;
	v3 =	vand.u32 $0x5, v4;
	v4 =	vadd.s32 v6, v5  }
0x1d5: {  	v6 =	vadd.s32 v6, v2;
	v7 =	vld [tilespmem:s8+$0xFFFFFFE0];
	v4 =	vor.u32 v3, v4  }
0x1d6: {  	v8 =	vld [tilespmem:s8+$0xFFFFFFF0];
	v3 =	vor.u32 v3, v6;
	_ =	sdelay $0x1  }
0x1d7: {  	s7 =	simm.s32 $0x2  }
0x1d8: {  	v6 =	vmov s7  }
0x1d9: {  	[tilespmem:v4+s26+$0x0] =	vst.idx.msk $0xffff, v7;
	v4 =	vand.u32 $0x78, v6  }
0x1da: {  	[tilespmem:v3+s26+$0x0] =	vst.idx.msk $0xffff, v8;
	v3 =	vand.u32 $0x6, v6;
	v6 =	vadd.s32 v4, v5  }
0x1db: {  	v4 =	vadd.s32 v4, v2;
	v7 =	vld [tilespmem:s8+$0x0];
	v6 =	vor.u32 v3, v6  }
0x1dc: {  	v8 =	vld [tilespmem:s8+$0x10];
	v3 =	vor.u32 v3, v4;
	_ =	sdelay $0x1  }
0x1dd: {  	s22 =	simm.s32 $0x3  }
0x1de: {  	s25 =	simm.s32 $0x0;
	v4 =	vmov s22  }
0x1df: {  	s0 =	sand.u32 $0x18, s25;
	[tilespmem:v6+s26+$0x0] =	vst.idx.msk $0xffff, v7;
	v6 =	vand.u32 $0x78, v4  }
0x1e0: {  	[tilespmem:v3+s26+$0x0] =	vst.idx.msk $0xffff, v8;
	v3 =	vand.u32 $0x7, v4;
	v4 =	vadd.s32 v6, v5;
	v5 =	vmov s0  }
0x1e1: {  	v8 =	vld [tilespmem:s8+$0x20];
	v9 =	vor.u32 v3, v4;
	v4 =	vmul.u32 $0x88, v5  }
0x1e2: {  	v2 =	vadd.s32 v6, v2  }
0x1e3: {  	v6 =	vor.u32 v3, v2;
	v10 =	vbroadcast v4, $0x0;
	v4 =	vld [tilespmem:s8+$0x30]  }
0x1e4: {  	s0 =	simm.s32 $0x4  }
0x1e5: {  	v7 =	vmov s0  }
0x1e6: {  	s25 =	simm.s32 $0x2;
	v5 =	vand.u32 $0x78, v7;
	v3 =	vadd.s32 v0, v10;
	v2 =	vadd.s32 v1, v10;
	[tilespmem:v9+s26+$0x0] =	vst.idx.msk $0xffff, v8  }
.LBB2_33:
0x1e7: {  	p0 =	sne.s32 s25, $0x7F  }
0x1e8: {  	v7 =	vand.u32 $0x4, v7;
	v8 =	vadd.s32 v5, v3;
	[tilespmem:v6+s26+$0x0] =	vst.idx.msk $0xffff, v4;
	s8 =	sadd.s32 $0x80, s8;
	s6 =	smov.u32 s25;
	s25 =	sadd.s32 $0x1, s25  }
0x1e9: {  	v5 =	vadd.s32 v5, v2;
	v4 =	vld [tilespmem:s8+$0xFFFFFFC0];
	v6 =	vor.u32 v7, v8  }
0x1ea: {  	v5 =	vor.u32 v7, v5;
	v8 =	vld [tilespmem:s8+$0xFFFFFFD0];
	_ =	sdelay $0x1  }
0x1eb: {  	s7 =	sadd.s32 $0x1, s0  }
0x1ec: {  	v7 =	vmov s7  }
0x1ed: {  	[tilespmem:v6+s26+$0x0] =	vst.idx.msk $0xffff, v4;
	v4 =	vand.u32 $0x78, v7  }
0x1ee: {  	[tilespmem:v5+s26+$0x0] =	vst.idx.msk $0xffff, v8;
	v5 =	vand.u32 $0x5, v7;
	v6 =	vadd.s32 v4, v3  }
0x1ef: {  	v4 =	vadd.s32 v4, v2;
	v7 =	vld [tilespmem:s8+$0xFFFFFFE0];
	v6 =	vor.u32 v5, v6  }
0x1f0: {  	v4 =	vor.u32 v5, v4;
	v8 =	vld [tilespmem:s8+$0xFFFFFFF0];
	_ =	sdelay $0x1  }
0x1f1: {  	s7 =	sadd.s32 $0x2, s0  }
0x1f2: {  	v5 =	vmov s7  }
0x1f3: {  	[tilespmem:v6+s26+$0x0] =	vst.idx.msk $0xffff, v7;
	v6 =	vand.u32 $0x78, v5  }
0x1f4: {  	[tilespmem:v4+s26+$0x0] =	vst.idx.msk $0xffff, v8;
	v4 =	vand.u32 $0x6, v5;
	v5 =	vadd.s32 v6, v3  }
0x1f5: {  	v6 =	vadd.s32 v6, v2;
	v7 =	vld [tilespmem:s8+$0x0];
	v5 =	vor.u32 v4, v5  }
0x1f6: {  	v4 =	vor.u32 v4, v6;
	v8 =	vld [tilespmem:s8+$0x10];
	_ =	sdelay $0x1  }
0x1f7: {  	s7 =	sadd.s32 $0x3, s0  }
0x1f8: {  	v6 =	vmov s7  }
0x1f9: {  	s6 =	sshrl.u32 s6, $0x2;
	[tilespmem:v5+s26+$0x0] =	vst.idx.msk $0xffff, v7;
	v5 =	vand.u32 $0x78, v6  }
0x1fa: {  	s6 =	sand.u32 $0x18, s6;
	v6 =	vand.u32 $0x7, v6;
	[tilespmem:v4+s26+$0x0] =	vst.idx.msk $0xffff, v8;
	v3 =	vadd.s32 v5, v3  }
0x1fb: {  	v4 =	vmov s6;
	v2 =	vadd.s32 v5, v2;
	v8 =	vld [tilespmem:s8+$0x20];
	v9 =	vor.u32 v6, v3  }
.Ltmp15:
0x1fc: {  	v3 =	vmul.u32 $0x88, v4;
	v6 =	vor.u32 v6, v2;
	v4 =	vld [tilespmem:s8+$0x30];
	(pc) =	sbr.rel @p0 .LBB2_33-.Ltmp15, $4  }
0x1fd: {  	_ = 	snop  }
0x1fe: {  	s0 =	sadd.s32 $0x4, s0;
	v2 =	vbroadcast v3, $0x0  }
0x1ff: {  	v7 =	vmov s0  }
0x200: {  	v5 =	vand.u32 $0x78, v7;
	v3 =	vadd.s32 v0, v2;
	v2 =	vadd.s32 v1, v2;
	[tilespmem:v9+s26+$0x0] =	vst.idx.msk $0xffff, v8  }
0x201: {  	_ =	sdelay $0x3  }
0x202: {  	v7 =	vand.u32 $0x4, v7;
	v8 =	vadd.s32 v5, v3;
	[tilespmem:v6+s26+$0x0] =	vst.idx.msk $0xffff, v4;
	s6 =	sadd.s32 $0x80, s8  }
0x203: {  	v48 =	vadd.s32 v5, v2;
	v4 =	vld [tilespmem:s6+$0xFFFFFFC0];
	v47 =	vor.u32 v7, v8  }
0x204: {  	v49 =	vld [tilespmem:s6+$0xFFFFFFD0];
	v5 =	vor.u32 v7, v48;
	_ =	sdelay $0x1  }
0x205: {  	s7 =	sadd.s32 $0x1, s0  }
0x206: {  	v50 =	vmov s7  }
0x207: {  	v51 =	vand.u32 $0x78, v50;
	[tilespmem:v47+s26+$0x0] =	vst.idx.msk $0xffff, v4  }
0x208: {  	v52 =	vand.u32 $0x5, v50;
	v53 =	vadd.s32 v51, v3;
	[tilespmem:v5+s26+$0x0] =	vst.idx.msk $0xffff, v49  }
0x209: {  	v6 =	vor.u32 v52, v53;
	v4 =	vadd.s32 v51, v2;
	v54 =	vld [tilespmem:s6+$0xFFFFFFE0]  }
0x20a: {  	v4 =	vor.u32 v52, v4;
	v8 =	vld [tilespmem:s6+$0xFFFFFFF0];
	_ =	sdelay $0x1  }
0x20b: {  	s25 =	sadd.s32 $0x2, s0  }
0x20c: {  	v55 =	vmov s25  }
0x20d: {  	v56 =	vand.u32 $0x78, v55;
	[tilespmem:v6+s26+$0x0] =	vst.idx.msk $0xffff, v54  }
0x20e: {  	v57 =	vand.u32 $0x6, v55;
	v58 =	vadd.s32 v56, v3;
	[tilespmem:v4+s26+$0x0] =	vst.idx.msk $0xffff, v8  }
0x20f: {  	v5 =	vor.u32 v57, v58;
	v6 =	vadd.s32 v56, v2;
	v7 =	vld [tilespmem:s6+$0x0]  }
0x210: {  	v4 =	vor.u32 v57, v6;
	v8 =	vld [tilespmem:s6+$0x10];
	_ =	sdelay $0x1  }
0x211: {  	s8 =	sadd.s32 $0x3, s0  }
0x212: {  	v59 =	vmov s8  }
0x213: {  	v60 =	vand.u32 $0x78, v59;
	[tilespmem:v5+s26+$0x0] =	vst.idx.msk $0xffff, v7  }
0x214: {  	v61 =	vand.u32 $0x7, v59;
	v3 =	vadd.s32 v60, v3;
	[tilespmem:v4+s26+$0x0] =	vst.idx.msk $0xffff, v8  }
0x215: {  	v3 =	vor.u32 v61, v3;
	v2 =	vadd.s32 v60, v2;
	v62 =	vld [tilespmem:s6+$0x20]  }
0x216: {  	s22 =	rddreg [dreg:$0x9];
	v2 =	vor.u32 v61, v2;
	v63 =	vld [tilespmem:s6+$0x30]  }
0x217: {  	s0 =	sadd.s32 s1, s22  }
0x218: {  	s0 =	sshll.u32 s0, $0x7  }
0x219: {  	s25 =	sand.u32 $0x1FFFFE00, s0  }
0x21a: {  	s7 =	simm.s32 $0x10;
	s8 =	sadd.s32 s2, s25;
	[tilespmem:v3+s26+$0x0] =	vst.idx.msk $0xffff, v62  }
0x21b: {  	s22 =	simm.s32 $0xDD88;
	s25 =	simm.s32 $0xDD00;
	s6 =	sadd.s32 $0x0, s8;
	[tilespmem:v2+s26+$0x0] =	vst.idx.msk $0xffff, v63  }
.LBB2_35:
0x21c: {  	[hbm4b:s6+s3] =	stream.linear.scatter [tilespmem:s25], [sflag:$0x6], $0x80, $0x38;
	[tilespmem:$0x13200] =	vst v63  }
0x21d: {  	s6 =	smov.u32 s7;
	s25 =	smov.u32 s22;
	p0 =	sne.s32 s7, $0x1F0  }
.Ltmp16:
0x21e: {  	s7 =	sadd.s32 $0x10, s7;
	(pc) =	sbr.rel @p0 .LBB2_35-.Ltmp16, $2  }
0x21f: {  	_ =	sdelay $0x2  }
0x220: {  	s22 =	sadd.s32 $0x88, s22;
	s6 =	sadd.s32 s6, s8  }
0x221: {  	[hbm4b:s6+s3] =	stream.linear.scatter [tilespmem:s25], [sflag:$0x6], $0x80, $0x38;
	[tilespmem:$0x13200] =	vst v63  }
0x222: {  	s8 =	sadd.s32 s0, s9;
	s25 =	simm.s32 $0xF240  }
0x223: {  	s7 =	simm.s32 $0x10;
	s22 =	simm.s32 $0xF2C8;
	s6 =	sadd.s32 $0x0, s8  }
.LBB2_37:
0x224: {  	[hbm4b:s6+s3] =	stream.linear.scatter [tilespmem:s25], [sflag:$0x6], $0x80, $0x38;
	[tilespmem:$0x13200] =	vst v63  }
0x225: {  	s6 =	smov.u32 s7;
	s25 =	smov.u32 s22;
	p0 =	sne.s32 s7, $0x1F0  }
.Ltmp17:
0x226: {  	s7 =	sadd.s32 $0x10, s7;
	(pc) =	sbr.rel @p0 .LBB2_37-.Ltmp17, $2  }
0x227: {  	_ =	sdelay $0x2  }
0x228: {  	s22 =	sadd.s32 $0x88, s22;
	s6 =	sadd.s32 s6, s8  }
0x229: {  	[hbm4b:s6+s3] =	stream.linear.scatter [tilespmem:s25], [sflag:$0x6], $0x80, $0x38;
	[tilespmem:$0x13200] =	vst v63  }
0x22a: {  	s8 =	sadd.s32 s0, s10;
	s25 =	simm.s32 $0x10780  }
0x22b: {  	s7 =	simm.s32 $0x10;
	s22 =	simm.s32 $0x10808;
	s6 =	sadd.s32 $0x0, s8  }
.LBB2_39:
0x22c: {  	[hbm4b:s6+s3] =	stream.linear.scatter [tilespmem:s25], [sflag:$0x6], $0x80, $0x38;
	[tilespmem:$0x13200] =	vst v63  }
0x22d: {  	s6 =	smov.u32 s7;
	s25 =	smov.u32 s22;
	p0 =	sne.s32 s7, $0x1F0  }
.Ltmp18:
0x22e: {  	s7 =	sadd.s32 $0x10, s7;
	(pc) =	sbr.rel @p0 .LBB2_39-.Ltmp18, $2  }
0x22f: {  	_ =	sdelay $0x2  }
0x230: {  	s22 =	sadd.s32 $0x88, s22;
	s6 =	sadd.s32 s6, s8  }
0x231: {  	[hbm4b:s6+s3] =	stream.linear.scatter [tilespmem:s25], [sflag:$0x6], $0x80, $0x38;
	[tilespmem:$0x13200] =	vst v63  }
0x232: {  	s0 =	sadd.s32 s0, s11;
	s8 =	simm.s32 $0x11CC0  }
0x233: {  	s7 =	simm.s32 $0x10;
	s22 =	simm.s32 $0x11D48;
	s6 =	sadd.s32 $0x0, s0  }
.LBB2_41:
0x234: {  	[hbm4b:s6+s3] =	stream.linear.scatter [tilespmem:s8], [sflag:$0x6], $0x80, $0x38;
	[tilespmem:$0x13200] =	vst v63  }
0x235: {  	s6 =	smov.u32 s7;
	s8 =	smov.u32 s22;
	p0 =	sne.s32 s7, $0x1F0  }
.Ltmp19:
0x236: {  	s7 =	sadd.s32 $0x10, s7;
	(pc) =	sbr.rel @p0 .LBB2_41-.Ltmp19, $2  }
0x237: {  	_ =	sdelay $0x2  }
0x238: {  	s22 =	sadd.s32 $0x88, s22;
	s6 =	sadd.s32 s6, s0  }
0x239: {  	p0 =	seq.s32 s31, $0xB  }
.Ltmp20:
0x23a: {  	_ = 	snop;
	(pc) =	sbr.rel @p0 .LBB2_44-.Ltmp20, $2  }
0x23b: {  	_ =	sdelay $0x2  }
0x23c: {  	[hbm4b:s6+s3] =	stream.linear.scatter [tilespmem:s8], [sflag:$0x6], $0x80, $0x38;
	[tilespmem:$0x13200] =	vst v63  }
0x23d: {  	s0 =	rddreg [dreg:$0xa]  }
.Ltmp21:
0x23e: {  	s0 =	sadd.s32 s1, s0;
	(pc) =	sbr.rel .LBB2_2-.Ltmp21, $4  }
0x23f: {  	s0 =	sshll.u32 s0, $0x4  }
0x240: {  	s0 =	sand.u32 $0x1FFFFF80, s0  }
0x241: {  	s25 =	simm.s32 $0x400;
	s31 =	sadd.s32 $0x1, s31;
	s0 =	sadd.s32 s4, s0  }
0x242: {  	[tilespmem:s25], [sflag:$0x2] =	stream.linear.gather [hbm4b:s0+s3], $0x400, $0x38;
	[tilespmem:$0x13200] =	vst v63  }
.LBB2_44:
0x243: {  	_ =	swait.ge [sflag:s30], $0x1000  }
0x244: {  	[sflag:s30] =	ssyncset.done $0x0  }
0x245: {  	[sflag:s30] =	ssyncadd.s32 $0xFFFFF000  }
0x246: {  	_ =	swait.ge [sflag:s30], $0x1000  }
0x247: {  	[sflag:s30] =	ssyncset.done $0x0  }
0x248: {  	[sflag:s30] =	ssyncadd.s32 $0xFFFFF000  }
0x249: {  	_ =	swait.ge [sflag:s30], $0x1000  }
0x24a: {  	[sflag:s30] =	ssyncset.done $0x0  }
0x24b: {  	[sflag:s30] =	ssyncadd.s32 $0xFFFFF000  }
0x24c: {  	_ =	swait.ge [sflag:s30], $0x1000  }
0x24d: {  	s0 =	simm.s32 $0x200;
	[sflag:s30] =	ssyncset.done $0x0  }
0x24e: {  	s1 =	simm.s32 $0x4800;
	s25 =	simm.s32 $0x0;
	[sflag:s30] =	ssyncadd.s32 $0xFFFFF000  }
0x24f: {  	[tilespmem:s1], [sflag:$0x4] =	stream.indirect.gather [hbm4b:s5+s29], $0x20, s0, s29, $0xb8;
	[tilespmem:$0x13200] =	vst v63  }
0x250: {  	s8 =	simm.s32 $0x280;
	s22 =	simm.s32 $0x5800;
	s0 =	sand.u32 $0x18, s25  }
0x251: {  	[tilespmem:s22], [sflag:$0x4] =	stream.indirect.gather [hbm4b:s5+s29], $0x20, s8, s29, $0xb8;
	[tilespmem:$0x13200] =	vst v63  }
0x252: {  	s31 =	simm.s32 $0x300;
	s6 =	simm.s32 $0x6800;
	v2 =	vmov s0  }
0x253: {  	v2 =	vmul.u32 $0x88, v2;
	[tilespmem:s6], [sflag:$0x4] =	stream.indirect.gather [hbm4b:s5+s29], $0x20, s31, s29, $0xb8;
	[tilespmem:$0x13200] =	vst v63  }
0x254: {  	s7 =	simm.s32 $0x0;
	s1 =	simm.s32 $0x380;
	s6 =	simm.s32 $0x7800  }
0x255: {  	v2 =	vbroadcast v2, $0x0;
	[tilespmem:s6], [sflag:$0x4] =	stream.indirect.gather [hbm4b:s5+s29], $0x20, s1, s29, $0xb8;
	[tilespmem:$0x13200] =	vst v63  }
0x256: {  	v3 =	vmov s7;
	_ =	swait.ge [sflag:s12], $0x4000  }
0x257: {  	v4 =	vand.u32 $0x78, v3;
	v5 =	vadd.s32 v0, v2;
	[sflag:s12] =	ssyncset.done $0x0  }
0x258: {  	v3 =	vand.u32 $0x4, v3;
	s1 =	simm.s32 $0x840;
	v2 =	vadd.s32 v1, v2;
	v6 =	vadd.s32 v4, v5;
	[sflag:s12] =	ssyncadd.s32 $0xFFFFC000  }
0x259: {  	v4 =	vadd.s32 v4, v2;
	v6 =	vor.u32 v3, v6;
	v7 =	vld [tilespmem:s1+$0xFFFFFFC0]  }
0x25a: {  	v3 =	vor.u32 v3, v4;
	v8 =	vld [tilespmem:s1+$0xFFFFFFD0];
	_ =	sdelay $0x1  }
0x25b: {  	s8 =	simm.s32 $0x1  }
0x25c: {  	v4 =	vmov s8  }
0x25d: {  	[tilespmem:v6+s13+$0x0] =	vst.idx.msk $0xffff, v7;
	v6 =	vand.u32 $0x78, v4  }
0x25e: {  	[tilespmem:v3+s13+$0x0] =	vst.idx.msk $0xffff, v8;
	v3 =	vand.u32 $0x5, v4;
	v4 =	vadd.s32 v6, v5  }
0x25f: {  	v6 =	vadd.s32 v6, v2;
	v7 =	vld [tilespmem:s1+$0xFFFFFFE0];
	v4 =	vor.u32 v3, v4  }
0x260: {  	v8 =	vld [tilespmem:s1+$0xFFFFFFF0];
	v3 =	vor.u32 v3, v6;
	_ =	sdelay $0x1  }
0x261: {  	s22 =	simm.s32 $0x2  }
0x262: {  	v6 =	vmov s22  }
0x263: {  	[tilespmem:v4+s13+$0x0] =	vst.idx.msk $0xffff, v7;
	v4 =	vand.u32 $0x78, v6  }
0x264: {  	[tilespmem:v3+s13+$0x0] =	vst.idx.msk $0xffff, v8;
	v3 =	vand.u32 $0x6, v6;
	v6 =	vadd.s32 v4, v5  }
0x265: {  	v4 =	vadd.s32 v4, v2;
	v7 =	vld [tilespmem:s1+$0x0];
	v6 =	vor.u32 v3, v6  }
0x266: {  	v8 =	vld [tilespmem:s1+$0x10];
	v3 =	vor.u32 v3, v4;
	_ =	sdelay $0x1  }
0x267: {  	s25 =	simm.s32 $0x3  }
0x268: {  	s31 =	simm.s32 $0x0;
	v4 =	vmov s25  }
0x269: {  	s0 =	sand.u32 $0x18, s31;
	[tilespmem:v6+s13+$0x0] =	vst.idx.msk $0xffff, v7;
	v6 =	vand.u32 $0x78, v4  }
0x26a: {  	[tilespmem:v3+s13+$0x0] =	vst.idx.msk $0xffff, v8;
	v3 =	vand.u32 $0x7, v4;
	v4 =	vadd.s32 v6, v5;
	v5 =	vmov s0  }
0x26b: {  	v8 =	vld [tilespmem:s1+$0x20];
	v9 =	vor.u32 v3, v4;
	v4 =	vmul.u32 $0x88, v5  }
0x26c: {  	v2 =	vadd.s32 v6, v2  }
0x26d: {  	v6 =	vor.u32 v3, v2;
	v10 =	vbroadcast v4, $0x0;
	v4 =	vld [tilespmem:s1+$0x30]  }
0x26e: {  	s0 =	simm.s32 $0x4  }
0x26f: {  	v7 =	vmov s0  }
0x270: {  	s8 =	simm.s32 $0x2;
	v5 =	vand.u32 $0x78, v7;
	v3 =	vadd.s32 v0, v10;
	v2 =	vadd.s32 v1, v10;
	[tilespmem:v9+s13+$0x0] =	vst.idx.msk $0xffff, v8  }
.LBB2_45:
0x271: {  	p0 =	sne.s32 s8, $0x7F  }
0x272: {  	v7 =	vand.u32 $0x4, v7;
	v8 =	vadd.s32 v5, v3;
	[tilespmem:v6+s13+$0x0] =	vst.idx.msk $0xffff, v4;
	s1 =	sadd.s32 $0x80, s1;
	s6 =	smov.u32 s8;
	s8 =	sadd.s32 $0x1, s8  }
0x273: {  	v5 =	vadd.s32 v5, v2;
	v4 =	vld [tilespmem:s1+$0xFFFFFFC0];
	v6 =	vor.u32 v7, v8  }
0x274: {  	v5 =	vor.u32 v7, v5;
	v8 =	vld [tilespmem:s1+$0xFFFFFFD0];
	_ =	sdelay $0x1  }
0x275: {  	s7 =	sadd.s32 $0x1, s0  }
0x276: {  	v7 =	vmov s7  }
0x277: {  	[tilespmem:v6+s13+$0x0] =	vst.idx.msk $0xffff, v4;
	v4 =	vand.u32 $0x78, v7  }
0x278: {  	[tilespmem:v5+s13+$0x0] =	vst.idx.msk $0xffff, v8;
	v5 =	vand.u32 $0x5, v7;
	v6 =	vadd.s32 v4, v3  }
0x279: {  	v4 =	vadd.s32 v4, v2;
	v7 =	vld [tilespmem:s1+$0xFFFFFFE0];
	v6 =	vor.u32 v5, v6  }
0x27a: {  	v4 =	vor.u32 v5, v4;
	v8 =	vld [tilespmem:s1+$0xFFFFFFF0];
	_ =	sdelay $0x1  }
0x27b: {  	s7 =	sadd.s32 $0x2, s0  }
0x27c: {  	v5 =	vmov s7  }
0x27d: {  	[tilespmem:v6+s13+$0x0] =	vst.idx.msk $0xffff, v7;
	v6 =	vand.u32 $0x78, v5  }
0x27e: {  	[tilespmem:v4+s13+$0x0] =	vst.idx.msk $0xffff, v8;
	v4 =	vand.u32 $0x6, v5;
	v5 =	vadd.s32 v6, v3  }
0x27f: {  	v6 =	vadd.s32 v6, v2;
	v7 =	vld [tilespmem:s1+$0x0];
	v5 =	vor.u32 v4, v5  }
0x280: {  	v4 =	vor.u32 v4, v6;
	v8 =	vld [tilespmem:s1+$0x10];
	_ =	sdelay $0x1  }
0x281: {  	s7 =	sadd.s32 $0x3, s0  }
0x282: {  	v6 =	vmov s7  }
0x283: {  	s6 =	sshrl.u32 s6, $0x2;
	[tilespmem:v5+s13+$0x0] =	vst.idx.msk $0xffff, v7;
	v5 =	vand.u32 $0x78, v6  }
0x284: {  	s6 =	sand.u32 $0x18, s6;
	v6 =	vand.u32 $0x7, v6;
	[tilespmem:v4+s13+$0x0] =	vst.idx.msk $0xffff, v8;
	v3 =	vadd.s32 v5, v3  }
0x285: {  	v4 =	vmov s6;
	v2 =	vadd.s32 v5, v2;
	v8 =	vld [tilespmem:s1+$0x20];
	v9 =	vor.u32 v6, v3  }
.Ltmp22:
0x286: {  	v3 =	vmul.u32 $0x88, v4;
	v6 =	vor.u32 v6, v2;
	v4 =	vld [tilespmem:s1+$0x30];
	(pc) =	sbr.rel @p0 .LBB2_45-.Ltmp22, $4  }
0x287: {  	_ = 	snop  }
0x288: {  	s0 =	sadd.s32 $0x4, s0;
	v2 =	vbroadcast v3, $0x0  }
0x289: {  	v7 =	vmov s0  }
0x28a: {  	v5 =	vand.u32 $0x78, v7;
	v3 =	vadd.s32 v0, v2;
	v2 =	vadd.s32 v1, v2;
	[tilespmem:v9+s13+$0x0] =	vst.idx.msk $0xffff, v8  }
0x28b: {  	_ =	sdelay $0x3  }
0x28c: {  	v7 =	vand.u32 $0x4, v7;
	v8 =	vadd.s32 v5, v3;
	[tilespmem:v6+s13+$0x0] =	vst.idx.msk $0xffff, v4;
	s1 =	sadd.s32 $0x80, s1  }
0x28d: {  	v48 =	vadd.s32 v5, v2;
	v4 =	vld [tilespmem:s1+$0xFFFFFFC0];
	v47 =	vor.u32 v7, v8  }
0x28e: {  	v49 =	vld [tilespmem:s1+$0xFFFFFFD0];
	v5 =	vor.u32 v7, v48;
	_ =	sdelay $0x1  }
0x28f: {  	s6 =	sadd.s32 $0x1, s0  }
0x290: {  	v50 =	vmov s6  }
0x291: {  	v51 =	vand.u32 $0x78, v50;
	[tilespmem:v47+s13+$0x0] =	vst.idx.msk $0xffff, v4  }
0x292: {  	v52 =	vand.u32 $0x5, v50;
	v53 =	vadd.s32 v51, v3;
	[tilespmem:v5+s13+$0x0] =	vst.idx.msk $0xffff, v49  }
0x293: {  	v6 =	vor.u32 v52, v53;
	v4 =	vadd.s32 v51, v2;
	v54 =	vld [tilespmem:s1+$0xFFFFFFE0]  }
0x294: {  	v4 =	vor.u32 v52, v4;
	v8 =	vld [tilespmem:s1+$0xFFFFFFF0];
	_ =	sdelay $0x1  }
0x295: {  	s25 =	sadd.s32 $0x2, s0  }
0x296: {  	v55 =	vmov s25  }
0x297: {  	v56 =	vand.u32 $0x78, v55;
	[tilespmem:v6+s13+$0x0] =	vst.idx.msk $0xffff, v54  }
0x298: {  	v57 =	vand.u32 $0x6, v55;
	v58 =	vadd.s32 v56, v3;
	[tilespmem:v4+s13+$0x0] =	vst.idx.msk $0xffff, v8  }
0x299: {  	v5 =	vor.u32 v57, v58;
	v6 =	vadd.s32 v56, v2;
	v7 =	vld [tilespmem:s1+$0x0]  }
0x29a: {  	v4 =	vor.u32 v57, v6;
	v8 =	vld [tilespmem:s1+$0x10];
	_ =	sdelay $0x1  }
0x29b: {  	s31 =	sadd.s32 $0x3, s0  }
0x29c: {  	v59 =	vmov s31  }
0x29d: {  	v60 =	vand.u32 $0x78, v59;
	[tilespmem:v5+s13+$0x0] =	vst.idx.msk $0xffff, v7  }
0x29e: {  	v61 =	vand.u32 $0x7, v59;
	v3 =	vadd.s32 v60, v3;
	[tilespmem:v4+s13+$0x0] =	vst.idx.msk $0xffff, v8  }
0x29f: {  	v3 =	vor.u32 v61, v3;
	v2 =	vadd.s32 v60, v2;
	v62 =	vld [tilespmem:s1+$0x20]  }
0x2a0: {  	v2 =	vor.u32 v61, v2;
	v63 =	vld [tilespmem:s1+$0x30];
	_ =	sdelay $0x3  }
0x2a1: {  	s0 =	simm.s32 $0x8800;
	[tilespmem:v3+s13+$0x0] =	vst.idx.msk $0xffff, v62  }
0x2a2: {  	s7 =	simm.s32 $0x8888;
	s6 =	sadd.s32 $0x0, s16;
	s1 =	simm.s32 $0x10;
	[tilespmem:v2+s13+$0x0] =	vst.idx.msk $0xffff, v63  }
.LBB2_47:
0x2a3: {  	[hbm4b:s6+s3] =	stream.linear.scatter [tilespmem:s0], [sflag:$0x5], $0x80, $0x38;
	[tilespmem:$0x13200] =	vst v63  }
0x2a4: {  	s6 =	smov.u32 s1;
	s0 =	smov.u32 s7;
	p0 =	sne.s32 s1, $0x1F0  }
.Ltmp23:
0x2a5: {  	s1 =	sadd.s32 $0x10, s1;
	(pc) =	sbr.rel @p0 .LBB2_47-.Ltmp23, $2  }
0x2a6: {  	_ =	sdelay $0x2  }
0x2a7: {  	s7 =	sadd.s32 $0x88, s7;
	s6 =	sadd.s32 s6, s16  }
0x2a8: {  	[hbm4b:s6+s3] =	stream.linear.scatter [tilespmem:s0], [sflag:$0x5], $0x80, $0x38;
	[tilespmem:$0x13200] =	vst v63  }
0x2a9: {  	s0 =	simm.s32 $0x9D40  }
0x2aa: {  	s1 =	simm.s32 $0x10;
	s6 =	sadd.s32 $0x0, s17;
	s7 =	simm.s32 $0x9DC8  }
.LBB2_49:
0x2ab: {  	[hbm4b:s6+s3] =	stream.linear.scatter [tilespmem:s0], [sflag:$0x5], $0x80, $0x38;
	[tilespmem:$0x13200] =	vst v63  }
0x2ac: {  	s6 =	smov.u32 s1;
	s0 =	smov.u32 s7;
	p0 =	sne.s32 s1, $0x1F0  }
.Ltmp24:
0x2ad: {  	s1 =	sadd.s32 $0x10, s1;
	(pc) =	sbr.rel @p0 .LBB2_49-.Ltmp24, $2  }
0x2ae: {  	_ =	sdelay $0x2  }
0x2af: {  	s7 =	sadd.s32 $0x88, s7;
	s6 =	sadd.s32 s6, s17  }
0x2b0: {  	[hbm4b:s6+s3] =	stream.linear.scatter [tilespmem:s0], [sflag:$0x5], $0x80, $0x38;
	[tilespmem:$0x13200] =	vst v63  }
0x2b1: {  	s0 =	simm.s32 $0xB280  }
0x2b2: {  	s1 =	simm.s32 $0x10;
	s6 =	sadd.s32 $0x0, s18;
	s7 =	simm.s32 $0xB308  }
.LBB2_51:
0x2b3: {  	[hbm4b:s6+s3] =	stream.linear.scatter [tilespmem:s0], [sflag:$0x5], $0x80, $0x38;
	[tilespmem:$0x13200] =	vst v63  }
0x2b4: {  	s6 =	smov.u32 s1;
	s0 =	smov.u32 s7;
	p0 =	sne.s32 s1, $0x1F0  }
.Ltmp25:
0x2b5: {  	s1 =	sadd.s32 $0x10, s1;
	(pc) =	sbr.rel @p0 .LBB2_51-.Ltmp25, $2  }
0x2b6: {  	_ =	sdelay $0x2  }
0x2b7: {  	s7 =	sadd.s32 $0x88, s7;
	s6 =	sadd.s32 s6, s18  }
0x2b8: {  	[hbm4b:s6+s3] =	stream.linear.scatter [tilespmem:s0], [sflag:$0x5], $0x80, $0x38;
	[tilespmem:$0x13200] =	vst v63  }
0x2b9: {  	s0 =	simm.s32 $0xC7C0  }
0x2ba: {  	s1 =	simm.s32 $0x10;
	s8 =	sadd.s32 $0x0, s19;
	s7 =	simm.s32 $0xC848  }
.LBB2_53:
0x2bb: {  	[hbm4b:s8+s3] =	stream.linear.scatter [tilespmem:s0], [sflag:$0x5], $0x80, $0x38;
	[tilespmem:$0x13200] =	vst v63  }
0x2bc: {  	s6 =	smov.u32 s1;
	s0 =	smov.u32 s7;
	p0 =	sne.s32 s1, $0x1F0  }
.Ltmp26:
0x2bd: {  	s1 =	sadd.s32 $0x10, s1;
	(pc) =	sbr.rel @p0 .LBB2_53-.Ltmp26, $2  }
0x2be: {  	_ =	sdelay $0x2  }
0x2bf: {  	s7 =	sadd.s32 $0x88, s7;
	s8 =	sadd.s32 s6, s19  }
0x2c0: {  	s1 =	simm.s32 $0x0  }
0x2c1: {  	s1 =	sand.u32 $0x18, s1  }
0x2c2: {  	v2 =	vmov s1  }
0x2c3: {  	v2 =	vmul.u32 $0x88, v2  }
0x2c4: {  	[hbm4b:s8+s3] =	stream.linear.scatter [tilespmem:s0], [sflag:$0x5], $0x80, $0x38;
	[tilespmem:$0x13200] =	vst v63  }
0x2c5: {  	s7 =	simm.s32 $0x0;
	v2 =	vbroadcast v2, $0x0  }
0x2c6: {  	_ =	swait.ge [sflag:s15], $0x4000;
	v3 =	vmov s7  }
0x2c7: {  	[sflag:s15] =	ssyncset.done $0x0;
	v4 =	vand.u32 $0x78, v3;
	v5 =	vadd.s32 v0, v2  }
0x2c8: {  	s1 =	simm.s32 $0x4840;
	v3 =	vand.u32 $0x4, v3;
	[sflag:s15] =	ssyncadd.s32 $0xFFFFC000;
	v2 =	vadd.s32 v1, v2;
	v6 =	vadd.s32 v4, v5  }
0x2c9: {  	v7 =	vld [tilespmem:s1+$0xFFFFFFC0];
	v4 =	vadd.s32 v4, v2;
	v6 =	vor.u32 v3, v6  }
0x2ca: {  	v8 =	vld [tilespmem:s1+$0xFFFFFFD0];
	v3 =	vor.u32 v3, v4;
	_ =	sdelay $0x1  }
0x2cb: {  	s8 =	simm.s32 $0x1  }
0x2cc: {  	v4 =	vmov s8  }
0x2cd: {  	[tilespmem:v6+s26+$0x0] =	vst.idx.msk $0xffff, v7;
	v6 =	vand.u32 $0x78, v4  }
0x2ce: {  	[tilespmem:v3+s26+$0x0] =	vst.idx.msk $0xffff, v8;
	v3 =	vand.u32 $0x5, v4;
	v4 =	vadd.s32 v6, v5  }
0x2cf: {  	v6 =	vadd.s32 v6, v2;
	v7 =	vld [tilespmem:s1+$0xFFFFFFE0];
	v4 =	vor.u32 v3, v4  }
0x2d0: {  	v8 =	vld [tilespmem:s1+$0xFFFFFFF0];
	v3 =	vor.u32 v3, v6;
	_ =	sdelay $0x1  }
0x2d1: {  	s22 =	simm.s32 $0x2  }
0x2d2: {  	v6 =	vmov s22  }
0x2d3: {  	[tilespmem:v4+s26+$0x0] =	vst.idx.msk $0xffff, v7;
	v4 =	vand.u32 $0x78, v6  }
0x2d4: {  	[tilespmem:v3+s26+$0x0] =	vst.idx.msk $0xffff, v8;
	v3 =	vand.u32 $0x6, v6;
	v6 =	vadd.s32 v4, v5  }
0x2d5: {  	v4 =	vadd.s32 v4, v2;
	v7 =	vld [tilespmem:s1+$0x0];
	v6 =	vor.u32 v3, v6  }
0x2d6: {  	v8 =	vld [tilespmem:s1+$0x10];
	v3 =	vor.u32 v3, v4;
	_ =	sdelay $0x1  }
0x2d7: {  	s25 =	simm.s32 $0x3  }
0x2d8: {  	s31 =	simm.s32 $0x0;
	v4 =	vmov s25  }
0x2d9: {  	s0 =	sand.u32 $0x18, s31;
	[tilespmem:v6+s26+$0x0] =	vst.idx.msk $0xffff, v7;
	v6 =	vand.u32 $0x78, v4  }
0x2da: {  	[tilespmem:v3+s26+$0x0] =	vst.idx.msk $0xffff, v8;
	v3 =	vand.u32 $0x7, v4;
	v4 =	vadd.s32 v6, v5;
	v5 =	vmov s0  }
0x2db: {  	v8 =	vld [tilespmem:s1+$0x20];
	v9 =	vor.u32 v3, v4;
	v4 =	vmul.u32 $0x88, v5  }
0x2dc: {  	v2 =	vadd.s32 v6, v2  }
0x2dd: {  	v6 =	vor.u32 v3, v2;
	v10 =	vbroadcast v4, $0x0;
	v4 =	vld [tilespmem:s1+$0x30]  }
0x2de: {  	s0 =	simm.s32 $0x4  }
0x2df: {  	v7 =	vmov s0  }
0x2e0: {  	s8 =	simm.s32 $0x2;
	v5 =	vand.u32 $0x78, v7;
	v3 =	vadd.s32 v0, v10;
	v2 =	vadd.s32 v1, v10;
	[tilespmem:v9+s26+$0x0] =	vst.idx.msk $0xffff, v8  }
.LBB2_55:
0x2e1: {  	p0 =	sne.s32 s8, $0x7F  }
0x2e2: {  	v7 =	vand.u32 $0x4, v7;
	v8 =	vadd.s32 v5, v3;
	[tilespmem:v6+s26+$0x0] =	vst.idx.msk $0xffff, v4;
	s1 =	sadd.s32 $0x80, s1;
	s6 =	smov.u32 s8;
	s8 =	sadd.s32 $0x1, s8  }
0x2e3: {  	v5 =	vadd.s32 v5, v2;
	v4 =	vld [tilespmem:s1+$0xFFFFFFC0];
	v6 =	vor.u32 v7, v8  }
0x2e4: {  	v5 =	vor.u32 v7, v5;
	v8 =	vld [tilespmem:s1+$0xFFFFFFD0];
	_ =	sdelay $0x1  }
0x2e5: {  	s7 =	sadd.s32 $0x1, s0  }
0x2e6: {  	v7 =	vmov s7  }
0x2e7: {  	[tilespmem:v6+s26+$0x0] =	vst.idx.msk $0xffff, v4;
	v4 =	vand.u32 $0x78, v7  }
0x2e8: {  	[tilespmem:v5+s26+$0x0] =	vst.idx.msk $0xffff, v8;
	v5 =	vand.u32 $0x5, v7;
	v6 =	vadd.s32 v4, v3  }
0x2e9: {  	v4 =	vadd.s32 v4, v2;
	v7 =	vld [tilespmem:s1+$0xFFFFFFE0];
	v6 =	vor.u32 v5, v6  }
0x2ea: {  	v4 =	vor.u32 v5, v4;
	v8 =	vld [tilespmem:s1+$0xFFFFFFF0];
	_ =	sdelay $0x1  }
0x2eb: {  	s7 =	sadd.s32 $0x2, s0  }
0x2ec: {  	v5 =	vmov s7  }
0x2ed: {  	[tilespmem:v6+s26+$0x0] =	vst.idx.msk $0xffff, v7;
	v6 =	vand.u32 $0x78, v5  }
0x2ee: {  	[tilespmem:v4+s26+$0x0] =	vst.idx.msk $0xffff, v8;
	v4 =	vand.u32 $0x6, v5;
	v5 =	vadd.s32 v6, v3  }
0x2ef: {  	v6 =	vadd.s32 v6, v2;
	v7 =	vld [tilespmem:s1+$0x0];
	v5 =	vor.u32 v4, v5  }
0x2f0: {  	v4 =	vor.u32 v4, v6;
	v8 =	vld [tilespmem:s1+$0x10];
	_ =	sdelay $0x1  }
0x2f1: {  	s7 =	sadd.s32 $0x3, s0  }
0x2f2: {  	v6 =	vmov s7  }
0x2f3: {  	s6 =	sshrl.u32 s6, $0x2;
	[tilespmem:v5+s26+$0x0] =	vst.idx.msk $0xffff, v7;
	v5 =	vand.u32 $0x78, v6  }
0x2f4: {  	s6 =	sand.u32 $0x18, s6;
	v6 =	vand.u32 $0x7, v6;
	[tilespmem:v4+s26+$0x0] =	vst.idx.msk $0xffff, v8;
	v3 =	vadd.s32 v5, v3  }
0x2f5: {  	v4 =	vmov s6;
	v2 =	vadd.s32 v5, v2;
	v8 =	vld [tilespmem:s1+$0x20];
	v9 =	vor.u32 v6, v3  }
.Ltmp27:
0x2f6: {  	v3 =	vmul.u32 $0x88, v4;
	v6 =	vor.u32 v6, v2;
	v4 =	vld [tilespmem:s1+$0x30];
	(pc) =	sbr.rel @p0 .LBB2_55-.Ltmp27, $4  }
0x2f7: {  	_ = 	snop  }
0x2f8: {  	s0 =	sadd.s32 $0x4, s0;
	v2 =	vbroadcast v3, $0x0  }
0x2f9: {  	v7 =	vmov s0  }
0x2fa: {  	v5 =	vand.u32 $0x78, v7;
	v3 =	vadd.s32 v0, v2;
	v2 =	vadd.s32 v1, v2;
	[tilespmem:v9+s26+$0x0] =	vst.idx.msk $0xffff, v8  }
0x2fb: {  	_ =	sdelay $0x3  }
0x2fc: {  	v7 =	vand.u32 $0x4, v7;
	v8 =	vadd.s32 v5, v3;
	[tilespmem:v6+s26+$0x0] =	vst.idx.msk $0xffff, v4;
	s1 =	sadd.s32 $0x80, s1  }
0x2fd: {  	v48 =	vadd.s32 v5, v2;
	v4 =	vld [tilespmem:s1+$0xFFFFFFC0];
	v47 =	vor.u32 v7, v8  }
0x2fe: {  	v49 =	vld [tilespmem:s1+$0xFFFFFFD0];
	v5 =	vor.u32 v7, v48;
	_ =	sdelay $0x1  }
0x2ff: {  	s6 =	sadd.s32 $0x1, s0  }
0x300: {  	v50 =	vmov s6  }
0x301: {  	v51 =	vand.u32 $0x78, v50;
	[tilespmem:v47+s26+$0x0] =	vst.idx.msk $0xffff, v4  }
0x302: {  	v52 =	vand.u32 $0x5, v50;
	v53 =	vadd.s32 v51, v3;
	[tilespmem:v5+s26+$0x0] =	vst.idx.msk $0xffff, v49  }
0x303: {  	v6 =	vor.u32 v52, v53;
	v4 =	vadd.s32 v51, v2;
	v54 =	vld [tilespmem:s1+$0xFFFFFFE0]  }
0x304: {  	v4 =	vor.u32 v52, v4;
	v8 =	vld [tilespmem:s1+$0xFFFFFFF0];
	_ =	sdelay $0x1  }
0x305: {  	s25 =	sadd.s32 $0x2, s0  }
0x306: {  	v55 =	vmov s25  }
0x307: {  	v56 =	vand.u32 $0x78, v55;
	[tilespmem:v6+s26+$0x0] =	vst.idx.msk $0xffff, v54  }
0x308: {  	v57 =	vand.u32 $0x6, v55;
	v58 =	vadd.s32 v56, v3;
	[tilespmem:v4+s26+$0x0] =	vst.idx.msk $0xffff, v8  }
0x309: {  	v5 =	vor.u32 v57, v58;
	v6 =	vadd.s32 v56, v2;
	v7 =	vld [tilespmem:s1+$0x0]  }
0x30a: {  	v4 =	vor.u32 v57, v6;
	v8 =	vld [tilespmem:s1+$0x10];
	_ =	sdelay $0x1  }
0x30b: {  	s31 =	sadd.s32 $0x3, s0  }
0x30c: {  	v59 =	vmov s31  }
0x30d: {  	v60 =	vand.u32 $0x78, v59;
	[tilespmem:v5+s26+$0x0] =	vst.idx.msk $0xffff, v7  }
0x30e: {  	v61 =	vand.u32 $0x7, v59;
	v3 =	vadd.s32 v60, v3;
	[tilespmem:v4+s26+$0x0] =	vst.idx.msk $0xffff, v8  }
0x30f: {  	v3 =	vor.u32 v61, v3;
	v2 =	vadd.s32 v60, v2;
	v62 =	vld [tilespmem:s1+$0x20]  }
0x310: {  	v2 =	vor.u32 v61, v2;
	v63 =	vld [tilespmem:s1+$0x30];
	_ =	sdelay $0x3  }
0x311: {  	s0 =	simm.s32 $0xDD00;
	[tilespmem:v3+s26+$0x0] =	vst.idx.msk $0xffff, v62  }
0x312: {  	s7 =	simm.s32 $0xDD88;
	s6 =	sadd.s32 $0x0, s20;
	s1 =	simm.s32 $0x10;
	[tilespmem:v2+s26+$0x0] =	vst.idx.msk $0xffff, v63  }
.LBB2_57:
0x313: {  	[hbm4b:s6+s3] =	stream.linear.scatter [tilespmem:s0], [sflag:$0x6], $0x80, $0x38;
	[tilespmem:$0x13200] =	vst v63  }
0x314: {  	s6 =	smov.u32 s1;
	s0 =	smov.u32 s7;
	p0 =	sne.s32 s1, $0x1F0  }
.Ltmp28:
0x315: {  	s1 =	sadd.s32 $0x10, s1;
	(pc) =	sbr.rel @p0 .LBB2_57-.Ltmp28, $2  }
0x316: {  	_ =	sdelay $0x2  }
0x317: {  	s7 =	sadd.s32 $0x88, s7;
	s6 =	sadd.s32 s6, s20  }
0x318: {  	[hbm4b:s6+s3] =	stream.linear.scatter [tilespmem:s0], [sflag:$0x6], $0x80, $0x38;
	[tilespmem:$0x13200] =	vst v63  }
0x319: {  	s0 =	simm.s32 $0xF240  }
0x31a: {  	s1 =	simm.s32 $0x10;
	s6 =	sadd.s32 $0x0, s23;
	s7 =	simm.s32 $0xF2C8  }
.LBB2_59:
0x31b: {  	[hbm4b:s6+s3] =	stream.linear.scatter [tilespmem:s0], [sflag:$0x6], $0x80, $0x38;
	[tilespmem:$0x13200] =	vst v63  }
0x31c: {  	s6 =	smov.u32 s1;
	s0 =	smov.u32 s7;
	p0 =	sne.s32 s1, $0x1F0  }
.Ltmp29:
0x31d: {  	s1 =	sadd.s32 $0x10, s1;
	(pc) =	sbr.rel @p0 .LBB2_59-.Ltmp29, $2  }
0x31e: {  	_ =	sdelay $0x2  }
0x31f: {  	s7 =	sadd.s32 $0x88, s7;
	s6 =	sadd.s32 s6, s23  }
0x320: {  	[hbm4b:s6+s3] =	stream.linear.scatter [tilespmem:s0], [sflag:$0x6], $0x80, $0x38;
	[tilespmem:$0x13200] =	vst v63  }
0x321: {  	s0 =	simm.s32 $0x10780  }
0x322: {  	s1 =	simm.s32 $0x10;
	s6 =	sadd.s32 $0x0, s21;
	s7 =	simm.s32 $0x10808  }
.LBB2_61:
0x323: {  	[hbm4b:s6+s3] =	stream.linear.scatter [tilespmem:s0], [sflag:$0x6], $0x80, $0x38;
	[tilespmem:$0x13200] =	vst v63  }
0x324: {  	s6 =	smov.u32 s1;
	s0 =	smov.u32 s7;
	p0 =	sne.s32 s1, $0x1F0  }
.Ltmp30:
0x325: {  	s1 =	sadd.s32 $0x10, s1;
	(pc) =	sbr.rel @p0 .LBB2_61-.Ltmp30, $2  }
0x326: {  	_ =	sdelay $0x2  }
0x327: {  	s7 =	sadd.s32 $0x88, s7;
	s6 =	sadd.s32 s6, s21  }
0x328: {  	[hbm4b:s6+s3] =	stream.linear.scatter [tilespmem:s0], [sflag:$0x6], $0x80, $0x38;
	[tilespmem:$0x13200] =	vst v63  }
0x329: {  	s0 =	simm.s32 $0x11CC0  }
0x32a: {  	s1 =	simm.s32 $0x10;
	s6 =	sadd.s32 $0x0, s24;
	s7 =	simm.s32 $0x11D48  }
.LBB2_63:
0x32b: {  	[hbm4b:s6+s3] =	stream.linear.scatter [tilespmem:s0], [sflag:$0x6], $0x80, $0x38;
	[tilespmem:$0x13200] =	vst v63  }
0x32c: {  	s6 =	smov.u32 s1;
	s0 =	smov.u32 s7;
	p0 =	sne.s32 s1, $0x1F0  }
.Ltmp31:
0x32d: {  	s1 =	sadd.s32 $0x10, s1;
	(pc) =	sbr.rel @p0 .LBB2_63-.Ltmp31, $2  }
0x32e: {  	_ =	sdelay $0x2  }
0x32f: {  	s7 =	sadd.s32 $0x88, s7;
	s6 =	sadd.s32 s6, s24  }
0x330: {  	[hbm4b:s6+s3] =	stream.linear.scatter [tilespmem:s0], [sflag:$0x6], $0x80, $0x38;
	[tilespmem:$0x13200] =	vst v63  }
0x331: {  	_ =	swait.ge [sflag:s14], $0x1000  }
0x332: {  	[sflag:s14] =	ssyncset.done $0x0  }
0x333: {  	[sflag:s14] =	ssyncadd.s32 $0xFFFFF000  }
0x334: {  	_ =	swait.ge [sflag:s14], $0x1000  }
0x335: {  	[sflag:s14] =	ssyncset.done $0x0  }
0x336: {  	[sflag:s14] =	ssyncadd.s32 $0xFFFFF000  }
0x337: {  	_ =	swait.ge [sflag:s14], $0x1000  }
0x338: {  	[sflag:s14] =	ssyncset.done $0x0  }
0x339: {  	[sflag:s14] =	ssyncadd.s32 $0xFFFFF000  }
0x33a: {  	_ =	swait.ge [sflag:s14], $0x1000  }
0x33b: {  	[sflag:s14] =	ssyncset.done $0x0  }
0x33c: {  	[sflag:s14] =	ssyncadd.s32 $0xFFFFF000  }
0x33d: {  	_ =	swait.ge [sflag:s30], $0x1000  }
0x33e: {  	[sflag:s30] =	ssyncset.done $0x0  }
0x33f: {  	[sflag:s30] =	ssyncadd.s32 $0xFFFFF000  }
0x340: {  	_ =	swait.ge [sflag:s30], $0x1000  }
0x341: {  	[sflag:s30] =	ssyncset.done $0x0  }
0x342: {  	[sflag:s30] =	ssyncadd.s32 $0xFFFFF000  }
0x343: {  	_ =	swait.ge [sflag:s30], $0x1000  }
0x344: {  	[sflag:s30] =	ssyncset.done $0x0  }
0x345: {  	[sflag:s30] =	ssyncadd.s32 $0xFFFFF000  }
0x346: {  	_ =	swait.ge [sflag:s30], $0x1000  }
0x347: {  	s1 =	rddreg [dreg:$0xc]  }
0x348: {  	s31 =	rddreg [dreg:$0xb];
	s1 =	sadd.s32 $0x1, s1  }
0x349: {  	p0 =	sne.s32 s1, s31  }
.Ltmp32:
0x34a: {  	_ = 	snop;
	(pc) =	sbr.rel @p0 .LBB2_1-.Ltmp32, $3  }
0x34b: {  	_ =	sdelay $0x1  }
0x34c: {  	[sflag:s30] =	ssyncset.done $0x0  }
0x34d: {  	[sflag:s30] =	ssyncadd.s32 $0xFFFFF000  }
0x34e: {  	_ =	sfence.sel $0x180000  }
0x34f: {  	[bflag:$0x0] =	sbarrier.arrive $0xFFFF  }
0x350: {  	_ =	strace $0x90000047  }
0x351: {  	s0 =	stileid.u32;
	[bflag:$0x2] =	sbarrier.arrive $0xFFFF  }
0x352: {  	p0 =	sne.s32 s0, $0x0;
	s0 =	rddreg [dreg:$0x2]  }
0x353: {  	s0 =	sadd.s32 @!p0 $0x100000, s0  }
0x354: {  	[sflag:s0] =	ssyncadd.tile.s32 @!p0 $0x1;
	_ =	shalt  }
.Lfunc_end2:
_tile_overlayer_lowered:
.L_overlay_start_2:
0x355: {  	(tag) =	ssettag $0x2  }
0x356: {  	s0 =	rddreg [dreg:$0x0];
	s2 =	stileid.u32  }
0x357: {  	s1 =	rddreg [dreg:$0x1];
	p0 =	sne.s32 s2, $0x0  }
0x358: {  	s3 =	rddreg [dreg:$0x2];
	[bflag:$0x3] =	sbarrier.arrive $0xFFFF;
	s2 =	simm.s32 @!p0 $0x1C07  }
0x359: {  	[timem:s3], [sflag:s2] =	dma.local @!p0 [hbm:s0], s1  }
0x35a: {  	s0 =	simm.s32 @!p0 $0x7  }
0x35b: {  	_ =	swait.ge @!p0 [sflag:s0], s1  }
0x35c: {  	s1 =	ssub.s32 @!p0 $0x0, s1;
	[sflag:s0] =	ssyncset.done @!p0 $0x0  }
0x35d: {  	[sflag:s0] =	ssyncadd.s32 @!p0 s1  }
0x35e: {  	[bflag:$0x3] =	sbarrier.arrive $0xFFFF  }
0x35f: {  	_ =	shalt  }

</sc_bundles>
